<compile_context>
chip_gen: v7x
topology: tpu7x:2x2x1
jax: 0.10.2.dev20260603
libtpu: 0.0.44.dev20260713+nightly
codegen_flags: <defaults>
</compile_context>

<pallas_src>
import jax
import jax.numpy as jnp
from jax import lax
from jax.experimental import pallas as pl
from jax.experimental.pallas import tpu as pltpu
from jax.experimental.pallas import tpu_sc as plsc

N = 10000
E = 320000
D = 128
H = 8
C = 16
HC = H * C
HH = 64
HS = HH + 16
NEG = 0.2

RB = 2000
NBLK = N // RB
EPT = E // 16
B = 80
NBATCH = EPT // B
ROWS_PER_SUB = N // 16


def _lrelu(t):
    return jnp.maximum(t, NEG * t)


def _k1_body(x_ref, wc_ref, wa_ref, hs_ref, mx_ref):
    c = pl.program_id(0)
    i = pl.program_id(1)
    hh = jnp.dot(x_ref[...], wc_ref[0], preferred_element_type=jnp.float32)
    adas = jnp.dot(x_ref[...], wa_ref[...], preferred_element_type=jnp.float32)
    hs_ref[0] = jnp.concatenate([hh, adas], axis=1)
    m = jnp.broadcast_to(jnp.max(adas, axis=0)[None, :], (8, 16))

    @pl.when(jnp.logical_and(c == 0, i == 0))
    def _():
        mx_ref[...] = jnp.full((8, 16), -1e30, jnp.float32)

    mx_ref[...] = jnp.maximum(mx_ref[...], m)


def _run_k1(x, wsplit, wa):
    return pl.pallas_call(
        _k1_body,
        grid=(2, NBLK),
        in_specs=[
            pl.BlockSpec((RB, D), lambda c, i: (i, 0)),
            pl.BlockSpec((1, D, HH), lambda c, i: (c, 0, 0)),
            pl.BlockSpec((D, 16), lambda c, i: (0, 0)),
        ],
        out_specs=[
            pl.BlockSpec((1, RB, HS), lambda c, i: (c, i, 0)),
            pl.BlockSpec((8, 16), lambda c, i: (0, 0)),
        ],
        out_shape=[
            jax.ShapeDtypeStruct((2, N, HS), jnp.float32),
            jax.ShapeDtypeStruct((8, 16), jnp.float32),
        ],
    )(x, wsplit, wa)


def _k2_body(hs_ref, mx_ref, t1_ref, ps_ref):
    adas = hs_ref[0][:, HH:]
    ad = adas[:, :H]
    asr = adas[:, H:]
    amax = jnp.max(mx_ref[...], axis=0)[H:]
    u = _lrelu(ad + amax[None, :])
    t1_ref[...] = jnp.concatenate([ad, u], axis=1)
    ps_ref[...] = jnp.exp(_lrelu(ad + asr) - u)


def _run_k2(hs, mx):
    return pl.pallas_call(
        _k2_body,
        grid=(NBLK,),
        in_specs=[
            pl.BlockSpec((1, RB, HS), lambda i: (0, i, 0)),
            pl.BlockSpec((8, 16), lambda i: (0, 0)),
        ],
        out_specs=[
            pl.BlockSpec((RB, 16), lambda i: (i, 0)),
            pl.BlockSpec((RB, H), lambda i: (i, 0)),
        ],
        out_shape=[
            jax.ShapeDtypeStruct((N, 16), jnp.float32),
            jax.ShapeDtypeStruct((N, H), jnp.float32),
        ],
    )(hs, mx)


def _vperm(vec, idx):
    dn = lax.GatherDimensionNumbers(offset_dims=(), collapsed_slice_dims=(0,),
                                    start_index_map=(0,))
    return lax.gather(vec, idx[:, None], dn, (1,),
                      mode=lax.GatherScatterMode.PROMISE_IN_BOUNDS)


def _splat(x):
    return jnp.broadcast_to(x, (16,)).astype(jnp.int32)


def _sc_body(src_hbm, dst_hbm, hsA_hbm, hsB_hbm, t1_hbm,
             acc_out, asum_out,
             srcv0, srcv1, dstv0, dstv1, hwv0, hwv1, t1v0, t1v1,
             msgv0, msgv1, pv0, pv1, dstsc0, dstsc1, fv, zbig, zsmall,
             acc_sh, asum_sh, semG0, semG1, semI0, semI1, semS0, semS1):
    cid = lax.axis_index("c")
    sid = lax.axis_index("s")

    iota = lax.iota(jnp.int32, 16)
    col8p8 = jnp.bitwise_and(iota, 7) + 8
    z16 = jnp.zeros((16,), jnp.float32)

    @pl.loop(0, 125)
    def _(r):
        for c in range(HH // 16):
            zbig[r, pl.ds(c * 16, 16)] = z16

    @pl.loop(0, ROWS_PER_SUB)
    def _(r):
        zsmall[r] = z16

    for r in range(5):
        pltpu.sync_copy(zbig, acc_sh.at[pl.ds(sid * ROWS_PER_SUB + r * 125, 125)])
    pltpu.sync_copy(zsmall, asum_sh.at[pl.ds(sid * ROWS_PER_SUB, ROWS_PER_SUB)])
    plsc.subcore_barrier()

    srcv = (srcv0, srcv1)
    dstv = (dstv0, dstv1)
    hwv = (hwv0, hwv1)
    t1v = (t1v0, t1v1)
    pv = (pv0, pv1)
    msgv = (msgv0, msgv1)
    dstsc = (dstsc0, dstsc1)
    semG = (semG0, semG1)
    semI = (semI0, semI1)
    semS = (semS0, semS1)

    def idx_copy(k, g):
        base = sid * EPT + g * B
        pltpu.async_copy(src_hbm.at[pl.ds(base, B)], srcv[k], semI[k])
        pltpu.async_copy(dst_hbm.at[pl.ds(base, B)], dstv[k], semI[k])

    def wait_idx(k):
        pltpu.make_async_copy(src_hbm.at[pl.ds(0, B)], srcv[k], semI[k]).wait()
        pltpu.make_async_copy(dst_hbm.at[pl.ds(0, B)], dstv[k], semI[k]).wait()

    def fire_gathers(k):
        @pl.when(cid == 0)
        def _():
            pltpu.async_copy(hsA_hbm.at[srcv[k]], hwv[k], semG[k])

        @pl.when(cid == 1)
        def _():
            pltpu.async_copy(hsB_hbm.at[srcv[k]], hwv[k], semG[k])

        pltpu.async_copy(t1_hbm.at[dstv[k]], t1v[k], semG[k])

    def wait_gathers(k):
        pltpu.make_async_copy(hsA_hbm.at[srcv[k]], hwv[k], semG[k]).wait()
        pltpu.make_async_copy(t1_hbm.at[dstv[k]], t1v[k], semG[k]).wait()

    def wait_scatters(k):
        pltpu.make_async_copy(msgv[k], acc_sh.at[dstsc[k]], semS[k]).wait()

        @pl.when(cid == 0)
        def _():
            pltpu.make_async_copy(pv[k], asum_sh.at[dstsc[k]], semS[k]).wait()

    def consume(k, g, nextg):
        wait_gathers(k)

        @pl.when(g >= 2)
        def _():
            wait_scatters(k)

        for off in range(0, B, 16):
            dstsc[k][pl.ds(off, 16)] = dstv[k][pl.ds(off, 16)]

        for off in list(range(0, B - 16, 16)) + [B - 16]:
            sv = srcv[k][pl.ds(off, 16)]
            dv = dstv[k][pl.ds(off, 16)]
            fv[pl.ds(off, 16)] = jnp.where(sv == dv, 0.0, 1.0)

        @pl.when(nextg < NBATCH)
        def _():
            idx_copy(k, nextg)

        @plsc.parallel_loop(0, B, unroll=8)
        def _(e):
            t1row = t1v[k][e]
            adrow = hwv[k][e, pl.ds(HH, 16)]
            asr = _vperm(adrow, col8p8)
            u = _vperm(t1row, col8p8)
            off = pl.multiple_of(jnp.minimum((e // 16) * 16, B - 16), 8)
            fbase = fv[pl.ds(off, 16)]
            f = _vperm(fbase, _splat(e - off))
            t = t1row + asr
            p = jnp.exp(jnp.maximum(t, NEG * t) - u) * f
            pv[k][e] = p
            for hh in range(HH // 16):
                s = _vperm(p, _splat(4 * cid + hh))
                msgv[k][e, pl.ds(hh * 16, 16)] = (
                    hwv[k][e, pl.ds(hh * 16, 16)] * s)

        @pl.when(cid == 0)
        def _():
            pltpu.async_copy(pv[k], asum_sh.at[dstsc[k]], semS[k], add=True)

        pltpu.async_copy(msgv[k], acc_sh.at[dstsc[k]], semS[k], add=True)

        @pl.when(nextg < NBATCH)
        def _():
            wait_idx(k)
            fire_gathers(k)

    idx_copy(0, 0)
    idx_copy(1, 1)
    wait_idx(0)
    fire_gathers(0)
    wait_idx(1)
    fire_gathers(1)

    @pl.loop(0, NBATCH, step=2)
    def _pair(g):
        consume(0, g, g + 2)
        consume(1, g + 1, g + 3)

    wait_scatters(0)
    wait_scatters(1)

    plsc.subcore_barrier()
    r0 = sid * ROWS_PER_SUB
    pltpu.sync_copy(acc_sh.at[pl.ds(r0, ROWS_PER_SUB)],
                    acc_out.at[cid].at[pl.ds(r0, ROWS_PER_SUB)])

    @pl.when(cid == 0)
    def _():
        pltpu.sync_copy(asum_sh.at[pl.ds(r0, ROWS_PER_SUB)],
                        asum_out.at[pl.ds(r0, ROWS_PER_SUB)])


def _run_sc(srcE, dstE, hsA, hsB, t1):
    mesh = plsc.VectorSubcoreMesh(core_axis_name="c", subcore_axis_name="s")
    f = pl.kernel(
        _sc_body,
        out_type=[
            jax.ShapeDtypeStruct((2, N, HH), jnp.float32),
            jax.ShapeDtypeStruct((N, 16), jnp.float32),
        ],
        mesh=mesh,
        compiler_params=pltpu.CompilerParams(use_tc_tiling_on_sc=False),
        scratch_types=[
            pltpu.VMEM((B,), jnp.int32),
            pltpu.VMEM((B,), jnp.int32),
            pltpu.VMEM((B,), jnp.int32),
            pltpu.VMEM((B,), jnp.int32),
            pltpu.VMEM((B, HS), jnp.float32),
            pltpu.VMEM((B, HS), jnp.float32),
            pltpu.VMEM((B, 16), jnp.float32),
            pltpu.VMEM((B, 16), jnp.float32),
            pltpu.VMEM((B, HH), jnp.float32),
            pltpu.VMEM((B, HH), jnp.float32),
            pltpu.VMEM((B, 16), jnp.float32),
            pltpu.VMEM((B, 16), jnp.float32),
            pltpu.VMEM((B,), jnp.int32),
            pltpu.VMEM((B,), jnp.int32),
            pltpu.VMEM((B,), jnp.float32),
            pltpu.VMEM((125, HH), jnp.float32),
            pltpu.VMEM((ROWS_PER_SUB, 16), jnp.float32),
            pltpu.VMEM_SHARED((N, HH), jnp.float32),
            pltpu.VMEM_SHARED((N, 16), jnp.float32),
            pltpu.SemaphoreType.DMA,
            pltpu.SemaphoreType.DMA,
            pltpu.SemaphoreType.DMA,
            pltpu.SemaphoreType.DMA,
            pltpu.SemaphoreType.DMA,
            pltpu.SemaphoreType.DMA,
        ],
    )
    return f(srcE, dstE, hsA, hsB, t1)


def _k3_body(a0_ref, a1_ref, s_ref, ps_ref, hsA_ref, hsB_ref, r_ref, b_ref,
             out_ref):
    ps = ps_ref[...]
    den = s_ref[...][:, :H] + ps
    den_e = jnp.dot(den, r_ref[...], preferred_element_type=jnp.float32) + 1e-16
    ps_e = jnp.dot(ps, r_ref[...], preferred_element_type=jnp.float32)
    h = jnp.concatenate([hsA_ref[0][:, :HH], hsB_ref[0][:, :HH]], axis=1)
    acc = jnp.concatenate([a0_ref[0], a1_ref[0]], axis=1)
    num = acc + ps_e * h
    out_ref[...] = num / den_e + b_ref[...]


def _k3_call(acc, asum, ps, hs, rmat, bias2d):
    return pl.pallas_call(
        _k3_body,
        grid=(NBLK,),
        in_specs=[
            pl.BlockSpec((1, RB, HH), lambda i: (0, i, 0)),
            pl.BlockSpec((1, RB, HH), lambda i: (1, i, 0)),
            pl.BlockSpec((RB, 16), lambda i: (i, 0)),
            pl.BlockSpec((RB, H), lambda i: (i, 0)),
            pl.BlockSpec((1, RB, HS), lambda i: (0, i, 0)),
            pl.BlockSpec((1, RB, HS), lambda i: (1, i, 0)),
            pl.BlockSpec((H, HC), lambda i: (0, 0)),
            pl.BlockSpec((1, HC), lambda i: (0, 0)),
        ],
        out_specs=pl.BlockSpec((RB, HC), lambda i: (i, 0)),
        out_shape=jax.ShapeDtypeStruct((N, HC), jnp.float32),
    )(acc, acc, asum, ps, hs, hs, rmat, bias2d)


def kernel(x, edge_index, weight, att, bias):
    att2 = att.reshape(H, 2 * C)
    amat = jnp.zeros((HC, 16), jnp.float32)
    rows = jnp.arange(HC)
    amat = amat.at[rows, rows // C].set(att2[:, :C].reshape(-1))
    amat = amat.at[rows, 8 + rows // C].set(att2[:, C:].reshape(-1))
    wa = jnp.dot(weight, amat)
    wsplit = weight.reshape(D, 2, HH).transpose(1, 0, 2)
    rmat = jnp.kron(jnp.eye(H, dtype=jnp.float32),
                    jnp.ones((1, C), jnp.float32))
    bias2d = bias.reshape(1, HC)
    srcE = edge_index[0]
    dstE = edge_index[1]

    hs, mx = _run_k1(x, wsplit, wa)
    t1, ps = _run_k2(hs, mx)
    acc, asum = _run_sc(srcE, dstE, hs[0], hs[1], t1)
    out = _k3_call(acc, asum, ps, hs, rmat, bias2d)
    return out

# --- scband reference (transcript-rebuilt; emitter-appended) ---
"""Pipeline reference for scband-geo-layer-2388001817296 (READ-ONLY COPY).

The authoritative reference and input builder live on the scoring server;
editing this copy changes nothing except your own understanding.
"""

import jax, jax.numpy as jnp
import numpy as np

N = 10000
E = 320000
D = 128
H = 8
C = 16
NEG_SLOPE = 0.2


def _glorot(key, shape):
    stdv = float(np.sqrt(6.0 / (shape[-2] + shape[-1])))
    return jax.random.uniform(key, shape, dtype=jnp.float32, minval=-stdv, maxval=stdv)


def setup_inputs(seed: int = 0):
    key = jax.random.key(seed)
    k1, k2, k3, k4 = jax.random.split(key, 4)
    x = jax.random.normal(k1, (N, D), dtype=jnp.float32)
    edge_index = jax.random.randint(k2, (2, E), 0, N, dtype=jnp.int32)
    weight = _glorot(k3, (D, H * C))
    att = _glorot(k4, (1, H, 2 * C))
    bias = jnp.zeros((H * C,), dtype=jnp.float32)
    return {"x": x, "edge_index": edge_index, "weight": weight, "att": att, "bias": bias}


def _prep_edges(edge_index, num_nodes):
    # GeoLayer.forward: dgl.remove_self_loop then dgl.add_self_loop
    src = edge_index[0]
    dst = edge_index[1]
    valid = src != dst
    loop = jnp.arange(num_nodes, dtype=src.dtype)
    src = jnp.concatenate([src, loop])
    dst = jnp.concatenate([dst, loop])
    mask = jnp.concatenate([valid, jnp.ones((num_nodes,), dtype=jnp.bool_)])
    return src, dst, mask


def reference(x, edge_index, weight, att, bias):
    num_nodes = x.shape[0]
    src, dst, mask = _prep_edges(edge_index, num_nodes)
    # x = mm(x, weight).view(-1, heads, out_channels)
    h = jnp.dot(x, weight).reshape(-1, H, C)
    # propagate: gather endpoint features per edge
    x_i = h[dst]  # [E + N, H, C]
    x_j = h[src]  # [E + N, H, C]
    # att_type == 'gat': alpha = (cat([x_i, x_j], -1) * att).sum(-1)
    alpha = jnp.sum(jnp.concatenate([x_i, x_j], axis=-1) * att, axis=-1)  # [E + N, H]
    alpha = jax.nn.leaky_relu(alpha, negative_slope=NEG_SLOPE)
    alpha = jnp.where(mask[:, None], alpha, -jnp.inf)
    # softmax over edges grouped by destination node (index = edge_index[1])
    amax = jax.ops.segment_max(alpha, dst, num_segments=num_nodes)[dst]
    ealpha = jnp.where(mask[:, None], jnp.exp(alpha - amax), 0.0)
    asum = jax.ops.segment_sum(ealpha, dst, num_segments=num_nodes)[dst]
    alpha = ealpha / (asum + 1e-16)
    # agg_type 'sum' -> 'add': scatter-add messages to dst
    msg = x_j * alpha[:, :, None]
    out = jax.ops.segment_sum(msg, dst, num_segments=num_nodes)  # [N, H, C]
    # concat=True: reshape to [N, H*C] and add bias
    out = out.reshape(num_nodes, H * C) + bias
    return out

if __name__ == "__main__":
    import jax
    _d = setup_inputs()
    print(jax.jit(kernel)(*tuple(_d.values())))

</pallas_src>

<mosaic_0001>
#map = affine_map<(d0, d1) -> (0)>
#map1 = affine_map<(d0, d1) -> (0, 0)>
#map2 = affine_map<(d0, d1) -> (0, 0, 0)>
module attributes {stable_mosaic.version = 14 : i64} {
  func.func @_sc_body(%arg0: i32, %arg1: i32, %arg2: memref<320000xi32, #tpu.memory_space<hbm>>, %arg3: memref<320000xi32, #tpu.memory_space<hbm>>, %arg4: memref<10000x80xf32, #tpu.memory_space<hbm>>, %arg5: memref<10000x80xf32, #tpu.memory_space<hbm>>, %arg6: memref<10000x16xf32, #tpu.memory_space<hbm>>, %arg7: memref<2x10000x64xf32, #tpu.memory_space<hbm>>, %arg8: memref<10000x16xf32, #tpu.memory_space<hbm>>, %arg9: memref<80xi32, #tpu.memory_space<vmem>>, %arg10: memref<80xi32, #tpu.memory_space<vmem>>, %arg11: memref<80xi32, #tpu.memory_space<vmem>>, %arg12: memref<80xi32, #tpu.memory_space<vmem>>, %arg13: memref<80x80xf32, #tpu.memory_space<vmem>>, %arg14: memref<80x80xf32, #tpu.memory_space<vmem>>, %arg15: memref<80x16xf32, #tpu.memory_space<vmem>>, %arg16: memref<80x16xf32, #tpu.memory_space<vmem>>, %arg17: memref<80x64xf32, #tpu.memory_space<vmem>>, %arg18: memref<80x64xf32, #tpu.memory_space<vmem>>, %arg19: memref<80x16xf32, #tpu.memory_space<vmem>>, %arg20: memref<80x16xf32, #tpu.memory_space<vmem>>, %arg21: memref<80xi32, #tpu.memory_space<vmem>>, %arg22: memref<80xi32, #tpu.memory_space<vmem>>, %arg23: memref<80xf32, #tpu.memory_space<vmem>>, %arg24: memref<125x64xf32, #tpu.memory_space<vmem>>, %arg25: memref<625x16xf32, #tpu.memory_space<vmem>>, %arg26: memref<10000x64xf32, #tpu.memory_space<vmem_shared>>, %arg27: memref<10000x16xf32, #tpu.memory_space<vmem_shared>>, %arg28: memref<!tpu.dma_semaphore, #tpu.memory_space<semaphore_mem>>, %arg29: memref<!tpu.dma_semaphore, #tpu.memory_space<semaphore_mem>>, %arg30: memref<!tpu.dma_semaphore, #tpu.memory_space<semaphore_mem>>, %arg31: memref<!tpu.dma_semaphore, #tpu.memory_space<semaphore_mem>>, %arg32: memref<!tpu.dma_semaphore, #tpu.memory_space<semaphore_mem>>, %arg33: memref<!tpu.dma_semaphore, #tpu.memory_space<semaphore_mem>>) attributes {dimension_semantics = [#tpu.dimension_semantics<core_parallel>, #tpu.dimension_semantics<subcore_parallel>], iteration_bounds = array<i64: 2, 16>, scalar_prefetch = 0 : i64, scratch_operands = 25 : i64, tpu.core_type = #tpu.core_type<sc_vector_subcore>, window_params = [{transform_indices = #map}, {transform_indices = #map}, {transform_indices = #map1}, {transform_indices = #map1}, {transform_indices = #map1}, {transform_indices = #map2}, {transform_indices = #map1}]} {
    %iota3A = tpu.iota {dimensions = array<i32: 0>} : vector<16xi32>
    %and3A = arith.constant 7 : i32
    %and3A_0 = vector.broadcast %and3A : i32 to vector<16xi32>
    %and3A_1 = arith.andi %iota3A, %and3A_0 : vector<16xi32>
    %add3A = arith.constant 8 : i32
    %add3A_2 = vector.broadcast %add3A : i32 to vector<16xi32>
    %add3A_3 = arith.addi %and3A_1, %add3A_2 : vector<16xi32>
    %broadcast_in_dim3A = arith.constant 0.000000e+00 : f32
    %broadcast_in_dim3A_4 = vector.broadcast %broadcast_in_dim3A : f32 to vector<16xf32>
    %scan3A = arith.constant 0 : i32
    %scan3A_5 = arith.constant 125 : i32
    %scan3A_6 = arith.addi %scan3A, %scan3A_5 : i32
    %scan3A_7 = arith.constant 1 : i32
    scf.for %scan3A_117 = %scan3A to %scan3A_6 step %scan3A_7  : i32 {
      %mul3A_118 = arith.constant 1 : i32
      %mul3A_119 = arith.muli %scan3A_117, %mul3A_118 : i32
      %add3A_120 = arith.constant 0 : i32
      %add3A_121 = arith.addi %add3A_120, %mul3A_119 : i32
      %swap3A = arith.index_cast %add3A_121 : i32 to index
      %swap3A_122 = arith.constant 0 : index
      %swap3A_123 = tpu.vector_load %arg24[%swap3A, %swap3A_122] {strides = array<i32>} : memref<125x64xf32, #tpu.memory_space<vmem>>, vector<1x16xf32>,
      %swap3A_124 = vector.shape_cast %swap3A_123 : vector<1x16xf32> to vector<16xf32>
      %swap3A_125 = vector.shape_cast %broadcast_in_dim3A_4 : vector<16xf32> to vector<1x16xf32>
      tpu.vector_store %arg24[%swap3A, %swap3A_122], %swap3A_125 {strides = array<i32>} : memref<125x64xf32, #tpu.memory_space<vmem>>, vector<1x16xf32>,
      %swap3A_126 = arith.index_cast %add3A_121 : i32 to index
      %swap3A_127 = arith.constant 16 : index
      %swap3A_128 = tpu.vector_load %arg24[%swap3A_126, %swap3A_127] {strides = array<i32>} : memref<125x64xf32, #tpu.memory_space<vmem>>, vector<1x16xf32>,
      %swap3A_129 = vector.shape_cast %swap3A_128 : vector<1x16xf32> to vector<16xf32>
      %swap3A_130 = vector.shape_cast %broadcast_in_dim3A_4 : vector<16xf32> to vector<1x16xf32>
      tpu.vector_store %arg24[%swap3A_126, %swap3A_127], %swap3A_130 {strides = array<i32>} : memref<125x64xf32, #tpu.memory_space<vmem>>, vector<1x16xf32>,
      %swap3A_131 = arith.index_cast %add3A_121 : i32 to index
      %swap3A_132 = arith.constant 32 : index
      %swap3A_133 = tpu.vector_load %arg24[%swap3A_131, %swap3A_132] {strides = array<i32>} : memref<125x64xf32, #tpu.memory_space<vmem>>, vector<1x16xf32>,
      %swap3A_134 = vector.shape_cast %swap3A_133 : vector<1x16xf32> to vector<16xf32>
      %swap3A_135 = vector.shape_cast %broadcast_in_dim3A_4 : vector<16xf32> to vector<1x16xf32>
      tpu.vector_store %arg24[%swap3A_131, %swap3A_132], %swap3A_135 {strides = array<i32>} : memref<125x64xf32, #tpu.memory_space<vmem>>, vector<1x16xf32>,
      %swap3A_136 = arith.index_cast %add3A_121 : i32 to index
      %swap3A_137 = arith.constant 48 : index
      %swap3A_138 = tpu.vector_load %arg24[%swap3A_136, %swap3A_137] {strides = array<i32>} : memref<125x64xf32, #tpu.memory_space<vmem>>, vector<1x16xf32>,
      %swap3A_139 = vector.shape_cast %swap3A_138 : vector<1x16xf32> to vector<16xf32>
      %swap3A_140 = vector.shape_cast %broadcast_in_dim3A_4 : vector<16xf32> to vector<1x16xf32>
      tpu.vector_store %arg24[%swap3A_136, %swap3A_137], %swap3A_140 {strides = array<i32>} : memref<125x64xf32, #tpu.memory_space<vmem>>, vector<1x16xf32>,
    }
    %scan3A_8 = arith.constant 125 : i32
    %scan3A_9 = arith.constant 0 : i32
    %scan3A_10 = arith.constant 625 : i32
    %scan3A_11 = arith.addi %scan3A_9, %scan3A_10 : i32
    %scan3A_12 = arith.constant 1 : i32
    scf.for %scan3A_117 = %scan3A_9 to %scan3A_11 step %scan3A_12  : i32 {
      %mul3A_118 = arith.constant 1 : i32
      %mul3A_119 = arith.muli %scan3A_117, %mul3A_118 : i32
      %add3A_120 = arith.constant 0 : i32
      %add3A_121 = arith.addi %add3A_120, %mul3A_119 : i32
      %swap3A = arith.index_cast %add3A_121 : i32 to index
      %swap3A_122 = arith.constant 0 : index
      %swap3A_123 = tpu.vector_load %arg25[%swap3A, %swap3A_122] {strides = array<i32>} : memref<625x16xf32, #tpu.memory_space<vmem>>, vector<1x16xf32>,
      %swap3A_124 = vector.shape_cast %swap3A_123 : vector<1x16xf32> to vector<16xf32>
      %swap3A_125 = vector.shape_cast %broadcast_in_dim3A_4 : vector<16xf32> to vector<1x16xf32>
      tpu.vector_store %arg25[%swap3A, %swap3A_122], %swap3A_125 {strides = array<i32>} : memref<625x16xf32, #tpu.memory_space<vmem>>, vector<1x16xf32>,
    }
    %scan3A_13 = arith.constant 625 : i32
    %mul3A = arith.constant 625 : i32
    %mul3A_14 = arith.muli %arg1, %mul3A : i32
    %add3A_15 = arith.constant 0 : i32
    %add3A_16 = arith.addi %mul3A_14, %add3A_15 : i32
    "tpu.region"() ({
      %run_scoped3A = tpu.sem_alloc : memref<!tpu.dma_semaphore, #tpu.memory_space<semaphore_mem>>
      %dma_start3A_117 = arith.constant 0 : i32
      %dma_start3A_118 = tpu.memref_slice %arg26[%add3A_16, %dma_start3A_117] : memref<10000x64xf32, #tpu.memory_space<vmem_shared>> -> memref<125x64xf32, #tpu.memory_space<vmem_shared>>
      %dma_start3A_119 = arith.constant 0 : i32
      %dma_start3A_120 = tpu.memref_slice %arg26[%add3A_16, %dma_start3A_119] : memref<10000x64xf32, #tpu.memory_space<vmem_shared>> -> memref<125x64xf32, #tpu.memory_space<vmem_shared>>
      tpu.enqueue_dma source(%arg24 : memref<125x64xf32, #tpu.memory_space<vmem>>) target(%dma_start3A_120 : memref<125x64xf32, #tpu.memory_space<vmem_shared>>) target_semaphore(%run_scoped3A : memref<!tpu.dma_semaphore, #tpu.memory_space<semaphore_mem>>)
      %dma_wait3A_121 = arith.constant 0 : i32
      %dma_wait3A_122 = tpu.memref_slice %arg26[%add3A_16, %dma_wait3A_121] : memref<10000x64xf32, #tpu.memory_space<vmem_shared>> -> memref<125x64xf32, #tpu.memory_space<vmem_shared>>
      %dma_wait3A_123 = arith.constant 0 : i32
      %dma_wait3A_124 = tpu.memref_slice %arg26[%add3A_16, %dma_wait3A_123] : memref<10000x64xf32, #tpu.memory_space<vmem_shared>> -> memref<125x64xf32, #tpu.memory_space<vmem_shared>>
      tpu.wait_dma2 semaphore(%run_scoped3A : memref<!tpu.dma_semaphore, #tpu.memory_space<semaphore_mem>>) src(%arg24 : memref<125x64xf32, #tpu.memory_space<vmem>>) dst(%dma_wait3A_124 : memref<125x64xf32, #tpu.memory_space<vmem_shared>>)
      tpu.yield
    }) : () -> ()
    %mul3A_17 = arith.constant 625 : i32
    %mul3A_18 = arith.muli %arg1, %mul3A_17 : i32
    %add3A_19 = arith.constant 125 : i32
    %add3A_20 = arith.addi %mul3A_18, %add3A_19 : i32
    "tpu.region"() ({
      %run_scoped3A = tpu.sem_alloc : memref<!tpu.dma_semaphore, #tpu.memory_space<semaphore_mem>>
      %dma_start3A_117 = arith.constant 0 : i32
      %dma_start3A_118 = tpu.memref_slice %arg26[%add3A_20, %dma_start3A_117] : memref<10000x64xf32, #tpu.memory_space<vmem_shared>> -> memref<125x64xf32, #tpu.memory_space<vmem_shared>>
      %dma_start3A_119 = arith.constant 0 : i32
      %dma_start3A_120 = tpu.memref_slice %arg26[%add3A_20, %dma_start3A_119] : memref<10000x64xf32, #tpu.memory_space<vmem_shared>> -> memref<125x64xf32, #tpu.memory_space<vmem_shared>>
      tpu.enqueue_dma source(%arg24 : memref<125x64xf32, #tpu.memory_space<vmem>>) target(%dma_start3A_120 : memref<125x64xf32, #tpu.memory_space<vmem_shared>>) target_semaphore(%run_scoped3A : memref<!tpu.dma_semaphore, #tpu.memory_space<semaphore_mem>>)
      %dma_wait3A_121 = arith.constant 0 : i32
      %dma_wait3A_122 = tpu.memref_slice %arg26[%add3A_20, %dma_wait3A_121] : memref<10000x64xf32, #tpu.memory_space<vmem_shared>> -> memref<125x64xf32, #tpu.memory_space<vmem_shared>>
      %dma_wait3A_123 = arith.constant 0 : i32
      %dma_wait3A_124 = tpu.memref_slice %arg26[%add3A_20, %dma_wait3A_123] : memref<10000x64xf32, #tpu.memory_space<vmem_shared>> -> memref<125x64xf32, #tpu.memory_space<vmem_shared>>
      tpu.wait_dma2 semaphore(%run_scoped3A : memref<!tpu.dma_semaphore, #tpu.memory_space<semaphore_mem>>) src(%arg24 : memref<125x64xf32, #tpu.memory_space<vmem>>) dst(%dma_wait3A_124 : memref<125x64xf32, #tpu.memory_space<vmem_shared>>)
      tpu.yield
    }) : () -> ()
    %mul3A_21 = arith.constant 625 : i32
    %mul3A_22 = arith.muli %arg1, %mul3A_21 : i32
    %add3A_23 = arith.constant 250 : i32
    %add3A_24 = arith.addi %mul3A_22, %add3A_23 : i32
    "tpu.region"() ({
      %run_scoped3A = tpu.sem_alloc : memref<!tpu.dma_semaphore, #tpu.memory_space<semaphore_mem>>
      %dma_start3A_117 = arith.constant 0 : i32
      %dma_start3A_118 = tpu.memref_slice %arg26[%add3A_24, %dma_start3A_117] : memref<10000x64xf32, #tpu.memory_space<vmem_shared>> -> memref<125x64xf32, #tpu.memory_space<vmem_shared>>
      %dma_start3A_119 = arith.constant 0 : i32
      %dma_start3A_120 = tpu.memref_slice %arg26[%add3A_24, %dma_start3A_119] : memref<10000x64xf32, #tpu.memory_space<vmem_shared>> -> memref<125x64xf32, #tpu.memory_space<vmem_shared>>
      tpu.enqueue_dma source(%arg24 : memref<125x64xf32, #tpu.memory_space<vmem>>) target(%dma_start3A_120 : memref<125x64xf32, #tpu.memory_space<vmem_shared>>) target_semaphore(%run_scoped3A : memref<!tpu.dma_semaphore, #tpu.memory_space<semaphore_mem>>)
      %dma_wait3A_121 = arith.constant 0 : i32
      %dma_wait3A_122 = tpu.memref_slice %arg26[%add3A_24, %dma_wait3A_121] : memref<10000x64xf32, #tpu.memory_space<vmem_shared>> -> memref<125x64xf32, #tpu.memory_space<vmem_shared>>
      %dma_wait3A_123 = arith.constant 0 : i32
      %dma_wait3A_124 = tpu.memref_slice %arg26[%add3A_24, %dma_wait3A_123] : memref<10000x64xf32, #tpu.memory_space<vmem_shared>> -> memref<125x64xf32, #tpu.memory_space<vmem_shared>>
      tpu.wait_dma2 semaphore(%run_scoped3A : memref<!tpu.dma_semaphore, #tpu.memory_space<semaphore_mem>>) src(%arg24 : memref<125x64xf32, #tpu.memory_space<vmem>>) dst(%dma_wait3A_124 : memref<125x64xf32, #tpu.memory_space<vmem_shared>>)
      tpu.yield
    }) : () -> ()
    %mul3A_25 = arith.constant 625 : i32
    %mul3A_26 = arith.muli %arg1, %mul3A_25 : i32
    %add3A_27 = arith.constant 375 : i32
    %add3A_28 = arith.addi %mul3A_26, %add3A_27 : i32
    "tpu.region"() ({
      %run_scoped3A = tpu.sem_alloc : memref<!tpu.dma_semaphore, #tpu.memory_space<semaphore_mem>>
      %dma_start3A_117 = arith.constant 0 : i32
      %dma_start3A_118 = tpu.memref_slice %arg26[%add3A_28, %dma_start3A_117] : memref<10000x64xf32, #tpu.memory_space<vmem_shared>> -> memref<125x64xf32, #tpu.memory_space<vmem_shared>>
      %dma_start3A_119 = arith.constant 0 : i32
      %dma_start3A_120 = tpu.memref_slice %arg26[%add3A_28, %dma_start3A_119] : memref<10000x64xf32, #tpu.memory_space<vmem_shared>> -> memref<125x64xf32, #tpu.memory_space<vmem_shared>>
      tpu.enqueue_dma source(%arg24 : memref<125x64xf32, #tpu.memory_space<vmem>>) target(%dma_start3A_120 : memref<125x64xf32, #tpu.memory_space<vmem_shared>>) target_semaphore(%run_scoped3A : memref<!tpu.dma_semaphore, #tpu.memory_space<semaphore_mem>>)
      %dma_wait3A_121 = arith.constant 0 : i32
      %dma_wait3A_122 = tpu.memref_slice %arg26[%add3A_28, %dma_wait3A_121] : memref<10000x64xf32, #tpu.memory_space<vmem_shared>> -> memref<125x64xf32, #tpu.memory_space<vmem_shared>>
      %dma_wait3A_123 = arith.constant 0 : i32
      %dma_wait3A_124 = tpu.memref_slice %arg26[%add3A_28, %dma_wait3A_123] : memref<10000x64xf32, #tpu.memory_space<vmem_shared>> -> memref<125x64xf32, #tpu.memory_space<vmem_shared>>
      tpu.wait_dma2 semaphore(%run_scoped3A : memref<!tpu.dma_semaphore, #tpu.memory_space<semaphore_mem>>) src(%arg24 : memref<125x64xf32, #tpu.memory_space<vmem>>) dst(%dma_wait3A_124 : memref<125x64xf32, #tpu.memory_space<vmem_shared>>)
      tpu.yield
    }) : () -> ()
    %mul3A_29 = arith.constant 625 : i32
    %mul3A_30 = arith.muli %arg1, %mul3A_29 : i32
    %add3A_31 = arith.constant 500 : i32
    %add3A_32 = arith.addi %mul3A_30, %add3A_31 : i32
    "tpu.region"() ({
      %run_scoped3A = tpu.sem_alloc : memref<!tpu.dma_semaphore, #tpu.memory_space<semaphore_mem>>
      %dma_start3A_117 = arith.constant 0 : i32
      %dma_start3A_118 = tpu.memref_slice %arg26[%add3A_32, %dma_start3A_117] : memref<10000x64xf32, #tpu.memory_space<vmem_shared>> -> memref<125x64xf32, #tpu.memory_space<vmem_shared>>
      %dma_start3A_119 = arith.constant 0 : i32
      %dma_start3A_120 = tpu.memref_slice %arg26[%add3A_32, %dma_start3A_119] : memref<10000x64xf32, #tpu.memory_space<vmem_shared>> -> memref<125x64xf32, #tpu.memory_space<vmem_shared>>
      tpu.enqueue_dma source(%arg24 : memref<125x64xf32, #tpu.memory_space<vmem>>) target(%dma_start3A_120 : memref<125x64xf32, #tpu.memory_space<vmem_shared>>) target_semaphore(%run_scoped3A : memref<!tpu.dma_semaphore, #tpu.memory_space<semaphore_mem>>)
      %dma_wait3A_121 = arith.constant 0 : i32
      %dma_wait3A_122 = tpu.memref_slice %arg26[%add3A_32, %dma_wait3A_121] : memref<10000x64xf32, #tpu.memory_space<vmem_shared>> -> memref<125x64xf32, #tpu.memory_space<vmem_shared>>
      %dma_wait3A_123 = arith.constant 0 : i32
      %dma_wait3A_124 = tpu.memref_slice %arg26[%add3A_32, %dma_wait3A_123] : memref<10000x64xf32, #tpu.memory_space<vmem_shared>> -> memref<125x64xf32, #tpu.memory_space<vmem_shared>>
      tpu.wait_dma2 semaphore(%run_scoped3A : memref<!tpu.dma_semaphore, #tpu.memory_space<semaphore_mem>>) src(%arg24 : memref<125x64xf32, #tpu.memory_space<vmem>>) dst(%dma_wait3A_124 : memref<125x64xf32, #tpu.memory_space<vmem_shared>>)
      tpu.yield
    }) : () -> ()
    %mul3A_33 = arith.constant 625 : i32
    %mul3A_34 = arith.muli %arg1, %mul3A_33 : i32
    "tpu.region"() ({
      %run_scoped3A = tpu.sem_alloc : memref<!tpu.dma_semaphore, #tpu.memory_space<semaphore_mem>>
      %dma_start3A_117 = arith.constant 0 : i32
      %dma_start3A_118 = tpu.memref_slice %arg27[%mul3A_34, %dma_start3A_117] : memref<10000x16xf32, #tpu.memory_space<vmem_shared>> -> memref<625x16xf32, #tpu.memory_space<vmem_shared>>
      %dma_start3A_119 = arith.constant 0 : i32
      %dma_start3A_120 = tpu.memref_slice %arg27[%mul3A_34, %dma_start3A_119] : memref<10000x16xf32, #tpu.memory_space<vmem_shared>> -> memref<625x16xf32, #tpu.memory_space<vmem_shared>>
      tpu.enqueue_dma source(%arg25 : memref<625x16xf32, #tpu.memory_space<vmem>>) target(%dma_start3A_120 : memref<625x16xf32, #tpu.memory_space<vmem_shared>>) target_semaphore(%run_scoped3A : memref<!tpu.dma_semaphore, #tpu.memory_space<semaphore_mem>>)
      %dma_wait3A_121 = arith.constant 0 : i32
      %dma_wait3A_122 = tpu.memref_slice %arg27[%mul3A_34, %dma_wait3A_121] : memref<10000x16xf32, #tpu.memory_space<vmem_shared>> -> memref<625x16xf32, #tpu.memory_space<vmem_shared>>
      %dma_wait3A_123 = arith.constant 0 : i32
      %dma_wait3A_124 = tpu.memref_slice %arg27[%mul3A_34, %dma_wait3A_123] : memref<10000x16xf32, #tpu.memory_space<vmem_shared>> -> memref<625x16xf32, #tpu.memory_space<vmem_shared>>
      tpu.wait_dma2 semaphore(%run_scoped3A : memref<!tpu.dma_semaphore, #tpu.memory_space<semaphore_mem>>) src(%arg25 : memref<625x16xf32, #tpu.memory_space<vmem>>) dst(%dma_wait3A_124 : memref<625x16xf32, #tpu.memory_space<vmem_shared>>)
      tpu.yield
    }) : () -> ()
    %barrier3A = arith.constant 0 : index
    tpu.barrier barrier_id(%barrier3A)
    %mul3A_35 = arith.constant 20000 : i32
    %mul3A_36 = arith.muli %arg1, %mul3A_35 : i32
    %add3A_37 = arith.constant 0 : i32
    %add3A_38 = arith.addi %mul3A_36, %add3A_37 : i32
    %dma_start3A = tpu.memref_slice %arg2[%add3A_38] : memref<320000xi32, #tpu.memory_space<hbm>> -> memref<80xi32, #tpu.memory_space<hbm>>
    %dma_start3A_39 = tpu.memref_slice %arg2[%add3A_38] : memref<320000xi32, #tpu.memory_space<hbm>> -> memref<80xi32, #tpu.memory_space<hbm>>
    tpu.enqueue_dma source(%dma_start3A_39 : memref<80xi32, #tpu.memory_space<hbm>>) target(%arg9 : memref<80xi32, #tpu.memory_space<vmem>>) target_semaphore(%arg30 : memref<!tpu.dma_semaphore, #tpu.memory_space<semaphore_mem>>)
    %dma_start3A_40 = tpu.memref_slice %arg3[%add3A_38] : memref<320000xi32, #tpu.memory_space<hbm>> -> memref<80xi32, #tpu.memory_space<hbm>>
    %dma_start3A_41 = tpu.memref_slice %arg3[%add3A_38] : memref<320000xi32, #tpu.memory_space<hbm>> -> memref<80xi32, #tpu.memory_space<hbm>>
    tpu.enqueue_dma source(%dma_start3A_41 : memref<80xi32, #tpu.memory_space<hbm>>) target(%arg11 : memref<80xi32, #tpu.memory_space<vmem>>) target_semaphore(%arg30 : memref<!tpu.dma_semaphore, #tpu.memory_space<semaphore_mem>>)
    %mul3A_42 = arith.constant 20000 : i32
    %mul3A_43 = arith.muli %arg1, %mul3A_42 : i32
    %add3A_44 = arith.constant 80 : i32
    %add3A_45 = arith.addi %mul3A_43, %add3A_44 : i32
    %dma_start3A_46 = tpu.memref_slice %arg2[%add3A_45] : memref<320000xi32, #tpu.memory_space<hbm>> -> memref<80xi32, #tpu.memory_space<hbm>>
    %dma_start3A_47 = tpu.memref_slice %arg2[%add3A_45] : memref<320000xi32, #tpu.memory_space<hbm>> -> memref<80xi32, #tpu.memory_space<hbm>>
    tpu.enqueue_dma source(%dma_start3A_47 : memref<80xi32, #tpu.memory_space<hbm>>) target(%arg10 : memref<80xi32, #tpu.memory_space<vmem>>) target_semaphore(%arg31 : memref<!tpu.dma_semaphore, #tpu.memory_space<semaphore_mem>>)
    %dma_start3A_48 = tpu.memref_slice %arg3[%add3A_45] : memref<320000xi32, #tpu.memory_space<hbm>> -> memref<80xi32, #tpu.memory_space<hbm>>
    %dma_start3A_49 = tpu.memref_slice %arg3[%add3A_45] : memref<320000xi32, #tpu.memory_space<hbm>> -> memref<80xi32, #tpu.memory_space<hbm>>
    tpu.enqueue_dma source(%dma_start3A_49 : memref<80xi32, #tpu.memory_space<hbm>>) target(%arg12 : memref<80xi32, #tpu.memory_space<vmem>>) target_semaphore(%arg31 : memref<!tpu.dma_semaphore, #tpu.memory_space<semaphore_mem>>)
    %dma_wait3A = arith.constant 0 : i32
    %dma_wait3A_50 = tpu.memref_slice %arg2[%dma_wait3A] : memref<320000xi32, #tpu.memory_space<hbm>> -> memref<80xi32, #tpu.memory_space<hbm>>
    %dma_wait3A_51 = arith.constant 0 : i32
    %dma_wait3A_52 = tpu.memref_slice %arg2[%dma_wait3A_51] : memref<320000xi32, #tpu.memory_space<hbm>> -> memref<80xi32, #tpu.memory_space<hbm>>
    tpu.wait_dma2 semaphore(%arg30 : memref<!tpu.dma_semaphore, #tpu.memory_space<semaphore_mem>>) src(%dma_wait3A_52 : memref<80xi32, #tpu.memory_space<hbm>>) dst(%arg9 : memref<80xi32, #tpu.memory_space<vmem>>)
    %dma_wait3A_53 = arith.constant 0 : i32
    %dma_wait3A_54 = tpu.memref_slice %arg3[%dma_wait3A_53] : memref<320000xi32, #tpu.memory_space<hbm>> -> memref<80xi32, #tpu.memory_space<hbm>>
    %dma_wait3A_55 = arith.constant 0 : i32
    %dma_wait3A_56 = tpu.memref_slice %arg3[%dma_wait3A_55] : memref<320000xi32, #tpu.memory_space<hbm>> -> memref<80xi32, #tpu.memory_space<hbm>>
    tpu.wait_dma2 semaphore(%arg30 : memref<!tpu.dma_semaphore, #tpu.memory_space<semaphore_mem>>) src(%dma_wait3A_56 : memref<80xi32, #tpu.memory_space<hbm>>) dst(%arg11 : memref<80xi32, #tpu.memory_space<vmem>>)
    %eq3A = arith.constant 0 : i32
    %eq3A_57 = arith.cmpi eq, %arg0, %eq3A : i32
    %convert_element_type3A = arith.extui %eq3A_57 : i1 to i32
    %cond3A = arith.constant 0 : i32
    %cond3A_58 = arith.cmpi ne, %convert_element_type3A, %cond3A : i32
    scf.if %cond3A_58 {
      %dma_start3A_117 = arith.constant 0 : i32
      %dma_start3A_118 = arith.constant 0 : i32
      %dma_start3A_119 = tpu.memref_slice %arg4[%dma_start3A_117, %dma_start3A_118] : memref<10000x80xf32, #tpu.memory_space<hbm>> -> memref<10000x80xf32, #tpu.memory_space<hbm>>
      tpu.enqueue_indirect_dma source(%dma_start3A_119 : memref<10000x80xf32, #tpu.memory_space<hbm>>) target(%arg13 : memref<80x80xf32, #tpu.memory_space<vmem>>) offsets(%arg9 : memref<80xi32, #tpu.memory_space<vmem>>) semaphore(%arg28 : memref<!tpu.dma_semaphore, #tpu.memory_space<semaphore_mem>>)
    } else {
    }
    %eq3A_59 = arith.constant 1 : i32
    %eq3A_60 = arith.cmpi eq, %arg0, %eq3A_59 : i32
    %convert_element_type3A_61 = arith.extui %eq3A_60 : i1 to i32
    %cond3A_62 = arith.constant 0 : i32
    %cond3A_63 = arith.cmpi ne, %convert_element_type3A_61, %cond3A_62 : i32
    scf.if %cond3A_63 {
      %dma_start3A_117 = arith.constant 0 : i32
      %dma_start3A_118 = arith.constant 0 : i32
      %dma_start3A_119 = tpu.memref_slice %arg5[%dma_start3A_117, %dma_start3A_118] : memref<10000x80xf32, #tpu.memory_space<hbm>> -> memref<10000x80xf32, #tpu.memory_space<hbm>>
      tpu.enqueue_indirect_dma source(%dma_start3A_119 : memref<10000x80xf32, #tpu.memory_space<hbm>>) target(%arg13 : memref<80x80xf32, #tpu.memory_space<vmem>>) offsets(%arg9 : memref<80xi32, #tpu.memory_space<vmem>>) semaphore(%arg28 : memref<!tpu.dma_semaphore, #tpu.memory_space<semaphore_mem>>)
    } else {
    }
    %dma_start3A_64 = arith.constant 0 : i32
    %dma_start3A_65 = arith.constant 0 : i32
    %dma_start3A_66 = tpu.memref_slice %arg6[%dma_start3A_64, %dma_start3A_65] : memref<10000x16xf32, #tpu.memory_space<hbm>> -> memref<10000x16xf32, #tpu.memory_space<hbm>>
    tpu.enqueue_indirect_dma source(%dma_start3A_66 : memref<10000x16xf32, #tpu.memory_space<hbm>>) target(%arg15 : memref<80x16xf32, #tpu.memory_space<vmem>>) offsets(%arg11 : memref<80xi32, #tpu.memory_space<vmem>>) semaphore(%arg28 : memref<!tpu.dma_semaphore, #tpu.memory_space<semaphore_mem>>)
    %dma_wait3A_67 = arith.constant 0 : i32
    %dma_wait3A_68 = tpu.memref_slice %arg2[%dma_wait3A_67] : memref<320000xi32, #tpu.memory_space<hbm>> -> memref<80xi32, #tpu.memory_space<hbm>>
    %dma_wait3A_69 = arith.constant 0 : i32
    %dma_wait3A_70 = tpu.memref_slice %arg2[%dma_wait3A_69] : memref<320000xi32, #tpu.memory_space<hbm>> -> memref<80xi32, #tpu.memory_space<hbm>>
    tpu.wait_dma2 semaphore(%arg31 : memref<!tpu.dma_semaphore, #tpu.memory_space<semaphore_mem>>) src(%dma_wait3A_70 : memref<80xi32, #tpu.memory_space<hbm>>) dst(%arg10 : memref<80xi32, #tpu.memory_space<vmem>>)
    %dma_wait3A_71 = arith.constant 0 : i32
    %dma_wait3A_72 = tpu.memref_slice %arg3[%dma_wait3A_71] : memref<320000xi32, #tpu.memory_space<hbm>> -> memref<80xi32, #tpu.memory_space<hbm>>
    %dma_wait3A_73 = arith.constant 0 : i32
    %dma_wait3A_74 = tpu.memref_slice %arg3[%dma_wait3A_73] : memref<320000xi32, #tpu.memory_space<hbm>> -> memref<80xi32, #tpu.memory_space<hbm>>
    tpu.wait_dma2 semaphore(%arg31 : memref<!tpu.dma_semaphore, #tpu.memory_space<semaphore_mem>>) src(%dma_wait3A_74 : memref<80xi32, #tpu.memory_space<hbm>>) dst(%arg12 : memref<80xi32, #tpu.memory_space<vmem>>)
    %eq3A_75 = arith.constant 0 : i32
    %eq3A_76 = arith.cmpi eq, %arg0, %eq3A_75 : i32
    %convert_element_type3A_77 = arith.extui %eq3A_76 : i1 to i32
    %cond3A_78 = arith.constant 0 : i32
    %cond3A_79 = arith.cmpi ne, %convert_element_type3A_77, %cond3A_78 : i32
    scf.if %cond3A_79 {
      %dma_start3A_117 = arith.constant 0 : i32
      %dma_start3A_118 = arith.constant 0 : i32
      %dma_start3A_119 = tpu.memref_slice %arg4[%dma_start3A_117, %dma_start3A_118] : memref<10000x80xf32, #tpu.memory_space<hbm>> -> memref<10000x80xf32, #tpu.memory_space<hbm>>
      tpu.enqueue_indirect_dma source(%dma_start3A_119 : memref<10000x80xf32, #tpu.memory_space<hbm>>) target(%arg14 : memref<80x80xf32, #tpu.memory_space<vmem>>) offsets(%arg10 : memref<80xi32, #tpu.memory_space<vmem>>) semaphore(%arg29 : memref<!tpu.dma_semaphore, #tpu.memory_space<semaphore_mem>>)
    } else {
    }
    %eq3A_80 = arith.constant 1 : i32
    %eq3A_81 = arith.cmpi eq, %arg0, %eq3A_80 : i32
    %convert_element_type3A_82 = arith.extui %eq3A_81 : i1 to i32
    %cond3A_83 = arith.constant 0 : i32
    %cond3A_84 = arith.cmpi ne, %convert_element_type3A_82, %cond3A_83 : i32
    scf.if %cond3A_84 {
      %dma_start3A_117 = arith.constant 0 : i32
      %dma_start3A_118 = arith.constant 0 : i32
      %dma_start3A_119 = tpu.memref_slice %arg5[%dma_start3A_117, %dma_start3A_118] : memref<10000x80xf32, #tpu.memory_space<hbm>> -> memref<10000x80xf32, #tpu.memory_space<hbm>>
      tpu.enqueue_indirect_dma source(%dma_start3A_119 : memref<10000x80xf32, #tpu.memory_space<hbm>>) target(%arg14 : memref<80x80xf32, #tpu.memory_space<vmem>>) offsets(%arg10 : memref<80xi32, #tpu.memory_space<vmem>>) semaphore(%arg29 : memref<!tpu.dma_semaphore, #tpu.memory_space<semaphore_mem>>)
    } else {
    }
    %dma_start3A_85 = arith.constant 0 : i32
    %dma_start3A_86 = arith.constant 0 : i32
    %dma_start3A_87 = tpu.memref_slice %arg6[%dma_start3A_85, %dma_start3A_86] : memref<10000x16xf32, #tpu.memory_space<hbm>> -> memref<10000x16xf32, #tpu.memory_space<hbm>>
    tpu.enqueue_indirect_dma source(%dma_start3A_87 : memref<10000x16xf32, #tpu.memory_space<hbm>>) target(%arg16 : memref<80x16xf32, #tpu.memory_space<vmem>>) offsets(%arg12 : memref<80xi32, #tpu.memory_space<vmem>>) semaphore(%arg29 : memref<!tpu.dma_semaphore, #tpu.memory_space<semaphore_mem>>)
    %scan3A_88 = arith.constant 0 : i32
    %scan3A_89 = arith.constant 125 : i32
    %scan3A_90 = arith.addi %scan3A_88, %scan3A_89 : i32
    %scan3A_91 = arith.constant 1 : i32
    scf.for %scan3A_117 = %scan3A_88 to %scan3A_90 step %scan3A_91  : i32 {
      %mul3A_118 = arith.constant 2 : i32
      %mul3A_119 = arith.muli %scan3A_117, %mul3A_118 : i32
      %add3A_120 = arith.constant 0 : i32
      %add3A_121 = arith.addi %add3A_120, %mul3A_119 : i32
      %add3A_122 = arith.constant 2 : i32
      %add3A_123 = arith.addi %add3A_121, %add3A_122 : i32
      %dma_wait3A_124 = arith.constant 0 : i32
      %dma_wait3A_125 = arith.constant 0 : i32
      %dma_wait3A_126 = tpu.memref_slice %arg4[%dma_wait3A_124, %dma_wait3A_125] : memref<10000x80xf32, #tpu.memory_space<hbm>> -> memref<10000x80xf32, #tpu.memory_space<hbm>>
      tpu.wait_indirect_dma semaphore(%arg28 : memref<!tpu.dma_semaphore, #tpu.memory_space<semaphore_mem>>) src(%dma_wait3A_126 : memref<10000x80xf32, #tpu.memory_space<hbm>>) dst(%arg13 : memref<80x80xf32, #tpu.memory_space<vmem>>)
      %dma_wait3A_127 = arith.constant 0 : i32
      %dma_wait3A_128 = arith.constant 0 : i32
      %dma_wait3A_129 = tpu.memref_slice %arg6[%dma_wait3A_127, %dma_wait3A_128] : memref<10000x16xf32, #tpu.memory_space<hbm>> -> memref<10000x16xf32, #tpu.memory_space<hbm>>
      tpu.wait_indirect_dma semaphore(%arg28 : memref<!tpu.dma_semaphore, #tpu.memory_space<semaphore_mem>>) src(%dma_wait3A_129 : memref<10000x16xf32, #tpu.memory_space<hbm>>) dst(%arg15 : memref<80x16xf32, #tpu.memory_space<vmem>>)
      %ge3A = arith.constant 2 : i32
      %ge3A_130 = arith.cmpi sge, %add3A_121, %ge3A : i32
      %convert_element_type3A_131 = arith.extui %ge3A_130 : i1 to i32
      %cond3A_132 = arith.constant 0 : i32
      %cond3A_133 = arith.cmpi ne, %convert_element_type3A_131, %cond3A_132 : i32
      scf.if %cond3A_133 {
        %dma_wait3A_415 = arith.constant 0 : i32
        %dma_wait3A_416 = arith.constant 0 : i32
        %dma_wait3A_417 = tpu.memref_slice %arg26[%dma_wait3A_415, %dma_wait3A_416] : memref<10000x64xf32, #tpu.memory_space<vmem_shared>> -> memref<10000x64xf32, #tpu.memory_space<vmem_shared>>
        tpu.wait_indirect_dma semaphore(%arg32 : memref<!tpu.dma_semaphore, #tpu.memory_space<semaphore_mem>>) src(%arg17 : memref<80x64xf32, #tpu.memory_space<vmem>>) dst(%dma_wait3A_417 : memref<10000x64xf32, #tpu.memory_space<vmem_shared>>)
        %eq3A_418 = arith.constant 0 : i32
        %eq3A_419 = arith.cmpi eq, %arg0, %eq3A_418 : i32
        %convert_element_type3A_420 = arith.extui %eq3A_419 : i1 to i32
        %cond3A_421 = arith.constant 0 : i32
        %cond3A_422 = arith.cmpi ne, %convert_element_type3A_420, %cond3A_421 : i32
        scf.if %cond3A_422 {
          %dma_wait3A_423 = arith.constant 0 : i32
          %dma_wait3A_424 = arith.constant 0 : i32
          %dma_wait3A_425 = tpu.memref_slice %arg27[%dma_wait3A_423, %dma_wait3A_424] : memref<10000x16xf32, #tpu.memory_space<vmem_shared>> -> memref<10000x16xf32, #tpu.memory_space<vmem_shared>>
          tpu.wait_indirect_dma semaphore(%arg32 : memref<!tpu.dma_semaphore, #tpu.memory_space<semaphore_mem>>) src(%arg19 : memref<80x16xf32, #tpu.memory_space<vmem>>) dst(%dma_wait3A_425 : memref<10000x16xf32, #tpu.memory_space<vmem_shared>>)
        } else {
        }
      } else {
      }
      %get3A = arith.constant 0 : index
      %get3A_134 = tpu.vector_load %arg11[%get3A] {strides = array<i32>} : memref<80xi32, #tpu.memory_space<vmem>>, vector<16xi32>,
      %get3A_135 = vector.shape_cast %get3A_134 : vector<16xi32> to vector<16xi32>
      %swap3A = arith.constant 0 : index
      %swap3A_136 = tpu.vector_load %arg21[%swap3A] {strides = array<i32>} : memref<80xi32, #tpu.memory_space<vmem>>, vector<16xi32>,
      %swap3A_137 = vector.shape_cast %swap3A_136 : vector<16xi32> to vector<16xi32>
      %swap3A_138 = vector.shape_cast %get3A_135 : vector<16xi32> to vector<16xi32>
      tpu.vector_store %arg21[%swap3A], %swap3A_138 {strides = array<i32>} : memref<80xi32, #tpu.memory_space<vmem>>, vector<16xi32>,
      %get3A_139 = arith.constant 16 : index
      %get3A_140 = tpu.vector_load %arg11[%get3A_139] {strides = array<i32>} : memref<80xi32, #tpu.memory_space<vmem>>, vector<16xi32>,
      %get3A_141 = vector.shape_cast %get3A_140 : vector<16xi32> to vector<16xi32>
      %swap3A_142 = arith.constant 16 : index
      %swap3A_143 = tpu.vector_load %arg21[%swap3A_142] {strides = array<i32>} : memref<80xi32, #tpu.memory_space<vmem>>, vector<16xi32>,
      %swap3A_144 = vector.shape_cast %swap3A_143 : vector<16xi32> to vector<16xi32>
      %swap3A_145 = vector.shape_cast %get3A_141 : vector<16xi32> to vector<16xi32>
      tpu.vector_store %arg21[%swap3A_142], %swap3A_145 {strides = array<i32>} : memref<80xi32, #tpu.memory_space<vmem>>, vector<16xi32>,
      %get3A_146 = arith.constant 32 : index
      %get3A_147 = tpu.vector_load %arg11[%get3A_146] {strides = array<i32>} : memref<80xi32, #tpu.memory_space<vmem>>, vector<16xi32>,
      %get3A_148 = vector.shape_cast %get3A_147 : vector<16xi32> to vector<16xi32>
      %swap3A_149 = arith.constant 32 : index
      %swap3A_150 = tpu.vector_load %arg21[%swap3A_149] {strides = array<i32>} : memref<80xi32, #tpu.memory_space<vmem>>, vector<16xi32>,
      %swap3A_151 = vector.shape_cast %swap3A_150 : vector<16xi32> to vector<16xi32>
      %swap3A_152 = vector.shape_cast %get3A_148 : vector<16xi32> to vector<16xi32>
      tpu.vector_store %arg21[%swap3A_149], %swap3A_152 {strides = array<i32>} : memref<80xi32, #tpu.memory_space<vmem>>, vector<16xi32>,
      %get3A_153 = arith.constant 48 : index
      %get3A_154 = tpu.vector_load %arg11[%get3A_153] {strides = array<i32>} : memref<80xi32, #tpu.memory_space<vmem>>, vector<16xi32>,
      %get3A_155 = vector.shape_cast %get3A_154 : vector<16xi32> to vector<16xi32>
      %swap3A_156 = arith.constant 48 : index
      %swap3A_157 = tpu.vector_load %arg21[%swap3A_156] {strides = array<i32>} : memref<80xi32, #tpu.memory_space<vmem>>, vector<16xi32>,
      %swap3A_158 = vector.shape_cast %swap3A_157 : vector<16xi32> to vector<16xi32>
      %swap3A_159 = vector.shape_cast %get3A_155 : vector<16xi32> to vector<16xi32>
      tpu.vector_store %arg21[%swap3A_156], %swap3A_159 {strides = array<i32>} : memref<80xi32, #tpu.memory_space<vmem>>, vector<16xi32>,
      %get3A_160 = arith.constant 64 : index
      %get3A_161 = tpu.vector_load %arg11[%get3A_160] {strides = array<i32>} : memref<80xi32, #tpu.memory_space<vmem>>, vector<16xi32>,
      %get3A_162 = vector.shape_cast %get3A_161 : vector<16xi32> to vector<16xi32>
      %swap3A_163 = arith.constant 64 : index
      %swap3A_164 = tpu.vector_load %arg21[%swap3A_163] {strides = array<i32>} : memref<80xi32, #tpu.memory_space<vmem>>, vector<16xi32>,
      %swap3A_165 = vector.shape_cast %swap3A_164 : vector<16xi32> to vector<16xi32>
      %swap3A_166 = vector.shape_cast %get3A_162 : vector<16xi32> to vector<16xi32>
      tpu.vector_store %arg21[%swap3A_163], %swap3A_166 {strides = array<i32>} : memref<80xi32, #tpu.memory_space<vmem>>, vector<16xi32>,
      %get3A_167 = arith.constant 0 : index
      %get3A_168 = tpu.vector_load %arg9[%get3A_167] {strides = array<i32>} : memref<80xi32, #tpu.memory_space<vmem>>, vector<16xi32>,
      %get3A_169 = vector.shape_cast %get3A_168 : vector<16xi32> to vector<16xi32>
      %get3A_170 = arith.constant 0 : index
      %get3A_171 = tpu.vector_load %arg11[%get3A_170] {strides = array<i32>} : memref<80xi32, #tpu.memory_space<vmem>>, vector<16xi32>,
      %get3A_172 = vector.shape_cast %get3A_171 : vector<16xi32> to vector<16xi32>
      %eq3A_173 = arith.cmpi eq, %get3A_169, %get3A_172 : vector<16xi32>
      %jit3A = arith.constant 0.000000e+00 : f32
      %jit3A_174 = arith.constant 1.000000e+00 : f32
      %broadcast_in_dim3A_175 = vector.broadcast %jit3A : f32 to vector<16xf32>
      %broadcast_in_dim3A_176 = vector.broadcast %jit3A_174 : f32 to vector<16xf32>
      %select_n3A = arith.select %eq3A_173, %broadcast_in_dim3A_175, %broadcast_in_dim3A_176 : vector<16xi1>, vector<16xf32>
      %swap3A_177 = arith.constant 0 : index
      %swap3A_178 = tpu.vector_load %arg23[%swap3A_177] {strides = array<i32>} : memref<80xf32, #tpu.memory_space<vmem>>, vector<16xf32>,
      %swap3A_179 = vector.shape_cast %swap3A_178 : vector<16xf32> to vector<16xf32>
      %swap3A_180 = vector.shape_cast %select_n3A : vector<16xf32> to vector<16xf32>
      tpu.vector_store %arg23[%swap3A_177], %swap3A_180 {strides = array<i32>} : memref<80xf32, #tpu.memory_space<vmem>>, vector<16xf32>,
      %get3A_181 = arith.constant 16 : index
      %get3A_182 = tpu.vector_load %arg9[%get3A_181] {strides = array<i32>} : memref<80xi32, #tpu.memory_space<vmem>>, vector<16xi32>,
      %get3A_183 = vector.shape_cast %get3A_182 : vector<16xi32> to vector<16xi32>
      %get3A_184 = arith.constant 16 : index
      %get3A_185 = tpu.vector_load %arg11[%get3A_184] {strides = array<i32>} : memref<80xi32, #tpu.memory_space<vmem>>, vector<16xi32>,
      %get3A_186 = vector.shape_cast %get3A_185 : vector<16xi32> to vector<16xi32>
      %eq3A_187 = arith.cmpi eq, %get3A_183, %get3A_186 : vector<16xi32>
      %jit3A_188 = arith.constant 0.000000e+00 : f32
      %jit3A_189 = arith.constant 1.000000e+00 : f32
      %broadcast_in_dim3A_190 = vector.broadcast %jit3A_188 : f32 to vector<16xf32>
      %broadcast_in_dim3A_191 = vector.broadcast %jit3A_189 : f32 to vector<16xf32>
      %select_n3A_192 = arith.select %eq3A_187, %broadcast_in_dim3A_190, %broadcast_in_dim3A_191 : vector<16xi1>, vector<16xf32>
      %swap3A_193 = arith.constant 16 : index
      %swap3A_194 = tpu.vector_load %arg23[%swap3A_193] {strides = array<i32>} : memref<80xf32, #tpu.memory_space<vmem>>, vector<16xf32>,
      %swap3A_195 = vector.shape_cast %swap3A_194 : vector<16xf32> to vector<16xf32>
      %swap3A_196 = vector.shape_cast %select_n3A_192 : vector<16xf32> to vector<16xf32>
      tpu.vector_store %arg23[%swap3A_193], %swap3A_196 {strides = array<i32>} : memref<80xf32, #tpu.memory_space<vmem>>, vector<16xf32>,
      %get3A_197 = arith.constant 32 : index
      %get3A_198 = tpu.vector_load %arg9[%get3A_197] {strides = array<i32>} : memref<80xi32, #tpu.memory_space<vmem>>, vector<16xi32>,
      %get3A_199 = vector.shape_cast %get3A_198 : vector<16xi32> to vector<16xi32>
      %get3A_200 = arith.constant 32 : index
      %get3A_201 = tpu.vector_load %arg11[%get3A_200] {strides = array<i32>} : memref<80xi32, #tpu.memory_space<vmem>>, vector<16xi32>,
      %get3A_202 = vector.shape_cast %get3A_201 : vector<16xi32> to vector<16xi32>
      %eq3A_203 = arith.cmpi eq, %get3A_199, %get3A_202 : vector<16xi32>
      %jit3A_204 = arith.constant 0.000000e+00 : f32
      %jit3A_205 = arith.constant 1.000000e+00 : f32
      %broadcast_in_dim3A_206 = vector.broadcast %jit3A_204 : f32 to vector<16xf32>
      %broadcast_in_dim3A_207 = vector.broadcast %jit3A_205 : f32 to vector<16xf32>
      %select_n3A_208 = arith.select %eq3A_203, %broadcast_in_dim3A_206, %broadcast_in_dim3A_207 : vector<16xi1>, vector<16xf32>
      %swap3A_209 = arith.constant 32 : index
      %swap3A_210 = tpu.vector_load %arg23[%swap3A_209] {strides = array<i32>} : memref<80xf32, #tpu.memory_space<vmem>>, vector<16xf32>,
      %swap3A_211 = vector.shape_cast %swap3A_210 : vector<16xf32> to vector<16xf32>
      %swap3A_212 = vector.shape_cast %select_n3A_208 : vector<16xf32> to vector<16xf32>
      tpu.vector_store %arg23[%swap3A_209], %swap3A_212 {strides = array<i32>} : memref<80xf32, #tpu.memory_space<vmem>>, vector<16xf32>,
      %get3A_213 = arith.constant 48 : index
      %get3A_214 = tpu.vector_load %arg9[%get3A_213] {strides = array<i32>} : memref<80xi32, #tpu.memory_space<vmem>>, vector<16xi32>,
      %get3A_215 = vector.shape_cast %get3A_214 : vector<16xi32> to vector<16xi32>
      %get3A_216 = arith.constant 48 : index
      %get3A_217 = tpu.vector_load %arg11[%get3A_216] {strides = array<i32>} : memref<80xi32, #tpu.memory_space<vmem>>, vector<16xi32>,
      %get3A_218 = vector.shape_cast %get3A_217 : vector<16xi32> to vector<16xi32>
      %eq3A_219 = arith.cmpi eq, %get3A_215, %get3A_218 : vector<16xi32>
      %jit3A_220 = arith.constant 0.000000e+00 : f32
      %jit3A_221 = arith.constant 1.000000e+00 : f32
      %broadcast_in_dim3A_222 = vector.broadcast %jit3A_220 : f32 to vector<16xf32>
      %broadcast_in_dim3A_223 = vector.broadcast %jit3A_221 : f32 to vector<16xf32>
      %select_n3A_224 = arith.select %eq3A_219, %broadcast_in_dim3A_222, %broadcast_in_dim3A_223 : vector<16xi1>, vector<16xf32>
      %swap3A_225 = arith.constant 48 : index
      %swap3A_226 = tpu.vector_load %arg23[%swap3A_225] {strides = array<i32>} : memref<80xf32, #tpu.memory_space<vmem>>, vector<16xf32>,
      %swap3A_227 = vector.shape_cast %swap3A_226 : vector<16xf32> to vector<16xf32>
      %swap3A_228 = vector.shape_cast %select_n3A_224 : vector<16xf32> to vector<16xf32>
      tpu.vector_store %arg23[%swap3A_225], %swap3A_228 {strides = array<i32>} : memref<80xf32, #tpu.memory_space<vmem>>, vector<16xf32>,
      %get3A_229 = arith.constant 64 : index
      %get3A_230 = tpu.vector_load %arg9[%get3A_229] {strides = array<i32>} : memref<80xi32, #tpu.memory_space<vmem>>, vector<16xi32>,
      %get3A_231 = vector.shape_cast %get3A_230 : vector<16xi32> to vector<16xi32>
      %get3A_232 = arith.constant 64 : index
      %get3A_233 = tpu.vector_load %arg11[%get3A_232] {strides = array<i32>} : memref<80xi32, #tpu.memory_space<vmem>>, vector<16xi32>,
      %get3A_234 = vector.shape_cast %get3A_233 : vector<16xi32> to vector<16xi32>
      %eq3A_235 = arith.cmpi eq, %get3A_231, %get3A_234 : vector<16xi32>
      %jit3A_236 = arith.constant 0.000000e+00 : f32
      %jit3A_237 = arith.constant 1.000000e+00 : f32
      %broadcast_in_dim3A_238 = vector.broadcast %jit3A_236 : f32 to vector<16xf32>
      %broadcast_in_dim3A_239 = vector.broadcast %jit3A_237 : f32 to vector<16xf32>
      %select_n3A_240 = arith.select %eq3A_235, %broadcast_in_dim3A_238, %broadcast_in_dim3A_239 : vector<16xi1>, vector<16xf32>
      %swap3A_241 = arith.constant 64 : index
      %swap3A_242 = tpu.vector_load %arg23[%swap3A_241] {strides = array<i32>} : memref<80xf32, #tpu.memory_space<vmem>>, vector<16xf32>,
      %swap3A_243 = vector.shape_cast %swap3A_242 : vector<16xf32> to vector<16xf32>
      %swap3A_244 = vector.shape_cast %select_n3A_240 : vector<16xf32> to vector<16xf32>
      tpu.vector_store %arg23[%swap3A_241], %swap3A_244 {strides = array<i32>} : memref<80xf32, #tpu.memory_space<vmem>>, vector<16xf32>,
      %lt3A = arith.constant 250 : i32
      %lt3A_245 = arith.cmpi slt, %add3A_123, %lt3A : i32
      %convert_element_type3A_246 = arith.extui %lt3A_245 : i1 to i32
      %cond3A_247 = arith.constant 0 : i32
      %cond3A_248 = arith.cmpi ne, %convert_element_type3A_246, %cond3A_247 : i32
      scf.if %cond3A_248 {
        %mul3A_415 = arith.constant 20000 : i32
        %mul3A_416 = arith.muli %arg1, %mul3A_415 : i32
        %mul3A_417 = arith.constant 80 : i32
        %mul3A_418 = arith.muli %add3A_123, %mul3A_417 : i32
        %add3A_419 = arith.addi %mul3A_416, %mul3A_418 : i32
        %dma_start3A_420 = tpu.memref_slice %arg2[%add3A_419] : memref<320000xi32, #tpu.memory_space<hbm>> -> memref<80xi32, #tpu.memory_space<hbm>>
        %dma_start3A_421 = tpu.memref_slice %arg2[%add3A_419] : memref<320000xi32, #tpu.memory_space<hbm>> -> memref<80xi32, #tpu.memory_space<hbm>>
        tpu.enqueue_dma source(%dma_start3A_421 : memref<80xi32, #tpu.memory_space<hbm>>) target(%arg9 : memref<80xi32, #tpu.memory_space<vmem>>) target_semaphore(%arg30 : memref<!tpu.dma_semaphore, #tpu.memory_space<semaphore_mem>>)
        %dma_start3A_422 = tpu.memref_slice %arg3[%add3A_419] : memref<320000xi32, #tpu.memory_space<hbm>> -> memref<80xi32, #tpu.memory_space<hbm>>
        %dma_start3A_423 = tpu.memref_slice %arg3[%add3A_419] : memref<320000xi32, #tpu.memory_space<hbm>> -> memref<80xi32, #tpu.memory_space<hbm>>
        tpu.enqueue_dma source(%dma_start3A_423 : memref<80xi32, #tpu.memory_space<hbm>>) target(%arg11 : memref<80xi32, #tpu.memory_space<vmem>>) target_semaphore(%arg30 : memref<!tpu.dma_semaphore, #tpu.memory_space<semaphore_mem>>)
      } else {
      }
      %parallel_loop3A = arith.constant 0 : i32
      %parallel_loop3A_249 = arith.constant 80 : i32
      %parallel_loop3A_250 = arith.constant 1 : i32
      scf.for %parallel_loop3A_415 = %parallel_loop3A to %parallel_loop3A_249 step %parallel_loop3A_250  : i32 {
        %parallel_loop3A_416 = arith.index_cast %parallel_loop3A_415 : i32 to index
        %parallel_loop3A_417 = arith.constant 0 : index
        %parallel_loop3A_418 = tpu.vector_load %arg15[%parallel_loop3A_416, %parallel_loop3A_417] {strides = array<i32>} : memref<80x16xf32, #tpu.memory_space<vmem>>, vector<1x16xf32>,
        %parallel_loop3A_419 = vector.shape_cast %parallel_loop3A_418 : vector<1x16xf32> to vector<16xf32>
        %parallel_loop3A_420 = arith.index_cast %parallel_loop3A_415 : i32 to index
        %parallel_loop3A_421 = arith.constant 64 : index
        %parallel_loop3A_422 = tpu.vector_load %arg13[%parallel_loop3A_420, %parallel_loop3A_421] {strides = array<i32>} : memref<80x80xf32, #tpu.memory_space<vmem>>, vector<1x16xf32>,
        %parallel_loop3A_423 = vector.shape_cast %parallel_loop3A_422 : vector<1x16xf32> to vector<16xf32>
        %parallel_loop3A_424 = vector.shape_cast %add3A_3 : vector<16xi32> to vector<16x1xi32>
        %parallel_loop3A_425 = vector.shape_cast %parallel_loop3A_424 : vector<16x1xi32> to vector<16xi32>
        %parallel_loop3A_426 = tpu.dynamic_gather %parallel_loop3A_423[%parallel_loop3A_425] in [0] : vector<16xf32>, vector<16xi32> -> vector<16xf32>
        %parallel_loop3A_427 = vector.shape_cast %add3A_3 : vector<16xi32> to vector<16x1xi32>
        %parallel_loop3A_428 = vector.shape_cast %parallel_loop3A_427 : vector<16x1xi32> to vector<16xi32>
        %parallel_loop3A_429 = tpu.dynamic_gather %parallel_loop3A_419[%parallel_loop3A_428] in [0] : vector<16xf32>, vector<16xi32> -> vector<16xf32>
        %parallel_loop3A_430 = arith.constant 16 : i32
        %parallel_loop3A_431 = arith.divsi %parallel_loop3A_415, %parallel_loop3A_430 : i32
        %parallel_loop3A_432 = arith.constant 0 : i32
        %parallel_loop3A_433 = arith.cmpi sgt, %parallel_loop3A_415, %parallel_loop3A_432 : i32
        %parallel_loop3A_434 = arith.extui %parallel_loop3A_433 : i1 to i32
        %parallel_loop3A_435 = arith.constant 0 : i32
        %parallel_loop3A_436 = arith.cmpi slt, %parallel_loop3A_415, %parallel_loop3A_435 : i32
        %parallel_loop3A_437 = arith.extui %parallel_loop3A_436 : i1 to i32
        %parallel_loop3A_438 = arith.subi %parallel_loop3A_434, %parallel_loop3A_437 : i32
        %parallel_loop3A_439 = arith.constant 0 : i32
        %parallel_loop3A_440 = arith.cmpi sgt, %parallel_loop3A_430, %parallel_loop3A_439 : i32
        %parallel_loop3A_441 = arith.extui %parallel_loop3A_440 : i1 to i32
        %parallel_loop3A_442 = arith.constant 0 : i32
        %parallel_loop3A_443 = arith.cmpi slt, %parallel_loop3A_430, %parallel_loop3A_442 : i32
        %parallel_loop3A_444 = arith.extui %parallel_loop3A_443 : i1 to i32
        %parallel_loop3A_445 = arith.subi %parallel_loop3A_441, %parallel_loop3A_444 : i32
        %parallel_loop3A_446 = arith.cmpi ne, %parallel_loop3A_438, %parallel_loop3A_445 : i32
        %parallel_loop3A_447 = arith.remsi %parallel_loop3A_415, %parallel_loop3A_430 : i32
        %parallel_loop3A_448 = arith.constant 0 : i32
        %parallel_loop3A_449 = arith.cmpi ne, %parallel_loop3A_447, %parallel_loop3A_448 : i32
        %parallel_loop3A_450 = arith.andi %parallel_loop3A_446, %parallel_loop3A_449 : i1
        %parallel_loop3A_451 = arith.constant 1 : i32
        %parallel_loop3A_452 = arith.subi %parallel_loop3A_431, %parallel_loop3A_451 : i32
        %parallel_loop3A_453 = arith.select %parallel_loop3A_450, %parallel_loop3A_452, %parallel_loop3A_431 : i32
        %parallel_loop3A_454 = arith.constant 16 : i32
        %parallel_loop3A_455 = arith.muli %parallel_loop3A_453, %parallel_loop3A_454 : i32
        %parallel_loop3A_456 = arith.constant 64 : i32
        %parallel_loop3A_457 = arith.minsi %parallel_loop3A_455, %parallel_loop3A_456 : i32
        %parallel_loop3A_458 = tpu.assume_multiple %parallel_loop3A_457, 8 : i32
        %parallel_loop3A_459 = arith.index_cast %parallel_loop3A_458 : i32 to index
        %parallel_loop3A_460 = tpu.vector_load %arg23[%parallel_loop3A_459] {strides = array<i32>} : memref<80xf32, #tpu.memory_space<vmem>>, vector<16xf32>,
        %parallel_loop3A_461 = vector.shape_cast %parallel_loop3A_460 : vector<16xf32> to vector<16xf32>
        %parallel_loop3A_462 = arith.subi %parallel_loop3A_415, %parallel_loop3A_458 : i32
        %parallel_loop3A_463 = vector.broadcast %parallel_loop3A_462 : i32 to vector<16xi32>
        %parallel_loop3A_464 = vector.shape_cast %parallel_loop3A_463 : vector<16xi32> to vector<16x1xi32>
        %parallel_loop3A_465 = vector.shape_cast %parallel_loop3A_464 : vector<16x1xi32> to vector<16xi32>
        %parallel_loop3A_466 = tpu.dynamic_gather %parallel_loop3A_461[%parallel_loop3A_465] in [0] : vector<16xf32>, vector<16xi32> -> vector<16xf32>
        %parallel_loop3A_467 = arith.addf %parallel_loop3A_419, %parallel_loop3A_426 : vector<16xf32>
        %parallel_loop3A_468 = arith.constant 2.000000e-01 : f32
        %parallel_loop3A_469 = vector.broadcast %parallel_loop3A_468 : f32 to vector<16xf32>
        %parallel_loop3A_470 = arith.mulf %parallel_loop3A_469, %parallel_loop3A_467 : vector<16xf32>
        %parallel_loop3A_471 = arith.maximumf %parallel_loop3A_467, %parallel_loop3A_470 : vector<16xf32>
        %parallel_loop3A_472 = arith.subf %parallel_loop3A_471, %parallel_loop3A_429 : vector<16xf32>
        %parallel_loop3A_473 = math.exp %parallel_loop3A_472 : vector<16xf32>
        %parallel_loop3A_474 = arith.mulf %parallel_loop3A_473, %parallel_loop3A_466 : vector<16xf32>
        %parallel_loop3A_475 = arith.index_cast %parallel_loop3A_415 : i32 to index
        %parallel_loop3A_476 = arith.constant 0 : index
        %parallel_loop3A_477 = tpu.vector_load %arg19[%parallel_loop3A_475, %parallel_loop3A_476] {strides = array<i32>} : memref<80x16xf32, #tpu.memory_space<vmem>>, vector<1x16xf32>,
        %parallel_loop3A_478 = vector.shape_cast %parallel_loop3A_477 : vector<1x16xf32> to vector<16xf32>
        %parallel_loop3A_479 = vector.shape_cast %parallel_loop3A_474 : vector<16xf32> to vector<1x16xf32>
        tpu.vector_store %arg19[%parallel_loop3A_475, %parallel_loop3A_476], %parallel_loop3A_479 {strides = array<i32>} : memref<80x16xf32, #tpu.memory_space<vmem>>, vector<1x16xf32>,
        %parallel_loop3A_480 = arith.constant 4 : i32
        %parallel_loop3A_481 = arith.muli %parallel_loop3A_480, %arg0 : i32
        %parallel_loop3A_482 = arith.constant 0 : i32
        %parallel_loop3A_483 = arith.addi %parallel_loop3A_481, %parallel_loop3A_482 : i32
        %parallel_loop3A_484 = vector.broadcast %parallel_loop3A_483 : i32 to vector<16xi32>
        %parallel_loop3A_485 = vector.shape_cast %parallel_loop3A_484 : vector<16xi32> to vector<16x1xi32>
        %parallel_loop3A_486 = vector.shape_cast %parallel_loop3A_485 : vector<16x1xi32> to vector<16xi32>
        %parallel_loop3A_487 = tpu.dynamic_gather %parallel_loop3A_474[%parallel_loop3A_486] in [0] : vector<16xf32>, vector<16xi32> -> vector<16xf32>
        %parallel_loop3A_488 = arith.index_cast %parallel_loop3A_415 : i32 to index
        %parallel_loop3A_489 = arith.constant 0 : index
        %parallel_loop3A_490 = tpu.vector_load %arg13[%parallel_loop3A_488, %parallel_loop3A_489] {strides = array<i32>} : memref<80x80xf32, #tpu.memory_space<vmem>>, vector<1x16xf32>,
        %parallel_loop3A_491 = vector.shape_cast %parallel_loop3A_490 : vector<1x16xf32> to vector<16xf32>
        %parallel_loop3A_492 = arith.mulf %parallel_loop3A_491, %parallel_loop3A_487 : vector<16xf32>
        %parallel_loop3A_493 = arith.index_cast %parallel_loop3A_415 : i32 to index
        %parallel_loop3A_494 = arith.constant 0 : index
        %parallel_loop3A_495 = tpu.vector_load %arg17[%parallel_loop3A_493, %parallel_loop3A_494] {strides = array<i32>} : memref<80x64xf32, #tpu.memory_space<vmem>>, vector<1x16xf32>,
        %parallel_loop3A_496 = vector.shape_cast %parallel_loop3A_495 : vector<1x16xf32> to vector<16xf32>
        %parallel_loop3A_497 = vector.shape_cast %parallel_loop3A_492 : vector<16xf32> to vector<1x16xf32>
        tpu.vector_store %arg17[%parallel_loop3A_493, %parallel_loop3A_494], %parallel_loop3A_497 {strides = array<i32>} : memref<80x64xf32, #tpu.memory_space<vmem>>, vector<1x16xf32>,
        %parallel_loop3A_498 = arith.constant 4 : i32
        %parallel_loop3A_499 = arith.muli %parallel_loop3A_498, %arg0 : i32
        %parallel_loop3A_500 = arith.constant 1 : i32
        %parallel_loop3A_501 = arith.addi %parallel_loop3A_499, %parallel_loop3A_500 : i32
        %parallel_loop3A_502 = vector.broadcast %parallel_loop3A_501 : i32 to vector<16xi32>
        %parallel_loop3A_503 = vector.shape_cast %parallel_loop3A_502 : vector<16xi32> to vector<16x1xi32>
        %parallel_loop3A_504 = vector.shape_cast %parallel_loop3A_503 : vector<16x1xi32> to vector<16xi32>
        %parallel_loop3A_505 = tpu.dynamic_gather %parallel_loop3A_474[%parallel_loop3A_504] in [0] : vector<16xf32>, vector<16xi32> -> vector<16xf32>
        %parallel_loop3A_506 = arith.index_cast %parallel_loop3A_415 : i32 to index
        %parallel_loop3A_507 = arith.constant 16 : index
        %parallel_loop3A_508 = tpu.vector_load %arg13[%parallel_loop3A_506, %parallel_loop3A_507] {strides = array<i32>} : memref<80x80xf32, #tpu.memory_space<vmem>>, vector<1x16xf32>,
        %parallel_loop3A_509 = vector.shape_cast %parallel_loop3A_508 : vector<1x16xf32> to vector<16xf32>
        %parallel_loop3A_510 = arith.mulf %parallel_loop3A_509, %parallel_loop3A_505 : vector<16xf32>
        %parallel_loop3A_511 = arith.index_cast %parallel_loop3A_415 : i32 to index
        %parallel_loop3A_512 = arith.constant 16 : index
        %parallel_loop3A_513 = tpu.vector_load %arg17[%parallel_loop3A_511, %parallel_loop3A_512] {strides = array<i32>} : memref<80x64xf32, #tpu.memory_space<vmem>>, vector<1x16xf32>,
        %parallel_loop3A_514 = vector.shape_cast %parallel_loop3A_513 : vector<1x16xf32> to vector<16xf32>
        %parallel_loop3A_515 = vector.shape_cast %parallel_loop3A_510 : vector<16xf32> to vector<1x16xf32>
        tpu.vector_store %arg17[%parallel_loop3A_511, %parallel_loop3A_512], %parallel_loop3A_515 {strides = array<i32>} : memref<80x64xf32, #tpu.memory_space<vmem>>, vector<1x16xf32>,
        %parallel_loop3A_516 = arith.constant 4 : i32
        %parallel_loop3A_517 = arith.muli %parallel_loop3A_516, %arg0 : i32
        %parallel_loop3A_518 = arith.constant 2 : i32
        %parallel_loop3A_519 = arith.addi %parallel_loop3A_517, %parallel_loop3A_518 : i32
        %parallel_loop3A_520 = vector.broadcast %parallel_loop3A_519 : i32 to vector<16xi32>
        %parallel_loop3A_521 = vector.shape_cast %parallel_loop3A_520 : vector<16xi32> to vector<16x1xi32>
        %parallel_loop3A_522 = vector.shape_cast %parallel_loop3A_521 : vector<16x1xi32> to vector<16xi32>
        %parallel_loop3A_523 = tpu.dynamic_gather %parallel_loop3A_474[%parallel_loop3A_522] in [0] : vector<16xf32>, vector<16xi32> -> vector<16xf32>
        %parallel_loop3A_524 = arith.index_cast %parallel_loop3A_415 : i32 to index
        %parallel_loop3A_525 = arith.constant 32 : index
        %parallel_loop3A_526 = tpu.vector_load %arg13[%parallel_loop3A_524, %parallel_loop3A_525] {strides = array<i32>} : memref<80x80xf32, #tpu.memory_space<vmem>>, vector<1x16xf32>,
        %parallel_loop3A_527 = vector.shape_cast %parallel_loop3A_526 : vector<1x16xf32> to vector<16xf32>
        %parallel_loop3A_528 = arith.mulf %parallel_loop3A_527, %parallel_loop3A_523 : vector<16xf32>
        %parallel_loop3A_529 = arith.index_cast %parallel_loop3A_415 : i32 to index
        %parallel_loop3A_530 = arith.constant 32 : index
        %parallel_loop3A_531 = tpu.vector_load %arg17[%parallel_loop3A_529, %parallel_loop3A_530] {strides = array<i32>} : memref<80x64xf32, #tpu.memory_space<vmem>>, vector<1x16xf32>,
        %parallel_loop3A_532 = vector.shape_cast %parallel_loop3A_531 : vector<1x16xf32> to vector<16xf32>
        %parallel_loop3A_533 = vector.shape_cast %parallel_loop3A_528 : vector<16xf32> to vector<1x16xf32>
        tpu.vector_store %arg17[%parallel_loop3A_529, %parallel_loop3A_530], %parallel_loop3A_533 {strides = array<i32>} : memref<80x64xf32, #tpu.memory_space<vmem>>, vector<1x16xf32>,
        %parallel_loop3A_534 = arith.constant 4 : i32
        %parallel_loop3A_535 = arith.muli %parallel_loop3A_534, %arg0 : i32
        %parallel_loop3A_536 = arith.constant 3 : i32
        %parallel_loop3A_537 = arith.addi %parallel_loop3A_535, %parallel_loop3A_536 : i32
        %parallel_loop3A_538 = vector.broadcast %parallel_loop3A_537 : i32 to vector<16xi32>
        %parallel_loop3A_539 = vector.shape_cast %parallel_loop3A_538 : vector<16xi32> to vector<16x1xi32>
        %parallel_loop3A_540 = vector.shape_cast %parallel_loop3A_539 : vector<16x1xi32> to vector<16xi32>
        %parallel_loop3A_541 = tpu.dynamic_gather %parallel_loop3A_474[%parallel_loop3A_540] in [0] : vector<16xf32>, vector<16xi32> -> vector<16xf32>
        %parallel_loop3A_542 = arith.index_cast %parallel_loop3A_415 : i32 to index
        %parallel_loop3A_543 = arith.constant 48 : index
        %parallel_loop3A_544 = tpu.vector_load %arg13[%parallel_loop3A_542, %parallel_loop3A_543] {strides = array<i32>} : memref<80x80xf32, #tpu.memory_space<vmem>>, vector<1x16xf32>,
        %parallel_loop3A_545 = vector.shape_cast %parallel_loop3A_544 : vector<1x16xf32> to vector<16xf32>
        %parallel_loop3A_546 = arith.mulf %parallel_loop3A_545, %parallel_loop3A_541 : vector<16xf32>
        %parallel_loop3A_547 = arith.index_cast %parallel_loop3A_415 : i32 to index
        %parallel_loop3A_548 = arith.constant 48 : index
        %parallel_loop3A_549 = tpu.vector_load %arg17[%parallel_loop3A_547, %parallel_loop3A_548] {strides = array<i32>} : memref<80x64xf32, #tpu.memory_space<vmem>>, vector<1x16xf32>,
        %parallel_loop3A_550 = vector.shape_cast %parallel_loop3A_549 : vector<1x16xf32> to vector<16xf32>
        %parallel_loop3A_551 = vector.shape_cast %parallel_loop3A_546 : vector<16xf32> to vector<1x16xf32>
        tpu.vector_store %arg17[%parallel_loop3A_547, %parallel_loop3A_548], %parallel_loop3A_551 {strides = array<i32>} : memref<80x64xf32, #tpu.memory_space<vmem>>, vector<1x16xf32>,
      } {sc.loop_unroll_factor = 8 : i64, sc.parallel_access}
      %eq3A_251 = arith.constant 0 : i32
      %eq3A_252 = arith.cmpi eq, %arg0, %eq3A_251 : i32
      %convert_element_type3A_253 = arith.extui %eq3A_252 : i1 to i32
      %cond3A_254 = arith.constant 0 : i32
      %cond3A_255 = arith.cmpi ne, %convert_element_type3A_253, %cond3A_254 : i32
      scf.if %cond3A_255 {
        %dma_start3A_415 = arith.constant 0 : i32
        %dma_start3A_416 = arith.constant 0 : i32
        %dma_start3A_417 = tpu.memref_slice %arg27[%dma_start3A_415, %dma_start3A_416] : memref<10000x16xf32, #tpu.memory_space<vmem_shared>> -> memref<10000x16xf32, #tpu.memory_space<vmem_shared>>
        tpu.enqueue_indirect_dma source(%arg19 : memref<80x16xf32, #tpu.memory_space<vmem>>) target(%dma_start3A_417 : memref<10000x16xf32, #tpu.memory_space<vmem_shared>>) offsets(%arg21 : memref<80xi32, #tpu.memory_space<vmem>>) semaphore(%arg32 : memref<!tpu.dma_semaphore, #tpu.memory_space<semaphore_mem>>) {add = true}
      } else {
      }
      %dma_start3A_256 = arith.constant 0 : i32
      %dma_start3A_257 = arith.constant 0 : i32
      %dma_start3A_258 = tpu.memref_slice %arg26[%dma_start3A_256, %dma_start3A_257] : memref<10000x64xf32, #tpu.memory_space<vmem_shared>> -> memref<10000x64xf32, #tpu.memory_space<vmem_shared>>
      tpu.enqueue_indirect_dma source(%arg17 : memref<80x64xf32, #tpu.memory_space<vmem>>) target(%dma_start3A_258 : memref<10000x64xf32, #tpu.memory_space<vmem_shared>>) offsets(%arg21 : memref<80xi32, #tpu.memory_space<vmem>>) semaphore(%arg32 : memref<!tpu.dma_semaphore, #tpu.memory_space<semaphore_mem>>) {add = true}
      %lt3A_259 = arith.constant 250 : i32
      %lt3A_260 = arith.cmpi slt, %add3A_123, %lt3A_259 : i32
      %convert_element_type3A_261 = arith.extui %lt3A_260 : i1 to i32
      %cond3A_262 = arith.constant 0 : i32
      %cond3A_263 = arith.cmpi ne, %convert_element_type3A_261, %cond3A_262 : i32
      scf.if %cond3A_263 {
        %dma_wait3A_415 = arith.constant 0 : i32
        %dma_wait3A_416 = tpu.memref_slice %arg2[%dma_wait3A_415] : memref<320000xi32, #tpu.memory_space<hbm>> -> memref<80xi32, #tpu.memory_space<hbm>>
        %dma_wait3A_417 = arith.constant 0 : i32
        %dma_wait3A_418 = tpu.memref_slice %arg2[%dma_wait3A_417] : memref<320000xi32, #tpu.memory_space<hbm>> -> memref<80xi32, #tpu.memory_space<hbm>>
        tpu.wait_dma2 semaphore(%arg30 : memref<!tpu.dma_semaphore, #tpu.memory_space<semaphore_mem>>) src(%dma_wait3A_418 : memref<80xi32, #tpu.memory_space<hbm>>) dst(%arg9 : memref<80xi32, #tpu.memory_space<vmem>>)
        %dma_wait3A_419 = arith.constant 0 : i32
        %dma_wait3A_420 = tpu.memref_slice %arg3[%dma_wait3A_419] : memref<320000xi32, #tpu.memory_space<hbm>> -> memref<80xi32, #tpu.memory_space<hbm>>
        %dma_wait3A_421 = arith.constant 0 : i32
        %dma_wait3A_422 = tpu.memref_slice %arg3[%dma_wait3A_421] : memref<320000xi32, #tpu.memory_space<hbm>> -> memref<80xi32, #tpu.memory_space<hbm>>
        tpu.wait_dma2 semaphore(%arg30 : memref<!tpu.dma_semaphore, #tpu.memory_space<semaphore_mem>>) src(%dma_wait3A_422 : memref<80xi32, #tpu.memory_space<hbm>>) dst(%arg11 : memref<80xi32, #tpu.memory_space<vmem>>)
        %eq3A_423 = arith.constant 0 : i32
        %eq3A_424 = arith.cmpi eq, %arg0, %eq3A_423 : i32
        %convert_element_type3A_425 = arith.extui %eq3A_424 : i1 to i32
        %cond3A_426 = arith.constant 0 : i32
        %cond3A_427 = arith.cmpi ne, %convert_element_type3A_425, %cond3A_426 : i32
        scf.if %cond3A_427 {
          %dma_start3A_436 = arith.constant 0 : i32
          %dma_start3A_437 = arith.constant 0 : i32
          %dma_start3A_438 = tpu.memref_slice %arg4[%dma_start3A_436, %dma_start3A_437] : memref<10000x80xf32, #tpu.memory_space<hbm>> -> memref<10000x80xf32, #tpu.memory_space<hbm>>
          tpu.enqueue_indirect_dma source(%dma_start3A_438 : memref<10000x80xf32, #tpu.memory_space<hbm>>) target(%arg13 : memref<80x80xf32, #tpu.memory_space<vmem>>) offsets(%arg9 : memref<80xi32, #tpu.memory_space<vmem>>) semaphore(%arg28 : memref<!tpu.dma_semaphore, #tpu.memory_space<semaphore_mem>>)
        } else {
        }
        %eq3A_428 = arith.constant 1 : i32
        %eq3A_429 = arith.cmpi eq, %arg0, %eq3A_428 : i32
        %convert_element_type3A_430 = arith.extui %eq3A_429 : i1 to i32
        %cond3A_431 = arith.constant 0 : i32
        %cond3A_432 = arith.cmpi ne, %convert_element_type3A_430, %cond3A_431 : i32
        scf.if %cond3A_432 {
          %dma_start3A_436 = arith.constant 0 : i32
          %dma_start3A_437 = arith.constant 0 : i32
          %dma_start3A_438 = tpu.memref_slice %arg5[%dma_start3A_436, %dma_start3A_437] : memref<10000x80xf32, #tpu.memory_space<hbm>> -> memref<10000x80xf32, #tpu.memory_space<hbm>>
          tpu.enqueue_indirect_dma source(%dma_start3A_438 : memref<10000x80xf32, #tpu.memory_space<hbm>>) target(%arg13 : memref<80x80xf32, #tpu.memory_space<vmem>>) offsets(%arg9 : memref<80xi32, #tpu.memory_space<vmem>>) semaphore(%arg28 : memref<!tpu.dma_semaphore, #tpu.memory_space<semaphore_mem>>)
        } else {
        }
        %dma_start3A_433 = arith.constant 0 : i32
        %dma_start3A_434 = arith.constant 0 : i32
        %dma_start3A_435 = tpu.memref_slice %arg6[%dma_start3A_433, %dma_start3A_434] : memref<10000x16xf32, #tpu.memory_space<hbm>> -> memref<10000x16xf32, #tpu.memory_space<hbm>>
        tpu.enqueue_indirect_dma source(%dma_start3A_435 : memref<10000x16xf32, #tpu.memory_space<hbm>>) target(%arg15 : memref<80x16xf32, #tpu.memory_space<vmem>>) offsets(%arg11 : memref<80xi32, #tpu.memory_space<vmem>>) semaphore(%arg28 : memref<!tpu.dma_semaphore, #tpu.memory_space<semaphore_mem>>)
      } else {
      }
      %add3A_264 = arith.constant 1 : i32
      %add3A_265 = arith.addi %add3A_121, %add3A_264 : i32
      %add3A_266 = arith.constant 3 : i32
      %add3A_267 = arith.addi %add3A_121, %add3A_266 : i32
      %dma_wait3A_268 = arith.constant 0 : i32
      %dma_wait3A_269 = arith.constant 0 : i32
      %dma_wait3A_270 = tpu.memref_slice %arg4[%dma_wait3A_268, %dma_wait3A_269] : memref<10000x80xf32, #tpu.memory_space<hbm>> -> memref<10000x80xf32, #tpu.memory_space<hbm>>
      tpu.wait_indirect_dma semaphore(%arg29 : memref<!tpu.dma_semaphore, #tpu.memory_space<semaphore_mem>>) src(%dma_wait3A_270 : memref<10000x80xf32, #tpu.memory_space<hbm>>) dst(%arg14 : memref<80x80xf32, #tpu.memory_space<vmem>>)
      %dma_wait3A_271 = arith.constant 0 : i32
      %dma_wait3A_272 = arith.constant 0 : i32
      %dma_wait3A_273 = tpu.memref_slice %arg6[%dma_wait3A_271, %dma_wait3A_272] : memref<10000x16xf32, #tpu.memory_space<hbm>> -> memref<10000x16xf32, #tpu.memory_space<hbm>>
      tpu.wait_indirect_dma semaphore(%arg29 : memref<!tpu.dma_semaphore, #tpu.memory_space<semaphore_mem>>) src(%dma_wait3A_273 : memref<10000x16xf32, #tpu.memory_space<hbm>>) dst(%arg16 : memref<80x16xf32, #tpu.memory_space<vmem>>)
      %ge3A_274 = arith.constant 2 : i32
      %ge3A_275 = arith.cmpi sge, %add3A_265, %ge3A_274 : i32
      %convert_element_type3A_276 = arith.extui %ge3A_275 : i1 to i32
      %cond3A_277 = arith.constant 0 : i32
      %cond3A_278 = arith.cmpi ne, %convert_element_type3A_276, %cond3A_277 : i32
      scf.if %cond3A_278 {
        %dma_wait3A_415 = arith.constant 0 : i32
        %dma_wait3A_416 = arith.constant 0 : i32
        %dma_wait3A_417 = tpu.memref_slice %arg26[%dma_wait3A_415, %dma_wait3A_416] : memref<10000x64xf32, #tpu.memory_space<vmem_shared>> -> memref<10000x64xf32, #tpu.memory_space<vmem_shared>>
        tpu.wait_indirect_dma semaphore(%arg33 : memref<!tpu.dma_semaphore, #tpu.memory_space<semaphore_mem>>) src(%arg18 : memref<80x64xf32, #tpu.memory_space<vmem>>) dst(%dma_wait3A_417 : memref<10000x64xf32, #tpu.memory_space<vmem_shared>>)
        %eq3A_418 = arith.constant 0 : i32
        %eq3A_419 = arith.cmpi eq, %arg0, %eq3A_418 : i32
        %convert_element_type3A_420 = arith.extui %eq3A_419 : i1 to i32
        %cond3A_421 = arith.constant 0 : i32
        %cond3A_422 = arith.cmpi ne, %convert_element_type3A_420, %cond3A_421 : i32
        scf.if %cond3A_422 {
          %dma_wait3A_423 = arith.constant 0 : i32
          %dma_wait3A_424 = arith.constant 0 : i32
          %dma_wait3A_425 = tpu.memref_slice %arg27[%dma_wait3A_423, %dma_wait3A_424] : memref<10000x16xf32, #tpu.memory_space<vmem_shared>> -> memref<10000x16xf32, #tpu.memory_space<vmem_shared>>
          tpu.wait_indirect_dma semaphore(%arg33 : memref<!tpu.dma_semaphore, #tpu.memory_space<semaphore_mem>>) src(%arg20 : memref<80x16xf32, #tpu.memory_space<vmem>>) dst(%dma_wait3A_425 : memref<10000x16xf32, #tpu.memory_space<vmem_shared>>)
        } else {
        }
      } else {
      }
      %get3A_279 = arith.constant 0 : index
      %get3A_280 = tpu.vector_load %arg12[%get3A_279] {strides = array<i32>} : memref<80xi32, #tpu.memory_space<vmem>>, vector<16xi32>,
      %get3A_281 = vector.shape_cast %get3A_280 : vector<16xi32> to vector<16xi32>
      %swap3A_282 = arith.constant 0 : index
      %swap3A_283 = tpu.vector_load %arg22[%swap3A_282] {strides = array<i32>} : memref<80xi32, #tpu.memory_space<vmem>>, vector<16xi32>,
      %swap3A_284 = vector.shape_cast %swap3A_283 : vector<16xi32> to vector<16xi32>
      %swap3A_285 = vector.shape_cast %get3A_281 : vector<16xi32> to vector<16xi32>
      tpu.vector_store %arg22[%swap3A_282], %swap3A_285 {strides = array<i32>} : memref<80xi32, #tpu.memory_space<vmem>>, vector<16xi32>,
      %get3A_286 = arith.constant 16 : index
      %get3A_287 = tpu.vector_load %arg12[%get3A_286] {strides = array<i32>} : memref<80xi32, #tpu.memory_space<vmem>>, vector<16xi32>,
      %get3A_288 = vector.shape_cast %get3A_287 : vector<16xi32> to vector<16xi32>
      %swap3A_289 = arith.constant 16 : index
      %swap3A_290 = tpu.vector_load %arg22[%swap3A_289] {strides = array<i32>} : memref<80xi32, #tpu.memory_space<vmem>>, vector<16xi32>,
      %swap3A_291 = vector.shape_cast %swap3A_290 : vector<16xi32> to vector<16xi32>
      %swap3A_292 = vector.shape_cast %get3A_288 : vector<16xi32> to vector<16xi32>
      tpu.vector_store %arg22[%swap3A_289], %swap3A_292 {strides = array<i32>} : memref<80xi32, #tpu.memory_space<vmem>>, vector<16xi32>,
      %get3A_293 = arith.constant 32 : index
      %get3A_294 = tpu.vector_load %arg12[%get3A_293] {strides = array<i32>} : memref<80xi32, #tpu.memory_space<vmem>>, vector<16xi32>,
      %get3A_295 = vector.shape_cast %get3A_294 : vector<16xi32> to vector<16xi32>
      %swap3A_296 = arith.constant 32 : index
      %swap3A_297 = tpu.vector_load %arg22[%swap3A_296] {strides = array<i32>} : memref<80xi32, #tpu.memory_space<vmem>>, vector<16xi32>,
      %swap3A_298 = vector.shape_cast %swap3A_297 : vector<16xi32> to vector<16xi32>
      %swap3A_299 = vector.shape_cast %get3A_295 : vector<16xi32> to vector<16xi32>
      tpu.vector_store %arg22[%swap3A_296], %swap3A_299 {strides = array<i32>} : memref<80xi32, #tpu.memory_space<vmem>>, vector<16xi32>,
      %get3A_300 = arith.constant 48 : index
      %get3A_301 = tpu.vector_load %arg12[%get3A_300] {strides = array<i32>} : memref<80xi32, #tpu.memory_space<vmem>>, vector<16xi32>,
      %get3A_302 = vector.shape_cast %get3A_301 : vector<16xi32> to vector<16xi32>
      %swap3A_303 = arith.constant 48 : index
      %swap3A_304 = tpu.vector_load %arg22[%swap3A_303] {strides = array<i32>} : memref<80xi32, #tpu.memory_space<vmem>>, vector<16xi32>,
      %swap3A_305 = vector.shape_cast %swap3A_304 : vector<16xi32> to vector<16xi32>
      %swap3A_306 = vector.shape_cast %get3A_302 : vector<16xi32> to vector<16xi32>
      tpu.vector_store %arg22[%swap3A_303], %swap3A_306 {strides = array<i32>} : memref<80xi32, #tpu.memory_space<vmem>>, vector<16xi32>,
      %get3A_307 = arith.constant 64 : index
      %get3A_308 = tpu.vector_load %arg12[%get3A_307] {strides = array<i32>} : memref<80xi32, #tpu.memory_space<vmem>>, vector<16xi32>,
      %get3A_309 = vector.shape_cast %get3A_308 : vector<16xi32> to vector<16xi32>
      %swap3A_310 = arith.constant 64 : index
      %swap3A_311 = tpu.vector_load %arg22[%swap3A_310] {strides = array<i32>} : memref<80xi32, #tpu.memory_space<vmem>>, vector<16xi32>,
      %swap3A_312 = vector.shape_cast %swap3A_311 : vector<16xi32> to vector<16xi32>
      %swap3A_313 = vector.shape_cast %get3A_309 : vector<16xi32> to vector<16xi32>
      tpu.vector_store %arg22[%swap3A_310], %swap3A_313 {strides = array<i32>} : memref<80xi32, #tpu.memory_space<vmem>>, vector<16xi32>,
      %get3A_314 = arith.constant 0 : index
      %get3A_315 = tpu.vector_load %arg10[%get3A_314] {strides = array<i32>} : memref<80xi32, #tpu.memory_space<vmem>>, vector<16xi32>,
      %get3A_316 = vector.shape_cast %get3A_315 : vector<16xi32> to vector<16xi32>
      %get3A_317 = arith.constant 0 : index
      %get3A_318 = tpu.vector_load %arg12[%get3A_317] {strides = array<i32>} : memref<80xi32, #tpu.memory_space<vmem>>, vector<16xi32>,
      %get3A_319 = vector.shape_cast %get3A_318 : vector<16xi32> to vector<16xi32>
      %eq3A_320 = arith.cmpi eq, %get3A_316, %get3A_319 : vector<16xi32>
      %jit3A_321 = arith.constant 0.000000e+00 : f32
      %jit3A_322 = arith.constant 1.000000e+00 : f32
      %broadcast_in_dim3A_323 = vector.broadcast %jit3A_321 : f32 to vector<16xf32>
      %broadcast_in_dim3A_324 = vector.broadcast %jit3A_322 : f32 to vector<16xf32>
      %select_n3A_325 = arith.select %eq3A_320, %broadcast_in_dim3A_323, %broadcast_in_dim3A_324 : vector<16xi1>, vector<16xf32>
      %swap3A_326 = arith.constant 0 : index
      %swap3A_327 = tpu.vector_load %arg23[%swap3A_326] {strides = array<i32>} : memref<80xf32, #tpu.memory_space<vmem>>, vector<16xf32>,
      %swap3A_328 = vector.shape_cast %swap3A_327 : vector<16xf32> to vector<16xf32>
      %swap3A_329 = vector.shape_cast %select_n3A_325 : vector<16xf32> to vector<16xf32>
      tpu.vector_store %arg23[%swap3A_326], %swap3A_329 {strides = array<i32>} : memref<80xf32, #tpu.memory_space<vmem>>, vector<16xf32>,
      %get3A_330 = arith.constant 16 : index
      %get3A_331 = tpu.vector_load %arg10[%get3A_330] {strides = array<i32>} : memref<80xi32, #tpu.memory_space<vmem>>, vector<16xi32>,
      %get3A_332 = vector.shape_cast %get3A_331 : vector<16xi32> to vector<16xi32>
      %get3A_333 = arith.constant 16 : index
      %get3A_334 = tpu.vector_load %arg12[%get3A_333] {strides = array<i32>} : memref<80xi32, #tpu.memory_space<vmem>>, vector<16xi32>,
      %get3A_335 = vector.shape_cast %get3A_334 : vector<16xi32> to vector<16xi32>
      %eq3A_336 = arith.cmpi eq, %get3A_332, %get3A_335 : vector<16xi32>
      %jit3A_337 = arith.constant 0.000000e+00 : f32
      %jit3A_338 = arith.constant 1.000000e+00 : f32
      %broadcast_in_dim3A_339 = vector.broadcast %jit3A_337 : f32 to vector<16xf32>
      %broadcast_in_dim3A_340 = vector.broadcast %jit3A_338 : f32 to vector<16xf32>
      %select_n3A_341 = arith.select %eq3A_336, %broadcast_in_dim3A_339, %broadcast_in_dim3A_340 : vector<16xi1>, vector<16xf32>
      %swap3A_342 = arith.constant 16 : index
      %swap3A_343 = tpu.vector_load %arg23[%swap3A_342] {strides = array<i32>} : memref<80xf32, #tpu.memory_space<vmem>>, vector<16xf32>,
      %swap3A_344 = vector.shape_cast %swap3A_343 : vector<16xf32> to vector<16xf32>
      %swap3A_345 = vector.shape_cast %select_n3A_341 : vector<16xf32> to vector<16xf32>
      tpu.vector_store %arg23[%swap3A_342], %swap3A_345 {strides = array<i32>} : memref<80xf32, #tpu.memory_space<vmem>>, vector<16xf32>,
      %get3A_346 = arith.constant 32 : index
      %get3A_347 = tpu.vector_load %arg10[%get3A_346] {strides = array<i32>} : memref<80xi32, #tpu.memory_space<vmem>>, vector<16xi32>,
      %get3A_348 = vector.shape_cast %get3A_347 : vector<16xi32> to vector<16xi32>
      %get3A_349 = arith.constant 32 : index
      %get3A_350 = tpu.vector_load %arg12[%get3A_349] {strides = array<i32>} : memref<80xi32, #tpu.memory_space<vmem>>, vector<16xi32>,
      %get3A_351 = vector.shape_cast %get3A_350 : vector<16xi32> to vector<16xi32>
      %eq3A_352 = arith.cmpi eq, %get3A_348, %get3A_351 : vector<16xi32>
      %jit3A_353 = arith.constant 0.000000e+00 : f32
      %jit3A_354 = arith.constant 1.000000e+00 : f32
      %broadcast_in_dim3A_355 = vector.broadcast %jit3A_353 : f32 to vector<16xf32>
      %broadcast_in_dim3A_356 = vector.broadcast %jit3A_354 : f32 to vector<16xf32>
      %select_n3A_357 = arith.select %eq3A_352, %broadcast_in_dim3A_355, %broadcast_in_dim3A_356 : vector<16xi1>, vector<16xf32>
      %swap3A_358 = arith.constant 32 : index
      %swap3A_359 = tpu.vector_load %arg23[%swap3A_358] {strides = array<i32>} : memref<80xf32, #tpu.memory_space<vmem>>, vector<16xf32>,
      %swap3A_360 = vector.shape_cast %swap3A_359 : vector<16xf32> to vector<16xf32>
      %swap3A_361 = vector.shape_cast %select_n3A_357 : vector<16xf32> to vector<16xf32>
      tpu.vector_store %arg23[%swap3A_358], %swap3A_361 {strides = array<i32>} : memref<80xf32, #tpu.memory_space<vmem>>, vector<16xf32>,
      %get3A_362 = arith.constant 48 : index
      %get3A_363 = tpu.vector_load %arg10[%get3A_362] {strides = array<i32>} : memref<80xi32, #tpu.memory_space<vmem>>, vector<16xi32>,
      %get3A_364 = vector.shape_cast %get3A_363 : vector<16xi32> to vector<16xi32>
      %get3A_365 = arith.constant 48 : index
      %get3A_366 = tpu.vector_load %arg12[%get3A_365] {strides = array<i32>} : memref<80xi32, #tpu.memory_space<vmem>>, vector<16xi32>,
      %get3A_367 = vector.shape_cast %get3A_366 : vector<16xi32> to vector<16xi32>
      %eq3A_368 = arith.cmpi eq, %get3A_364, %get3A_367 : vector<16xi32>
      %jit3A_369 = arith.constant 0.000000e+00 : f32
      %jit3A_370 = arith.constant 1.000000e+00 : f32
      %broadcast_in_dim3A_371 = vector.broadcast %jit3A_369 : f32 to vector<16xf32>
      %broadcast_in_dim3A_372 = vector.broadcast %jit3A_370 : f32 to vector<16xf32>
      %select_n3A_373 = arith.select %eq3A_368, %broadcast_in_dim3A_371, %broadcast_in_dim3A_372 : vector<16xi1>, vector<16xf32>
      %swap3A_374 = arith.constant 48 : index
      %swap3A_375 = tpu.vector_load %arg23[%swap3A_374] {strides = array<i32>} : memref<80xf32, #tpu.memory_space<vmem>>, vector<16xf32>,
      %swap3A_376 = vector.shape_cast %swap3A_375 : vector<16xf32> to vector<16xf32>
      %swap3A_377 = vector.shape_cast %select_n3A_373 : vector<16xf32> to vector<16xf32>
      tpu.vector_store %arg23[%swap3A_374], %swap3A_377 {strides = array<i32>} : memref<80xf32, #tpu.memory_space<vmem>>, vector<16xf32>,
      %get3A_378 = arith.constant 64 : index
      %get3A_379 = tpu.vector_load %arg10[%get3A_378] {strides = array<i32>} : memref<80xi32, #tpu.memory_space<vmem>>, vector<16xi32>,
      %get3A_380 = vector.shape_cast %get3A_379 : vector<16xi32> to vector<16xi32>
      %get3A_381 = arith.constant 64 : index
      %get3A_382 = tpu.vector_load %arg12[%get3A_381] {strides = array<i32>} : memref<80xi32, #tpu.memory_space<vmem>>, vector<16xi32>,
      %get3A_383 = vector.shape_cast %get3A_382 : vector<16xi32> to vector<16xi32>
      %eq3A_384 = arith.cmpi eq, %get3A_380, %get3A_383 : vector<16xi32>
      %jit3A_385 = arith.constant 0.000000e+00 : f32
      %jit3A_386 = arith.constant 1.000000e+00 : f32
      %broadcast_in_dim3A_387 = vector.broadcast %jit3A_385 : f32 to vector<16xf32>
      %broadcast_in_dim3A_388 = vector.broadcast %jit3A_386 : f32 to vector<16xf32>
      %select_n3A_389 = arith.select %eq3A_384, %broadcast_in_dim3A_387, %broadcast_in_dim3A_388 : vector<16xi1>, vector<16xf32>
      %swap3A_390 = arith.constant 64 : index
      %swap3A_391 = tpu.vector_load %arg23[%swap3A_390] {strides = array<i32>} : memref<80xf32, #tpu.memory_space<vmem>>, vector<16xf32>,
      %swap3A_392 = vector.shape_cast %swap3A_391 : vector<16xf32> to vector<16xf32>
      %swap3A_393 = vector.shape_cast %select_n3A_389 : vector<16xf32> to vector<16xf32>
      tpu.vector_store %arg23[%swap3A_390], %swap3A_393 {strides = array<i32>} : memref<80xf32, #tpu.memory_space<vmem>>, vector<16xf32>,
      %lt3A_394 = arith.constant 250 : i32
      %lt3A_395 = arith.cmpi slt, %add3A_267, %lt3A_394 : i32
      %convert_element_type3A_396 = arith.extui %lt3A_395 : i1 to i32
      %cond3A_397 = arith.constant 0 : i32
      %cond3A_398 = arith.cmpi ne, %convert_element_type3A_396, %cond3A_397 : i32
      scf.if %cond3A_398 {
        %mul3A_415 = arith.constant 20000 : i32
        %mul3A_416 = arith.muli %arg1, %mul3A_415 : i32
        %mul3A_417 = arith.constant 80 : i32
        %mul3A_418 = arith.muli %add3A_267, %mul3A_417 : i32
        %add3A_419 = arith.addi %mul3A_416, %mul3A_418 : i32
        %dma_start3A_420 = tpu.memref_slice %arg2[%add3A_419] : memref<320000xi32, #tpu.memory_space<hbm>> -> memref<80xi32, #tpu.memory_space<hbm>>
        %dma_start3A_421 = tpu.memref_slice %arg2[%add3A_419] : memref<320000xi32, #tpu.memory_space<hbm>> -> memref<80xi32, #tpu.memory_space<hbm>>
        tpu.enqueue_dma source(%dma_start3A_421 : memref<80xi32, #tpu.memory_space<hbm>>) target(%arg10 : memref<80xi32, #tpu.memory_space<vmem>>) target_semaphore(%arg31 : memref<!tpu.dma_semaphore, #tpu.memory_space<semaphore_mem>>)
        %dma_start3A_422 = tpu.memref_slice %arg3[%add3A_419] : memref<320000xi32, #tpu.memory_space<hbm>> -> memref<80xi32, #tpu.memory_space<hbm>>
        %dma_start3A_423 = tpu.memref_slice %arg3[%add3A_419] : memref<320000xi32, #tpu.memory_space<hbm>> -> memref<80xi32, #tpu.memory_space<hbm>>
        tpu.enqueue_dma source(%dma_start3A_423 : memref<80xi32, #tpu.memory_space<hbm>>) target(%arg12 : memref<80xi32, #tpu.memory_space<vmem>>) target_semaphore(%arg31 : memref<!tpu.dma_semaphore, #tpu.memory_space<semaphore_mem>>)
      } else {
      }
      %parallel_loop3A_399 = arith.constant 0 : i32
      %parallel_loop3A_400 = arith.constant 80 : i32
      %parallel_loop3A_401 = arith.constant 1 : i32
      scf.for %parallel_loop3A_415 = %parallel_loop3A_399 to %parallel_loop3A_400 step %parallel_loop3A_401  : i32 {
        %parallel_loop3A_416 = arith.index_cast %parallel_loop3A_415 : i32 to index
        %parallel_loop3A_417 = arith.constant 0 : index
        %parallel_loop3A_418 = tpu.vector_load %arg16[%parallel_loop3A_416, %parallel_loop3A_417] {strides = array<i32>} : memref<80x16xf32, #tpu.memory_space<vmem>>, vector<1x16xf32>,
        %parallel_loop3A_419 = vector.shape_cast %parallel_loop3A_418 : vector<1x16xf32> to vector<16xf32>
        %parallel_loop3A_420 = arith.index_cast %parallel_loop3A_415 : i32 to index
        %parallel_loop3A_421 = arith.constant 64 : index
        %parallel_loop3A_422 = tpu.vector_load %arg14[%parallel_loop3A_420, %parallel_loop3A_421] {strides = array<i32>} : memref<80x80xf32, #tpu.memory_space<vmem>>, vector<1x16xf32>,
        %parallel_loop3A_423 = vector.shape_cast %parallel_loop3A_422 : vector<1x16xf32> to vector<16xf32>
        %parallel_loop3A_424 = vector.shape_cast %add3A_3 : vector<16xi32> to vector<16x1xi32>
        %parallel_loop3A_425 = vector.shape_cast %parallel_loop3A_424 : vector<16x1xi32> to vector<16xi32>
        %parallel_loop3A_426 = tpu.dynamic_gather %parallel_loop3A_423[%parallel_loop3A_425] in [0] : vector<16xf32>, vector<16xi32> -> vector<16xf32>
        %parallel_loop3A_427 = vector.shape_cast %add3A_3 : vector<16xi32> to vector<16x1xi32>
        %parallel_loop3A_428 = vector.shape_cast %parallel_loop3A_427 : vector<16x1xi32> to vector<16xi32>
        %parallel_loop3A_429 = tpu.dynamic_gather %parallel_loop3A_419[%parallel_loop3A_428] in [0] : vector<16xf32>, vector<16xi32> -> vector<16xf32>
        %parallel_loop3A_430 = arith.constant 16 : i32
        %parallel_loop3A_431 = arith.divsi %parallel_loop3A_415, %parallel_loop3A_430 : i32
        %parallel_loop3A_432 = arith.constant 0 : i32
        %parallel_loop3A_433 = arith.cmpi sgt, %parallel_loop3A_415, %parallel_loop3A_432 : i32
        %parallel_loop3A_434 = arith.extui %parallel_loop3A_433 : i1 to i32
        %parallel_loop3A_435 = arith.constant 0 : i32
        %parallel_loop3A_436 = arith.cmpi slt, %parallel_loop3A_415, %parallel_loop3A_435 : i32
        %parallel_loop3A_437 = arith.extui %parallel_loop3A_436 : i1 to i32
        %parallel_loop3A_438 = arith.subi %parallel_loop3A_434, %parallel_loop3A_437 : i32
        %parallel_loop3A_439 = arith.constant 0 : i32
        %parallel_loop3A_440 = arith.cmpi sgt, %parallel_loop3A_430, %parallel_loop3A_439 : i32
        %parallel_loop3A_441 = arith.extui %parallel_loop3A_440 : i1 to i32
        %parallel_loop3A_442 = arith.constant 0 : i32
        %parallel_loop3A_443 = arith.cmpi slt, %parallel_loop3A_430, %parallel_loop3A_442 : i32
        %parallel_loop3A_444 = arith.extui %parallel_loop3A_443 : i1 to i32
        %parallel_loop3A_445 = arith.subi %parallel_loop3A_441, %parallel_loop3A_444 : i32
        %parallel_loop3A_446 = arith.cmpi ne, %parallel_loop3A_438, %parallel_loop3A_445 : i32
        %parallel_loop3A_447 = arith.remsi %parallel_loop3A_415, %parallel_loop3A_430 : i32
        %parallel_loop3A_448 = arith.constant 0 : i32
        %parallel_loop3A_449 = arith.cmpi ne, %parallel_loop3A_447, %parallel_loop3A_448 : i32
        %parallel_loop3A_450 = arith.andi %parallel_loop3A_446, %parallel_loop3A_449 : i1
        %parallel_loop3A_451 = arith.constant 1 : i32
        %parallel_loop3A_452 = arith.subi %parallel_loop3A_431, %parallel_loop3A_451 : i32
        %parallel_loop3A_453 = arith.select %parallel_loop3A_450, %parallel_loop3A_452, %parallel_loop3A_431 : i32
        %parallel_loop3A_454 = arith.constant 16 : i32
        %parallel_loop3A_455 = arith.muli %parallel_loop3A_453, %parallel_loop3A_454 : i32
        %parallel_loop3A_456 = arith.constant 64 : i32
        %parallel_loop3A_457 = arith.minsi %parallel_loop3A_455, %parallel_loop3A_456 : i32
        %parallel_loop3A_458 = tpu.assume_multiple %parallel_loop3A_457, 8 : i32
        %parallel_loop3A_459 = arith.index_cast %parallel_loop3A_458 : i32 to index
        %parallel_loop3A_460 = tpu.vector_load %arg23[%parallel_loop3A_459] {strides = array<i32>} : memref<80xf32, #tpu.memory_space<vmem>>, vector<16xf32>,
        %parallel_loop3A_461 = vector.shape_cast %parallel_loop3A_460 : vector<16xf32> to vector<16xf32>
        %parallel_loop3A_462 = arith.subi %parallel_loop3A_415, %parallel_loop3A_458 : i32
        %parallel_loop3A_463 = vector.broadcast %parallel_loop3A_462 : i32 to vector<16xi32>
        %parallel_loop3A_464 = vector.shape_cast %parallel_loop3A_463 : vector<16xi32> to vector<16x1xi32>
        %parallel_loop3A_465 = vector.shape_cast %parallel_loop3A_464 : vector<16x1xi32> to vector<16xi32>
        %parallel_loop3A_466 = tpu.dynamic_gather %parallel_loop3A_461[%parallel_loop3A_465] in [0] : vector<16xf32>, vector<16xi32> -> vector<16xf32>
        %parallel_loop3A_467 = arith.addf %parallel_loop3A_419, %parallel_loop3A_426 : vector<16xf32>
        %parallel_loop3A_468 = arith.constant 2.000000e-01 : f32
        %parallel_loop3A_469 = vector.broadcast %parallel_loop3A_468 : f32 to vector<16xf32>
        %parallel_loop3A_470 = arith.mulf %parallel_loop3A_469, %parallel_loop3A_467 : vector<16xf32>
        %parallel_loop3A_471 = arith.maximumf %parallel_loop3A_467, %parallel_loop3A_470 : vector<16xf32>
        %parallel_loop3A_472 = arith.subf %parallel_loop3A_471, %parallel_loop3A_429 : vector<16xf32>
        %parallel_loop3A_473 = math.exp %parallel_loop3A_472 : vector<16xf32>
        %parallel_loop3A_474 = arith.mulf %parallel_loop3A_473, %parallel_loop3A_466 : vector<16xf32>
        %parallel_loop3A_475 = arith.index_cast %parallel_loop3A_415 : i32 to index
        %parallel_loop3A_476 = arith.constant 0 : index
        %parallel_loop3A_477 = tpu.vector_load %arg20[%parallel_loop3A_475, %parallel_loop3A_476] {strides = array<i32>} : memref<80x16xf32, #tpu.memory_space<vmem>>, vector<1x16xf32>,
        %parallel_loop3A_478 = vector.shape_cast %parallel_loop3A_477 : vector<1x16xf32> to vector<16xf32>
        %parallel_loop3A_479 = vector.shape_cast %parallel_loop3A_474 : vector<16xf32> to vector<1x16xf32>
        tpu.vector_store %arg20[%parallel_loop3A_475, %parallel_loop3A_476], %parallel_loop3A_479 {strides = array<i32>} : memref<80x16xf32, #tpu.memory_space<vmem>>, vector<1x16xf32>,
        %parallel_loop3A_480 = arith.constant 4 : i32
        %parallel_loop3A_481 = arith.muli %parallel_loop3A_480, %arg0 : i32
        %parallel_loop3A_482 = arith.constant 0 : i32
        %parallel_loop3A_483 = arith.addi %parallel_loop3A_481, %parallel_loop3A_482 : i32
        %parallel_loop3A_484 = vector.broadcast %parallel_loop3A_483 : i32 to vector<16xi32>
        %parallel_loop3A_485 = vector.shape_cast %parallel_loop3A_484 : vector<16xi32> to vector<16x1xi32>
        %parallel_loop3A_486 = vector.shape_cast %parallel_loop3A_485 : vector<16x1xi32> to vector<16xi32>
        %parallel_loop3A_487 = tpu.dynamic_gather %parallel_loop3A_474[%parallel_loop3A_486] in [0] : vector<16xf32>, vector<16xi32> -> vector<16xf32>
        %parallel_loop3A_488 = arith.index_cast %parallel_loop3A_415 : i32 to index
        %parallel_loop3A_489 = arith.constant 0 : index
        %parallel_loop3A_490 = tpu.vector_load %arg14[%parallel_loop3A_488, %parallel_loop3A_489] {strides = array<i32>} : memref<80x80xf32, #tpu.memory_space<vmem>>, vector<1x16xf32>,
        %parallel_loop3A_491 = vector.shape_cast %parallel_loop3A_490 : vector<1x16xf32> to vector<16xf32>
        %parallel_loop3A_492 = arith.mulf %parallel_loop3A_491, %parallel_loop3A_487 : vector<16xf32>
        %parallel_loop3A_493 = arith.index_cast %parallel_loop3A_415 : i32 to index
        %parallel_loop3A_494 = arith.constant 0 : index
        %parallel_loop3A_495 = tpu.vector_load %arg18[%parallel_loop3A_493, %parallel_loop3A_494] {strides = array<i32>} : memref<80x64xf32, #tpu.memory_space<vmem>>, vector<1x16xf32>,
        %parallel_loop3A_496 = vector.shape_cast %parallel_loop3A_495 : vector<1x16xf32> to vector<16xf32>
        %parallel_loop3A_497 = vector.shape_cast %parallel_loop3A_492 : vector<16xf32> to vector<1x16xf32>
        tpu.vector_store %arg18[%parallel_loop3A_493, %parallel_loop3A_494], %parallel_loop3A_497 {strides = array<i32>} : memref<80x64xf32, #tpu.memory_space<vmem>>, vector<1x16xf32>,
        %parallel_loop3A_498 = arith.constant 4 : i32
        %parallel_loop3A_499 = arith.muli %parallel_loop3A_498, %arg0 : i32
        %parallel_loop3A_500 = arith.constant 1 : i32
        %parallel_loop3A_501 = arith.addi %parallel_loop3A_499, %parallel_loop3A_500 : i32
        %parallel_loop3A_502 = vector.broadcast %parallel_loop3A_501 : i32 to vector<16xi32>
        %parallel_loop3A_503 = vector.shape_cast %parallel_loop3A_502 : vector<16xi32> to vector<16x1xi32>
        %parallel_loop3A_504 = vector.shape_cast %parallel_loop3A_503 : vector<16x1xi32> to vector<16xi32>
        %parallel_loop3A_505 = tpu.dynamic_gather %parallel_loop3A_474[%parallel_loop3A_504] in [0] : vector<16xf32>, vector<16xi32> -> vector<16xf32>
        %parallel_loop3A_506 = arith.index_cast %parallel_loop3A_415 : i32 to index
        %parallel_loop3A_507 = arith.constant 16 : index
        %parallel_loop3A_508 = tpu.vector_load %arg14[%parallel_loop3A_506, %parallel_loop3A_507] {strides = array<i32>} : memref<80x80xf32, #tpu.memory_space<vmem>>, vector<1x16xf32>,
        %parallel_loop3A_509 = vector.shape_cast %parallel_loop3A_508 : vector<1x16xf32> to vector<16xf32>
        %parallel_loop3A_510 = arith.mulf %parallel_loop3A_509, %parallel_loop3A_505 : vector<16xf32>
        %parallel_loop3A_511 = arith.index_cast %parallel_loop3A_415 : i32 to index
        %parallel_loop3A_512 = arith.constant 16 : index
        %parallel_loop3A_513 = tpu.vector_load %arg18[%parallel_loop3A_511, %parallel_loop3A_512] {strides = array<i32>} : memref<80x64xf32, #tpu.memory_space<vmem>>, vector<1x16xf32>,
        %parallel_loop3A_514 = vector.shape_cast %parallel_loop3A_513 : vector<1x16xf32> to vector<16xf32>
        %parallel_loop3A_515 = vector.shape_cast %parallel_loop3A_510 : vector<16xf32> to vector<1x16xf32>
        tpu.vector_store %arg18[%parallel_loop3A_511, %parallel_loop3A_512], %parallel_loop3A_515 {strides = array<i32>} : memref<80x64xf32, #tpu.memory_space<vmem>>, vector<1x16xf32>,
        %parallel_loop3A_516 = arith.constant 4 : i32
        %parallel_loop3A_517 = arith.muli %parallel_loop3A_516, %arg0 : i32
        %parallel_loop3A_518 = arith.constant 2 : i32
        %parallel_loop3A_519 = arith.addi %parallel_loop3A_517, %parallel_loop3A_518 : i32
        %parallel_loop3A_520 = vector.broadcast %parallel_loop3A_519 : i32 to vector<16xi32>
        %parallel_loop3A_521 = vector.shape_cast %parallel_loop3A_520 : vector<16xi32> to vector<16x1xi32>
        %parallel_loop3A_522 = vector.shape_cast %parallel_loop3A_521 : vector<16x1xi32> to vector<16xi32>
        %parallel_loop3A_523 = tpu.dynamic_gather %parallel_loop3A_474[%parallel_loop3A_522] in [0] : vector<16xf32>, vector<16xi32> -> vector<16xf32>
        %parallel_loop3A_524 = arith.index_cast %parallel_loop3A_415 : i32 to index
        %parallel_loop3A_525 = arith.constant 32 : index
        %parallel_loop3A_526 = tpu.vector_load %arg14[%parallel_loop3A_524, %parallel_loop3A_525] {strides = array<i32>} : memref<80x80xf32, #tpu.memory_space<vmem>>, vector<1x16xf32>,
        %parallel_loop3A_527 = vector.shape_cast %parallel_loop3A_526 : vector<1x16xf32> to vector<16xf32>
        %parallel_loop3A_528 = arith.mulf %parallel_loop3A_527, %parallel_loop3A_523 : vector<16xf32>
        %parallel_loop3A_529 = arith.index_cast %parallel_loop3A_415 : i32 to index
        %parallel_loop3A_530 = arith.constant 32 : index
        %parallel_loop3A_531 = tpu.vector_load %arg18[%parallel_loop3A_529, %parallel_loop3A_530] {strides = array<i32>} : memref<80x64xf32, #tpu.memory_space<vmem>>, vector<1x16xf32>,
        %parallel_loop3A_532 = vector.shape_cast %parallel_loop3A_531 : vector<1x16xf32> to vector<16xf32>
        %parallel_loop3A_533 = vector.shape_cast %parallel_loop3A_528 : vector<16xf32> to vector<1x16xf32>
        tpu.vector_store %arg18[%parallel_loop3A_529, %parallel_loop3A_530], %parallel_loop3A_533 {strides = array<i32>} : memref<80x64xf32, #tpu.memory_space<vmem>>, vector<1x16xf32>,
        %parallel_loop3A_534 = arith.constant 4 : i32
        %parallel_loop3A_535 = arith.muli %parallel_loop3A_534, %arg0 : i32
        %parallel_loop3A_536 = arith.constant 3 : i32
        %parallel_loop3A_537 = arith.addi %parallel_loop3A_535, %parallel_loop3A_536 : i32
        %parallel_loop3A_538 = vector.broadcast %parallel_loop3A_537 : i32 to vector<16xi32>
        %parallel_loop3A_539 = vector.shape_cast %parallel_loop3A_538 : vector<16xi32> to vector<16x1xi32>
        %parallel_loop3A_540 = vector.shape_cast %parallel_loop3A_539 : vector<16x1xi32> to vector<16xi32>
        %parallel_loop3A_541 = tpu.dynamic_gather %parallel_loop3A_474[%parallel_loop3A_540] in [0] : vector<16xf32>, vector<16xi32> -> vector<16xf32>
        %parallel_loop3A_542 = arith.index_cast %parallel_loop3A_415 : i32 to index
        %parallel_loop3A_543 = arith.constant 48 : index
        %parallel_loop3A_544 = tpu.vector_load %arg14[%parallel_loop3A_542, %parallel_loop3A_543] {strides = array<i32>} : memref<80x80xf32, #tpu.memory_space<vmem>>, vector<1x16xf32>,
        %parallel_loop3A_545 = vector.shape_cast %parallel_loop3A_544 : vector<1x16xf32> to vector<16xf32>
        %parallel_loop3A_546 = arith.mulf %parallel_loop3A_545, %parallel_loop3A_541 : vector<16xf32>
        %parallel_loop3A_547 = arith.index_cast %parallel_loop3A_415 : i32 to index
        %parallel_loop3A_548 = arith.constant 48 : index
        %parallel_loop3A_549 = tpu.vector_load %arg18[%parallel_loop3A_547, %parallel_loop3A_548] {strides = array<i32>} : memref<80x64xf32, #tpu.memory_space<vmem>>, vector<1x16xf32>,
        %parallel_loop3A_550 = vector.shape_cast %parallel_loop3A_549 : vector<1x16xf32> to vector<16xf32>
        %parallel_loop3A_551 = vector.shape_cast %parallel_loop3A_546 : vector<16xf32> to vector<1x16xf32>
        tpu.vector_store %arg18[%parallel_loop3A_547, %parallel_loop3A_548], %parallel_loop3A_551 {strides = array<i32>} : memref<80x64xf32, #tpu.memory_space<vmem>>, vector<1x16xf32>,
      } {sc.loop_unroll_factor = 8 : i64, sc.parallel_access}
      %eq3A_402 = arith.constant 0 : i32
      %eq3A_403 = arith.cmpi eq, %arg0, %eq3A_402 : i32
      %convert_element_type3A_404 = arith.extui %eq3A_403 : i1 to i32
      %cond3A_405 = arith.constant 0 : i32
      %cond3A_406 = arith.cmpi ne, %convert_element_type3A_404, %cond3A_405 : i32
      scf.if %cond3A_406 {
        %dma_start3A_415 = arith.constant 0 : i32
        %dma_start3A_416 = arith.constant 0 : i32
        %dma_start3A_417 = tpu.memref_slice %arg27[%dma_start3A_415, %dma_start3A_416] : memref<10000x16xf32, #tpu.memory_space<vmem_shared>> -> memref<10000x16xf32, #tpu.memory_space<vmem_shared>>
        tpu.enqueue_indirect_dma source(%arg20 : memref<80x16xf32, #tpu.memory_space<vmem>>) target(%dma_start3A_417 : memref<10000x16xf32, #tpu.memory_space<vmem_shared>>) offsets(%arg22 : memref<80xi32, #tpu.memory_space<vmem>>) semaphore(%arg33 : memref<!tpu.dma_semaphore, #tpu.memory_space<semaphore_mem>>) {add = true}
      } else {
      }
      %dma_start3A_407 = arith.constant 0 : i32
      %dma_start3A_408 = arith.constant 0 : i32
      %dma_start3A_409 = tpu.memref_slice %arg26[%dma_start3A_407, %dma_start3A_408] : memref<10000x64xf32, #tpu.memory_space<vmem_shared>> -> memref<10000x64xf32, #tpu.memory_space<vmem_shared>>
      tpu.enqueue_indirect_dma source(%arg18 : memref<80x64xf32, #tpu.memory_space<vmem>>) target(%dma_start3A_409 : memref<10000x64xf32, #tpu.memory_space<vmem_shared>>) offsets(%arg22 : memref<80xi32, #tpu.memory_space<vmem>>) semaphore(%arg33 : memref<!tpu.dma_semaphore, #tpu.memory_space<semaphore_mem>>) {add = true}
      %lt3A_410 = arith.constant 250 : i32
      %lt3A_411 = arith.cmpi slt, %add3A_267, %lt3A_410 : i32
      %convert_element_type3A_412 = arith.extui %lt3A_411 : i1 to i32
      %cond3A_413 = arith.constant 0 : i32
      %cond3A_414 = arith.cmpi ne, %convert_element_type3A_412, %cond3A_413 : i32
      scf.if %cond3A_414 {
        %dma_wait3A_415 = arith.constant 0 : i32
        %dma_wait3A_416 = tpu.memref_slice %arg2[%dma_wait3A_415] : memref<320000xi32, #tpu.memory_space<hbm>> -> memref<80xi32, #tpu.memory_space<hbm>>
        %dma_wait3A_417 = arith.constant 0 : i32
        %dma_wait3A_418 = tpu.memref_slice %arg2[%dma_wait3A_417] : memref<320000xi32, #tpu.memory_space<hbm>> -> memref<80xi32, #tpu.memory_space<hbm>>
        tpu.wait_dma2 semaphore(%arg31 : memref<!tpu.dma_semaphore, #tpu.memory_space<semaphore_mem>>) src(%dma_wait3A_418 : memref<80xi32, #tpu.memory_space<hbm>>) dst(%arg10 : memref<80xi32, #tpu.memory_space<vmem>>)
        %dma_wait3A_419 = arith.constant 0 : i32
        %dma_wait3A_420 = tpu.memref_slice %arg3[%dma_wait3A_419] : memref<320000xi32, #tpu.memory_space<hbm>> -> memref<80xi32, #tpu.memory_space<hbm>>
        %dma_wait3A_421 = arith.constant 0 : i32
        %dma_wait3A_422 = tpu.memref_slice %arg3[%dma_wait3A_421] : memref<320000xi32, #tpu.memory_space<hbm>> -> memref<80xi32, #tpu.memory_space<hbm>>
        tpu.wait_dma2 semaphore(%arg31 : memref<!tpu.dma_semaphore, #tpu.memory_space<semaphore_mem>>) src(%dma_wait3A_422 : memref<80xi32, #tpu.memory_space<hbm>>) dst(%arg12 : memref<80xi32, #tpu.memory_space<vmem>>)
        %eq3A_423 = arith.constant 0 : i32
        %eq3A_424 = arith.cmpi eq, %arg0, %eq3A_423 : i32
        %convert_element_type3A_425 = arith.extui %eq3A_424 : i1 to i32
        %cond3A_426 = arith.constant 0 : i32
        %cond3A_427 = arith.cmpi ne, %convert_element_type3A_425, %cond3A_426 : i32
        scf.if %cond3A_427 {
          %dma_start3A_436 = arith.constant 0 : i32
          %dma_start3A_437 = arith.constant 0 : i32
          %dma_start3A_438 = tpu.memref_slice %arg4[%dma_start3A_436, %dma_start3A_437] : memref<10000x80xf32, #tpu.memory_space<hbm>> -> memref<10000x80xf32, #tpu.memory_space<hbm>>
          tpu.enqueue_indirect_dma source(%dma_start3A_438 : memref<10000x80xf32, #tpu.memory_space<hbm>>) target(%arg14 : memref<80x80xf32, #tpu.memory_space<vmem>>) offsets(%arg10 : memref<80xi32, #tpu.memory_space<vmem>>) semaphore(%arg29 : memref<!tpu.dma_semaphore, #tpu.memory_space<semaphore_mem>>)
        } else {
        }
        %eq3A_428 = arith.constant 1 : i32
        %eq3A_429 = arith.cmpi eq, %arg0, %eq3A_428 : i32
        %convert_element_type3A_430 = arith.extui %eq3A_429 : i1 to i32
        %cond3A_431 = arith.constant 0 : i32
        %cond3A_432 = arith.cmpi ne, %convert_element_type3A_430, %cond3A_431 : i32
        scf.if %cond3A_432 {
          %dma_start3A_436 = arith.constant 0 : i32
          %dma_start3A_437 = arith.constant 0 : i32
          %dma_start3A_438 = tpu.memref_slice %arg5[%dma_start3A_436, %dma_start3A_437] : memref<10000x80xf32, #tpu.memory_space<hbm>> -> memref<10000x80xf32, #tpu.memory_space<hbm>>
          tpu.enqueue_indirect_dma source(%dma_start3A_438 : memref<10000x80xf32, #tpu.memory_space<hbm>>) target(%arg14 : memref<80x80xf32, #tpu.memory_space<vmem>>) offsets(%arg10 : memref<80xi32, #tpu.memory_space<vmem>>) semaphore(%arg29 : memref<!tpu.dma_semaphore, #tpu.memory_space<semaphore_mem>>)
        } else {
        }
        %dma_start3A_433 = arith.constant 0 : i32
        %dma_start3A_434 = arith.constant 0 : i32
        %dma_start3A_435 = tpu.memref_slice %arg6[%dma_start3A_433, %dma_start3A_434] : memref<10000x16xf32, #tpu.memory_space<hbm>> -> memref<10000x16xf32, #tpu.memory_space<hbm>>
        tpu.enqueue_indirect_dma source(%dma_start3A_435 : memref<10000x16xf32, #tpu.memory_space<hbm>>) target(%arg16 : memref<80x16xf32, #tpu.memory_space<vmem>>) offsets(%arg12 : memref<80xi32, #tpu.memory_space<vmem>>) semaphore(%arg29 : memref<!tpu.dma_semaphore, #tpu.memory_space<semaphore_mem>>)
      } else {
      }
    }
    %scan3A_92 = arith.constant 125 : i32
    %dma_wait3A_93 = arith.constant 0 : i32
    %dma_wait3A_94 = arith.constant 0 : i32
    %dma_wait3A_95 = tpu.memref_slice %arg26[%dma_wait3A_93, %dma_wait3A_94] : memref<10000x64xf32, #tpu.memory_space<vmem_shared>> -> memref<10000x64xf32, #tpu.memory_space<vmem_shared>>
    tpu.wait_indirect_dma semaphore(%arg32 : memref<!tpu.dma_semaphore, #tpu.memory_space<semaphore_mem>>) src(%arg17 : memref<80x64xf32, #tpu.memory_space<vmem>>) dst(%dma_wait3A_95 : memref<10000x64xf32, #tpu.memory_space<vmem_shared>>)
    %eq3A_96 = arith.constant 0 : i32
    %eq3A_97 = arith.cmpi eq, %arg0, %eq3A_96 : i32
    %convert_element_type3A_98 = arith.extui %eq3A_97 : i1 to i32
    %cond3A_99 = arith.constant 0 : i32
    %cond3A_100 = arith.cmpi ne, %convert_element_type3A_98, %cond3A_99 : i32
    scf.if %cond3A_100 {
      %dma_wait3A_117 = arith.constant 0 : i32
      %dma_wait3A_118 = arith.constant 0 : i32
      %dma_wait3A_119 = tpu.memref_slice %arg27[%dma_wait3A_117, %dma_wait3A_118] : memref<10000x16xf32, #tpu.memory_space<vmem_shared>> -> memref<10000x16xf32, #tpu.memory_space<vmem_shared>>
      tpu.wait_indirect_dma semaphore(%arg32 : memref<!tpu.dma_semaphore, #tpu.memory_space<semaphore_mem>>) src(%arg19 : memref<80x16xf32, #tpu.memory_space<vmem>>) dst(%dma_wait3A_119 : memref<10000x16xf32, #tpu.memory_space<vmem_shared>>)
    } else {
    }
    %dma_wait3A_101 = arith.constant 0 : i32
    %dma_wait3A_102 = arith.constant 0 : i32
    %dma_wait3A_103 = tpu.memref_slice %arg26[%dma_wait3A_101, %dma_wait3A_102] : memref<10000x64xf32, #tpu.memory_space<vmem_shared>> -> memref<10000x64xf32, #tpu.memory_space<vmem_shared>>
    tpu.wait_indirect_dma semaphore(%arg33 : memref<!tpu.dma_semaphore, #tpu.memory_space<semaphore_mem>>) src(%arg18 : memref<80x64xf32, #tpu.memory_space<vmem>>) dst(%dma_wait3A_103 : memref<10000x64xf32, #tpu.memory_space<vmem_shared>>)
    %eq3A_104 = arith.constant 0 : i32
    %eq3A_105 = arith.cmpi eq, %arg0, %eq3A_104 : i32
    %convert_element_type3A_106 = arith.extui %eq3A_105 : i1 to i32
    %cond3A_107 = arith.constant 0 : i32
    %cond3A_108 = arith.cmpi ne, %convert_element_type3A_106, %cond3A_107 : i32
    scf.if %cond3A_108 {
      %dma_wait3A_117 = arith.constant 0 : i32
      %dma_wait3A_118 = arith.constant 0 : i32
      %dma_wait3A_119 = tpu.memref_slice %arg27[%dma_wait3A_117, %dma_wait3A_118] : memref<10000x16xf32, #tpu.memory_space<vmem_shared>> -> memref<10000x16xf32, #tpu.memory_space<vmem_shared>>
      tpu.wait_indirect_dma semaphore(%arg33 : memref<!tpu.dma_semaphore, #tpu.memory_space<semaphore_mem>>) src(%arg20 : memref<80x16xf32, #tpu.memory_space<vmem>>) dst(%dma_wait3A_119 : memref<10000x16xf32, #tpu.memory_space<vmem_shared>>)
    } else {
    }
    %barrier3A_109 = arith.constant 0 : index
    tpu.barrier barrier_id(%barrier3A_109)
    %mul3A_110 = arith.constant 625 : i32
    %mul3A_111 = arith.muli %arg1, %mul3A_110 : i32
    "tpu.region"() ({
      %run_scoped3A = tpu.sem_alloc : memref<!tpu.dma_semaphore, #tpu.memory_space<semaphore_mem>>
      %dma_start3A_117 = arith.constant 0 : i32
      %dma_start3A_118 = arith.constant 0 : i32
      %dma_start3A_119 = tpu.memref_slice %arg7[%arg0, %dma_start3A_117, %dma_start3A_118] : memref<2x10000x64xf32, #tpu.memory_space<hbm>> -> memref<1x10000x64xf32, #tpu.memory_space<hbm>>
      %dma_start3A_120 = tpu.memref_squeeze %dma_start3A_119 : memref<1x10000x64xf32, #tpu.memory_space<hbm>> -> memref<10000x64xf32, #tpu.memory_space<hbm>>
      %dma_start3A_121 = arith.constant 0 : i32
      %dma_start3A_122 = tpu.memref_slice %dma_start3A_120[%mul3A_111, %dma_start3A_121] : memref<10000x64xf32, #tpu.memory_space<hbm>> -> memref<625x64xf32, #tpu.memory_space<hbm>>
      %dma_start3A_123 = arith.constant 0 : i32
      %dma_start3A_124 = tpu.memref_slice %arg26[%mul3A_111, %dma_start3A_123] : memref<10000x64xf32, #tpu.memory_space<vmem_shared>> -> memref<625x64xf32, #tpu.memory_space<vmem_shared>>
      tpu.enqueue_dma source(%dma_start3A_124 : memref<625x64xf32, #tpu.memory_space<vmem_shared>>) target(%dma_start3A_122 : memref<625x64xf32, #tpu.memory_space<hbm>>) target_semaphore(%run_scoped3A : memref<!tpu.dma_semaphore, #tpu.memory_space<semaphore_mem>>)
      %dma_wait3A_125 = arith.constant 0 : i32
      %dma_wait3A_126 = arith.constant 0 : i32
      %dma_wait3A_127 = tpu.memref_slice %arg7[%arg0, %dma_wait3A_125, %dma_wait3A_126] : memref<2x10000x64xf32, #tpu.memory_space<hbm>> -> memref<1x10000x64xf32, #tpu.memory_space<hbm>>
      %dma_wait3A_128 = tpu.memref_squeeze %dma_wait3A_127 : memref<1x10000x64xf32, #tpu.memory_space<hbm>> -> memref<10000x64xf32, #tpu.memory_space<hbm>>
      %dma_wait3A_129 = arith.constant 0 : i32
      %dma_wait3A_130 = tpu.memref_slice %dma_wait3A_128[%mul3A_111, %dma_wait3A_129] : memref<10000x64xf32, #tpu.memory_space<hbm>> -> memref<625x64xf32, #tpu.memory_space<hbm>>
      %dma_wait3A_131 = arith.constant 0 : i32
      %dma_wait3A_132 = tpu.memref_slice %arg26[%mul3A_111, %dma_wait3A_131] : memref<10000x64xf32, #tpu.memory_space<vmem_shared>> -> memref<625x64xf32, #tpu.memory_space<vmem_shared>>
      tpu.wait_dma2 semaphore(%run_scoped3A : memref<!tpu.dma_semaphore, #tpu.memory_space<semaphore_mem>>) src(%dma_wait3A_132 : memref<625x64xf32, #tpu.memory_space<vmem_shared>>) dst(%dma_wait3A_130 : memref<625x64xf32, #tpu.memory_space<hbm>>)
      tpu.yield
    }) : () -> ()
    %eq3A_112 = arith.constant 0 : i32
    %eq3A_113 = arith.cmpi eq, %arg0, %eq3A_112 : i32
    %convert_element_type3A_114 = arith.extui %eq3A_113 : i1 to i32
    %cond3A_115 = arith.constant 0 : i32
    %cond3A_116 = arith.cmpi ne, %convert_element_type3A_114, %cond3A_115 : i32
    scf.if %cond3A_116 {
      "tpu.region"() ({
        %run_scoped3A = tpu.sem_alloc : memref<!tpu.dma_semaphore, #tpu.memory_space<semaphore_mem>>
        %dma_start3A_117 = arith.constant 0 : i32
        %dma_start3A_118 = tpu.memref_slice %arg8[%mul3A_111, %dma_start3A_117] : memref<10000x16xf32, #tpu.memory_space<hbm>> -> memref<625x16xf32, #tpu.memory_space<hbm>>
        %dma_start3A_119 = arith.constant 0 : i32
        %dma_start3A_120 = tpu.memref_slice %arg27[%mul3A_111, %dma_start3A_119] : memref<10000x16xf32, #tpu.memory_space<vmem_shared>> -> memref<625x16xf32, #tpu.memory_space<vmem_shared>>
        tpu.enqueue_dma source(%dma_start3A_120 : memref<625x16xf32, #tpu.memory_space<vmem_shared>>) target(%dma_start3A_118 : memref<625x16xf32, #tpu.memory_space<hbm>>) target_semaphore(%run_scoped3A : memref<!tpu.dma_semaphore, #tpu.memory_space<semaphore_mem>>)
        %dma_wait3A_121 = arith.constant 0 : i32
        %dma_wait3A_122 = tpu.memref_slice %arg8[%mul3A_111, %dma_wait3A_121] : memref<10000x16xf32, #tpu.memory_space<hbm>> -> memref<625x16xf32, #tpu.memory_space<hbm>>
        %dma_wait3A_123 = arith.constant 0 : i32
        %dma_wait3A_124 = tpu.memref_slice %arg27[%mul3A_111, %dma_wait3A_123] : memref<10000x16xf32, #tpu.memory_space<vmem_shared>> -> memref<625x16xf32, #tpu.memory_space<vmem_shared>>
        tpu.wait_dma2 semaphore(%run_scoped3A : memref<!tpu.dma_semaphore, #tpu.memory_space<semaphore_mem>>) src(%dma_wait3A_124 : memref<625x16xf32, #tpu.memory_space<vmem_shared>>) dst(%dma_wait3A_122 : memref<625x16xf32, #tpu.memory_space<hbm>>)
        tpu.yield
      }) : () -> ()
    } else {
    }
    return
  }
}

module attributes {stable_mosaic.version = 14 : i64} {
  func.func @_k1_body(%arg0: i32, %arg1: i32, %arg2: memref<2000x128xf32, #tpu.memory_space<vmem>>, %arg3: memref<1x128x64xf32, #tpu.memory_space<vmem>>, %arg4: memref<128x16xf32, #tpu.memory_space<vmem>>, %arg5: memref<1x2000x80xf32, #tpu.memory_space<vmem>>, %arg6: memref<8x16xf32, #tpu.memory_space<vmem>>) attributes {dimension_semantics = [#tpu.dimension_semantics<arbitrary>, #tpu.dimension_semantics<arbitrary>], iteration_bounds = array<i64: 2, 5>, scalar_prefetch = 0 : i64, scratch_operands = 0 : i64, tpu.core_type = #tpu.core_type<tc>, window_params = [{transform_indices = @transform_0, window_bounds = array<i64: 2000, 128>}, {transform_indices = @transform_1, window_bounds = array<i64: 1, 128, 64>}, {pipeline_mode = #tpu.pipeline_mode<synchronous>, transform_indices = @transform_2, window_bounds = array<i64: 128, 16>}, {transform_indices = @transform_3, window_bounds = array<i64: 1, 2000, 80>}, {pipeline_mode = #tpu.pipeline_mode<synchronous>, transform_indices = @transform_4, window_bounds = array<i64: 8, 16>}]} {
    %get3A = arith.constant 0 : index
    %get3A_0 = arith.constant 0 : index
    %get3A_1 = vector.load %arg2[%get3A, %get3A_0] : memref<2000x128xf32, #tpu.memory_space<vmem>>, vector<2000x128xf32>
    %get3A_2 = arith.constant 0 : index
    %get3A_3 = arith.constant 0 : index
    %get3A_4 = arith.constant 0 : index
    %get3A_5 = vector.load %arg3[%get3A_2, %get3A_3, %get3A_4] : memref<1x128x64xf32, #tpu.memory_space<vmem>>, vector<1x128x64xf32>
    %get3A_6 = vector.shape_cast %get3A_5 : vector<1x128x64xf32> to vector<128x64xf32>
    %dot_general3A = arith.constant dense<0.000000e+00> : vector<2000x64xf32>
    %dot_general3A_7 = tpu.matmul %get3A_1, %get3A_6, %dot_general3A {dimension_numbers = #tpu.dot_dimension_numbers<[1], [0], [0], [1], [0, 0, 1, 1], [], []>, transpose_lhs_hint = false} : vector<2000x128xf32>, vector<128x64xf32>, vector<2000x64xf32> -> vector<2000x64xf32>
    %get3A_8 = arith.constant 0 : index
    %get3A_9 = arith.constant 0 : index
    %get3A_10 = vector.load %arg2[%get3A_8, %get3A_9] : memref<2000x128xf32, #tpu.memory_space<vmem>>, vector<2000x128xf32>
    %get3A_11 = arith.constant 0 : index
    %get3A_12 = arith.constant 0 : index
    %get3A_13 = vector.load %arg4[%get3A_11, %get3A_12] : memref<128x16xf32, #tpu.memory_space<vmem>>, vector<128x16xf32>
    %dot_general3A_14 = arith.constant dense<0.000000e+00> : vector<2000x16xf32>
    %dot_general3A_15 = tpu.matmul %get3A_10, %get3A_13, %dot_general3A_14 {dimension_numbers = #tpu.dot_dimension_numbers<[1], [0], [0], [1], [0, 0, 1, 1], [], []>, transpose_lhs_hint = false} : vector<2000x128xf32>, vector<128x16xf32>, vector<2000x16xf32> -> vector<2000x16xf32>
    %concatenate3A = tpu.concatenate %dot_general3A_7, %dot_general3A_15 in 1 : vector<2000x64xf32>, vector<2000x16xf32> -> vector<2000x80xf32>
    %swap3A = arith.constant 0 : index
    %swap3A_16 = arith.constant 0 : index
    %swap3A_17 = arith.constant 0 : index
    %swap3A_18 = vector.load %arg5[%swap3A, %swap3A_16, %swap3A_17] : memref<1x2000x80xf32, #tpu.memory_space<vmem>>, vector<1x2000x80xf32>
    %swap3A_19 = vector.shape_cast %swap3A_18 : vector<1x2000x80xf32> to vector<2000x80xf32>
    %swap3A_20 = vector.shape_cast %concatenate3A : vector<2000x80xf32> to vector<1x2000x80xf32>
    tpu.vector_store %arg5[%swap3A, %swap3A_16, %swap3A_17], %swap3A_20 {strides = array<i32>} : memref<1x2000x80xf32, #tpu.memory_space<vmem>>, vector<1x2000x80xf32>,
    %reduce_max3A = arith.constant dense<0xFF800000> : vector<16xf32>
    %reduce_max3A_21 = vector.multi_reduction <maximumf>, %dot_general3A_15, %reduce_max3A [0] : vector<2000x16xf32> to vector<16xf32>
    %broadcast_in_dim3A = vector.shape_cast %reduce_max3A_21 : vector<16xf32> to vector<1x16xf32>
    %broadcast_in_dim3A_22 = vector.shape_cast %broadcast_in_dim3A : vector<1x16xf32> to vector<1x16xf32>
    %broadcast_in_dim3A_23 = vector.broadcast %broadcast_in_dim3A_22 : vector<1x16xf32> to vector<8x16xf32>
    %eq3A = arith.constant 0 : i32
    %eq3A_24 = arith.cmpi eq, %arg0, %eq3A : i32
    %eq3A_25 = arith.constant 0 : i32
    %eq3A_26 = arith.cmpi eq, %arg1, %eq3A_25 : i32
    %and3A = arith.andi %eq3A_24, %eq3A_26 : i1
    %convert_element_type3A = arith.extui %and3A : i1 to i32
    %cond3A = arith.constant 0 : i32
    %cond3A_27 = arith.cmpi ne, %convert_element_type3A, %cond3A : i32
    scf.if %cond3A_27 {
      %broadcast_in_dim3A_34 = arith.constant -1.000000e+30 : f32
      %broadcast_in_dim3A_35 = vector.broadcast %broadcast_in_dim3A_34 : f32 to vector<8x16xf32>
      %swap3A_36 = arith.constant 0 : index
      %swap3A_37 = arith.constant 0 : index
      %swap3A_38 = vector.load %arg6[%swap3A_36, %swap3A_37] : memref<8x16xf32, #tpu.memory_space<vmem>>, vector<8x16xf32>
      tpu.vector_store %arg6[%swap3A_36, %swap3A_37], %broadcast_in_dim3A_35 {strides = array<i32>} : memref<8x16xf32, #tpu.memory_space<vmem>>, vector<8x16xf32>,
    } else {
    }
    %get3A_28 = arith.constant 0 : index
    %get3A_29 = arith.constant 0 : index
    %get3A_30 = vector.load %arg6[%get3A_28, %get3A_29] : memref<8x16xf32, #tpu.memory_space<vmem>>, vector<8x16xf32>
    %max3A = arith.maximumf %get3A_30, %broadcast_in_dim3A_23 : vector<8x16xf32>
    %swap3A_31 = arith.constant 0 : index
    %swap3A_32 = arith.constant 0 : index
    %swap3A_33 = vector.load %arg6[%swap3A_31, %swap3A_32] : memref<8x16xf32, #tpu.memory_space<vmem>>, vector<8x16xf32>
    tpu.vector_store %arg6[%swap3A_31, %swap3A_32], %max3A {strides = array<i32>} : memref<8x16xf32, #tpu.memory_space<vmem>>, vector<8x16xf32>,
    return
  }
  func.func @transform_0(%arg0: i32, %arg1: i32) -> (i32, i32) {
    %c0_i32 = arith.constant 0 : i32
    %c0_i32_0 = arith.constant 0 : i32
    return %arg1, %c0_i32 : i32, i32
  }
  func.func @transform_1(%arg0: i32, %arg1: i32) -> (i32, i32, i32) {
    %c0_i32 = arith.constant 0 : i32
    %c0_i32_0 = arith.constant 0 : i32
    %c0_i32_1 = arith.constant 0 : i32
    return %arg0, %c0_i32, %c0_i32_0 : i32, i32, i32
  }
  func.func @transform_2(%arg0: i32, %arg1: i32) -> (i32, i32) {
    %c0_i32 = arith.constant 0 : i32
    %c0_i32_0 = arith.constant 0 : i32
    %c0_i32_1 = arith.constant 0 : i32
    return %c0_i32, %c0_i32_0 : i32, i32
  }
  func.func @transform_3(%arg0: i32, %arg1: i32) -> (i32, i32, i32) {
    %c0_i32 = arith.constant 0 : i32
    %c0_i32_0 = arith.constant 0 : i32
    return %arg0, %arg1, %c0_i32 : i32, i32, i32
  }
  func.func @transform_4(%arg0: i32, %arg1: i32) -> (i32, i32) {
    %c0_i32 = arith.constant 0 : i32
    %c0_i32_0 = arith.constant 0 : i32
    %c0_i32_1 = arith.constant 0 : i32
    return %c0_i32, %c0_i32_0 : i32, i32
  }
}

module attributes {stable_mosaic.version = 14 : i64} {
  func.func @_k2_body(%arg0: i32, %arg1: memref<1x2000x80xf32, #tpu.memory_space<vmem>>, %arg2: memref<8x16xf32, #tpu.memory_space<vmem>>, %arg3: memref<2000x16xf32, #tpu.memory_space<vmem>>, %arg4: memref<2000x8xf32, #tpu.memory_space<vmem>>) attributes {dimension_semantics = [#tpu.dimension_semantics<arbitrary>], iteration_bounds = array<i64: 5>, scalar_prefetch = 0 : i64, scratch_operands = 0 : i64, tpu.core_type = #tpu.core_type<tc>, window_params = [{transform_indices = @transform_0, window_bounds = array<i64: 1, 2000, 80>}, {pipeline_mode = #tpu.pipeline_mode<synchronous>, transform_indices = @transform_1, window_bounds = array<i64: 8, 16>}, {transform_indices = @transform_2, window_bounds = array<i64: 2000, 16>}, {transform_indices = @transform_3, window_bounds = array<i64: 2000, 8>}]} {
    %get3A = arith.constant 0 : index
    %get3A_0 = arith.constant 0 : index
    %get3A_1 = arith.constant 0 : index
    %get3A_2 = vector.load %arg1[%get3A, %get3A_0, %get3A_1] : memref<1x2000x80xf32, #tpu.memory_space<vmem>>, vector<1x2000x80xf32>
    %get3A_3 = vector.shape_cast %get3A_2 : vector<1x2000x80xf32> to vector<2000x80xf32>
    %slice3A = vector.extract_strided_slice %get3A_3 {offsets = [0, 64], sizes = [2000, 16], strides = [1, 1]} : vector<2000x80xf32> to vector<2000x16xf32>
    %slice3A_4 = vector.extract_strided_slice %slice3A {offsets = [0, 0], sizes = [2000, 8], strides = [1, 1]} : vector<2000x16xf32> to vector<2000x8xf32>
    %slice3A_5 = vector.extract_strided_slice %slice3A {offsets = [0, 8], sizes = [2000, 8], strides = [1, 1]} : vector<2000x16xf32> to vector<2000x8xf32>
    %get3A_6 = arith.constant 0 : index
    %get3A_7 = arith.constant 0 : index
    %get3A_8 = vector.load %arg2[%get3A_6, %get3A_7] : memref<8x16xf32, #tpu.memory_space<vmem>>, vector<8x16xf32>
    %reduce_max3A = arith.constant dense<0xFF800000> : vector<16xf32>
    %reduce_max3A_9 = vector.multi_reduction <maximumf>, %get3A_8, %reduce_max3A [0] : vector<8x16xf32> to vector<16xf32>
    %slice3A_10 = vector.extract_strided_slice %reduce_max3A_9 {offsets = [8], sizes = [8], strides = [1]} : vector<16xf32> to vector<8xf32>
    %broadcast_in_dim3A = vector.shape_cast %slice3A_10 : vector<8xf32> to vector<1x8xf32>
    %add3A = vector.broadcast %broadcast_in_dim3A : vector<1x8xf32> to vector<2000x8xf32>
    %add3A_11 = arith.addf %slice3A_4, %add3A : vector<2000x8xf32>
    %mul3A = arith.constant 2.000000e-01 : f32
    %mul3A_12 = vector.broadcast %mul3A : f32 to vector<2000x8xf32>
    %mul3A_13 = arith.mulf %mul3A_12, %add3A_11 : vector<2000x8xf32>
    %max3A = arith.maximumf %add3A_11, %mul3A_13 : vector<2000x8xf32>
    %concatenate3A = tpu.concatenate %slice3A_4, %max3A in 1 : vector<2000x8xf32>, vector<2000x8xf32> -> vector<2000x16xf32>
    %swap3A = arith.constant 0 : index
    %swap3A_14 = arith.constant 0 : index
    %swap3A_15 = vector.load %arg3[%swap3A, %swap3A_14] : memref<2000x16xf32, #tpu.memory_space<vmem>>, vector<2000x16xf32>
    tpu.vector_store %arg3[%swap3A, %swap3A_14], %concatenate3A {strides = array<i32>} : memref<2000x16xf32, #tpu.memory_space<vmem>>, vector<2000x16xf32>,
    %add3A_16 = arith.addf %slice3A_4, %slice3A_5 : vector<2000x8xf32>
    %mul3A_17 = arith.constant 2.000000e-01 : f32
    %mul3A_18 = vector.broadcast %mul3A_17 : f32 to vector<2000x8xf32>
    %mul3A_19 = arith.mulf %mul3A_18, %add3A_16 : vector<2000x8xf32>
    %max3A_20 = arith.maximumf %add3A_16, %mul3A_19 : vector<2000x8xf32>
    %sub3A = arith.subf %max3A_20, %max3A : vector<2000x8xf32>
    %exp3A = math.exp %sub3A : vector<2000x8xf32>
    %swap3A_21 = arith.constant 0 : index
    %swap3A_22 = arith.constant 0 : index
    %swap3A_23 = vector.load %arg4[%swap3A_21, %swap3A_22] : memref<2000x8xf32, #tpu.memory_space<vmem>>, vector<2000x8xf32>
    tpu.vector_store %arg4[%swap3A_21, %swap3A_22], %exp3A {strides = array<i32>} : memref<2000x8xf32, #tpu.memory_space<vmem>>, vector<2000x8xf32>,
    return
  }
  func.func @transform_0(%arg0: i32) -> (i32, i32, i32) {
    %c0_i32 = arith.constant 0 : i32
    %c0_i32_0 = arith.constant 0 : i32
    %c0_i32_1 = arith.constant 0 : i32
    return %c0_i32, %arg0, %c0_i32_0 : i32, i32, i32
  }
  func.func @transform_1(%arg0: i32) -> (i32, i32) {
    %c0_i32 = arith.constant 0 : i32
    %c0_i32_0 = arith.constant 0 : i32
    %c0_i32_1 = arith.constant 0 : i32
    return %c0_i32, %c0_i32_0 : i32, i32
  }
  func.func @transform_2(%arg0: i32) -> (i32, i32) {
    %c0_i32 = arith.constant 0 : i32
    %c0_i32_0 = arith.constant 0 : i32
    return %arg0, %c0_i32 : i32, i32
  }
  func.func @transform_3(%arg0: i32) -> (i32, i32) {
    %c0_i32 = arith.constant 0 : i32
    %c0_i32_0 = arith.constant 0 : i32
    return %arg0, %c0_i32 : i32, i32
  }
}

module attributes {stable_mosaic.version = 14 : i64} {
  func.func @_k3_body(%arg0: i32, %arg1: memref<1x2000x64xf32, #tpu.memory_space<vmem>>, %arg2: memref<1x2000x64xf32, #tpu.memory_space<vmem>>, %arg3: memref<2000x16xf32, #tpu.memory_space<vmem>>, %arg4: memref<2000x8xf32, #tpu.memory_space<vmem>>, %arg5: memref<1x2000x80xf32, #tpu.memory_space<vmem>>, %arg6: memref<1x2000x80xf32, #tpu.memory_space<vmem>>, %arg7: memref<8x128xf32, #tpu.memory_space<vmem>>, %arg8: memref<1x128xf32, #tpu.memory_space<vmem>>, %arg9: memref<2000x128xf32, #tpu.memory_space<vmem>>) attributes {dimension_semantics = [#tpu.dimension_semantics<arbitrary>], iteration_bounds = array<i64: 5>, scalar_prefetch = 0 : i64, scratch_operands = 0 : i64, tpu.core_type = #tpu.core_type<tc>, window_params = [{transform_indices = @transform_0, window_bounds = array<i64: 1, 2000, 64>}, {transform_indices = @transform_1, window_bounds = array<i64: 1, 2000, 64>}, {transform_indices = @transform_2, window_bounds = array<i64: 2000, 16>}, {transform_indices = @transform_3, window_bounds = array<i64: 2000, 8>}, {transform_indices = @transform_4, window_bounds = array<i64: 1, 2000, 80>}, {transform_indices = @transform_5, window_bounds = array<i64: 1, 2000, 80>}, {pipeline_mode = #tpu.pipeline_mode<synchronous>, transform_indices = @transform_6, window_bounds = array<i64: 8, 128>}, {pipeline_mode = #tpu.pipeline_mode<synchronous>, transform_indices = @transform_7, window_bounds = array<i64: 1, 128>}, {transform_indices = @transform_8, window_bounds = array<i64: 2000, 128>}]} {
    %get3A = arith.constant 0 : index
    %get3A_0 = arith.constant 0 : index
    %get3A_1 = vector.load %arg4[%get3A, %get3A_0] : memref<2000x8xf32, #tpu.memory_space<vmem>>, vector<2000x8xf32>
    %get3A_2 = arith.constant 0 : index
    %get3A_3 = arith.constant 0 : index
    %get3A_4 = vector.load %arg3[%get3A_2, %get3A_3] : memref<2000x16xf32, #tpu.memory_space<vmem>>, vector<2000x16xf32>
    %slice3A = vector.extract_strided_slice %get3A_4 {offsets = [0, 0], sizes = [2000, 8], strides = [1, 1]} : vector<2000x16xf32> to vector<2000x8xf32>
    %add3A = arith.addf %slice3A, %get3A_1 : vector<2000x8xf32>
    %get3A_5 = arith.constant 0 : index
    %get3A_6 = arith.constant 0 : index
    %get3A_7 = vector.load %arg7[%get3A_5, %get3A_6] : memref<8x128xf32, #tpu.memory_space<vmem>>, vector<8x128xf32>
    %dot_general3A = arith.constant dense<0.000000e+00> : vector<2000x128xf32>
    %dot_general3A_8 = tpu.matmul %add3A, %get3A_7, %dot_general3A {dimension_numbers = #tpu.dot_dimension_numbers<[1], [0], [0], [1], [0, 0, 1, 1], [], []>, transpose_lhs_hint = false} : vector<2000x8xf32>, vector<8x128xf32>, vector<2000x128xf32> -> vector<2000x128xf32>
    %add3A_9 = arith.constant 1.000000e-16 : f32
    %add3A_10 = vector.broadcast %add3A_9 : f32 to vector<2000x128xf32>
    %add3A_11 = arith.addf %dot_general3A_8, %add3A_10 : vector<2000x128xf32>
    %get3A_12 = arith.constant 0 : index
    %get3A_13 = arith.constant 0 : index
    %get3A_14 = vector.load %arg7[%get3A_12, %get3A_13] : memref<8x128xf32, #tpu.memory_space<vmem>>, vector<8x128xf32>
    %dot_general3A_15 = arith.constant dense<0.000000e+00> : vector<2000x128xf32>
    %dot_general3A_16 = tpu.matmul %get3A_1, %get3A_14, %dot_general3A_15 {dimension_numbers = #tpu.dot_dimension_numbers<[1], [0], [0], [1], [0, 0, 1, 1], [], []>, transpose_lhs_hint = false} : vector<2000x8xf32>, vector<8x128xf32>, vector<2000x128xf32> -> vector<2000x128xf32>
    %get3A_17 = arith.constant 0 : index
    %get3A_18 = arith.constant 0 : index
    %get3A_19 = arith.constant 0 : index
    %get3A_20 = vector.load %arg5[%get3A_17, %get3A_18, %get3A_19] : memref<1x2000x80xf32, #tpu.memory_space<vmem>>, vector<1x2000x80xf32>
    %get3A_21 = vector.shape_cast %get3A_20 : vector<1x2000x80xf32> to vector<2000x80xf32>
    %slice3A_22 = vector.extract_strided_slice %get3A_21 {offsets = [0, 0], sizes = [2000, 64], strides = [1, 1]} : vector<2000x80xf32> to vector<2000x64xf32>
    %get3A_23 = arith.constant 0 : index
    %get3A_24 = arith.constant 0 : index
    %get3A_25 = arith.constant 0 : index
    %get3A_26 = vector.load %arg6[%get3A_23, %get3A_24, %get3A_25] : memref<1x2000x80xf32, #tpu.memory_space<vmem>>, vector<1x2000x80xf32>
    %get3A_27 = vector.shape_cast %get3A_26 : vector<1x2000x80xf32> to vector<2000x80xf32>
    %slice3A_28 = vector.extract_strided_slice %get3A_27 {offsets = [0, 0], sizes = [2000, 64], strides = [1, 1]} : vector<2000x80xf32> to vector<2000x64xf32>
    %concatenate3A = tpu.concatenate %slice3A_22, %slice3A_28 in 1 : vector<2000x64xf32>, vector<2000x64xf32> -> vector<2000x128xf32>
    %get3A_29 = arith.constant 0 : index
    %get3A_30 = arith.constant 0 : index
    %get3A_31 = arith.constant 0 : index
    %get3A_32 = vector.load %arg1[%get3A_29, %get3A_30, %get3A_31] : memref<1x2000x64xf32, #tpu.memory_space<vmem>>, vector<1x2000x64xf32>
    %get3A_33 = vector.shape_cast %get3A_32 : vector<1x2000x64xf32> to vector<2000x64xf32>
    %get3A_34 = arith.constant 0 : index
    %get3A_35 = arith.constant 0 : index
    %get3A_36 = arith.constant 0 : index
    %get3A_37 = vector.load %arg2[%get3A_34, %get3A_35, %get3A_36] : memref<1x2000x64xf32, #tpu.memory_space<vmem>>, vector<1x2000x64xf32>
    %get3A_38 = vector.shape_cast %get3A_37 : vector<1x2000x64xf32> to vector<2000x64xf32>
    %concatenate3A_39 = tpu.concatenate %get3A_33, %get3A_38 in 1 : vector<2000x64xf32>, vector<2000x64xf32> -> vector<2000x128xf32>
    %mul3A = arith.mulf %dot_general3A_16, %concatenate3A : vector<2000x128xf32>
    %add3A_40 = arith.addf %concatenate3A_39, %mul3A : vector<2000x128xf32>
    %div3A = arith.divf %add3A_40, %add3A_11 : vector<2000x128xf32>
    %get3A_41 = arith.constant 0 : index
    %get3A_42 = arith.constant 0 : index
    %get3A_43 = vector.load %arg8[%get3A_41, %get3A_42] : memref<1x128xf32, #tpu.memory_space<vmem>>, vector<1x128xf32>
    %add3A_44 = vector.broadcast %get3A_43 : vector<1x128xf32> to vector<2000x128xf32>
    %add3A_45 = arith.addf %div3A, %add3A_44 : vector<2000x128xf32>
    %swap3A = arith.constant 0 : index
    %swap3A_46 = arith.constant 0 : index
    %swap3A_47 = vector.load %arg9[%swap3A, %swap3A_46] : memref<2000x128xf32, #tpu.memory_space<vmem>>, vector<2000x128xf32>
    tpu.vector_store %arg9[%swap3A, %swap3A_46], %add3A_45 {strides = array<i32>} : memref<2000x128xf32, #tpu.memory_space<vmem>>, vector<2000x128xf32>,
    return
  }
  func.func @transform_0(%arg0: i32) -> (i32, i32, i32) {
    %c0_i32 = arith.constant 0 : i32
    %c0_i32_0 = arith.constant 0 : i32
    %c0_i32_1 = arith.constant 0 : i32
    return %c0_i32, %arg0, %c0_i32_0 : i32, i32, i32
  }
  func.func @transform_1(%arg0: i32) -> (i32, i32, i32) {
    %c1_i32 = arith.constant 1 : i32
    %c0_i32 = arith.constant 0 : i32
    %c0_i32_0 = arith.constant 0 : i32
    return %c1_i32, %arg0, %c0_i32 : i32, i32, i32
  }
  func.func @transform_2(%arg0: i32) -> (i32, i32) {
    %c0_i32 = arith.constant 0 : i32
    %c0_i32_0 = arith.constant 0 : i32
    return %arg0, %c0_i32 : i32, i32
  }
  func.func @transform_3(%arg0: i32) -> (i32, i32) {
    %c0_i32 = arith.constant 0 : i32
    %c0_i32_0 = arith.constant 0 : i32
    return %arg0, %c0_i32 : i32, i32
  }
  func.func @transform_4(%arg0: i32) -> (i32, i32, i32) {
    %c0_i32 = arith.constant 0 : i32
    %c0_i32_0 = arith.constant 0 : i32
    %c0_i32_1 = arith.constant 0 : i32
    return %c0_i32, %arg0, %c0_i32_0 : i32, i32, i32
  }
  func.func @transform_5(%arg0: i32) -> (i32, i32, i32) {
    %c1_i32 = arith.constant 1 : i32
    %c0_i32 = arith.constant 0 : i32
    %c0_i32_0 = arith.constant 0 : i32
    return %c1_i32, %arg0, %c0_i32 : i32, i32, i32
  }
  func.func @transform_6(%arg0: i32) -> (i32, i32) {
    %c0_i32 = arith.constant 0 : i32
    %c0_i32_0 = arith.constant 0 : i32
    %c0_i32_1 = arith.constant 0 : i32
    return %c0_i32, %c0_i32_0 : i32, i32
  }
  func.func @transform_7(%arg0: i32) -> (i32, i32) {
    %c0_i32 = arith.constant 0 : i32
    %c0_i32_0 = arith.constant 0 : i32
    %c0_i32_1 = arith.constant 0 : i32
    return %c0_i32, %c0_i32_0 : i32, i32
  }
  func.func @transform_8(%arg0: i32) -> (i32, i32) {
    %c0_i32 = arith.constant 0 : i32
    %c0_i32_0 = arith.constant 0 : i32
    return %arg0, %c0_i32 : i32, i32
  }
}

</mosaic_0001>

<sc_bundles>
// kernel: kernel.6.cloned.1.call-start
scs
__scs_entry_jumppad:
0x0: {  	(pc) =	sbr.rel $0x88, $3  }
0x1: {  	(tag) =	ssettag $0x0;
	lr =	simm.s32 $0x1  }
0x2: {  	[smem:$0x3F9C] =	sst lr;
	_ =	strace $0xD0000000  }
0x3: {  	_ = 	snop  }
0x4: {  	_ = 	snop  }
0x5: {  	_ = 	snop  }
0x6: {  	_ = 	snop  }
0x7: {  	_ = 	snop  }
__scs_overlays_trampoline_lowered:
0x8: {  	[smem:$0x3FAB] =	sst s0  }
0x9: {  	[smem:$0x3FAC] =	sst s1  }
0xa: {  	[smem:$0x3FAD] =	sst s2  }
0xb: {  	[smem:$0x3FAE] =	sst s3  }
0xc: {  	[smem:$0x3FAF] =	sst s4  }
0xd: {  	[smem:$0x3FB0] =	sst s5  }
0xe: {  	[smem:$0x3FB1] =	sst s6  }
0xf: {  	[smem:$0x3FB2] =	sst s7  }
0x10: {  	[smem:$0x3FB3] =	sst s8  }
0x11: {  	[smem:$0x3FB4] =	sst s9;
	s0 =	simm.s32 @!p0 $0x0  }
0x12: {  	s1 =	sld [smem:$0x3F9A];
	s0 =	simm.s32 @p0 $0x1  }
0x13: {  	[smem:$0x3FB5] =	sst s0;
	s0 =	simm.s32 @!p1 $0x0  }
0x14: {  	s2 =	sld [smem:$0x3F99];
	s0 =	simm.s32 @p1 $0x1  }
0x15: {  	[smem:$0x3FB6] =	sst s0;
	s0 =	simm.s32 @!p2 $0x0  }
0x16: {  	s3 =	sld [smem:$0x3FDB];
	s0 =	simm.s32 @p2 $0x1  }
0x17: {  	s4 =	simm.s32 $0x1BF5;
	[smem:$0x3FB8] =	sst s0  }
0x18: {  	s0 =	sld [smem:$0x3F9B];
	_ =	swait.ge [sflag:s4], $0x0  }
0x19: {  	s7 =	sld [smem:$0x3F9C]  }
0x1a: {  	s8 =	sadd.s32 $0xFFFFE003, lr  }
0x1b: {  	s9 =	sadd.s32 $0xFFFFFEF7, lr;
	s5 =	simm.s32 $0xFFFFFFFF;
	p2 =	slt.u32 s8, $0xFFFFF086  }
0x1c: {  	p1 =	slt.u32 s9, $0xF7A;
	s5 =	simm.s32 @!p2 $0x0  }
0x1d: {  	s5 =	simm.s32 @p1 $0x1;
	p0 =	seq.s32 s7, s2  }
0x1e: {  	s7 =	smul.u32 @!p0 $0xF7A, s2;
	p2 =	seq.s32 @!p0 s5, $0x0  }
0x1f: {  	s9 =	smul.u32 $0xF7A, s1;
	s8 =	simm.s32 @!p0 $0x1BF5;
	p2 =	por !p2, p0  }
0x20: {  	[sflag:s8] =	ssyncset.s32 @!p0 $0xFFFFF086;
	s6 =	sadd.s32 @!p0 s3, s7;
	s7 =	simm.s32 @!p0 $0x108  }
0x21: {  	s3 =	sadd.s32 s3, s9;
	s6 =	sadd.s32 @!p0 $0x88, s6;
	s7 =	simm.s32 @p2 $0x1082  }
0x22: {  	[simem:s7], [sflag:s8] =	dma.local @!p0 [hbm:s6], $0xF7A  }
0x23: {  	s9 =	sor.u32 $0xD0000000, s2;
	s6 =	simm.s32 $0x108;
	_ =	swait.ge @!p0 [sflag:s8], $0x0  }
0x24: {  	s3 =	sadd.s32 $0x88, s3;
	s6 =	simm.s32 @!p1 $0x1082;
	[sflag:s4] =	ssyncset.s32 $0xFFFFF086  }
0x25: {  	[simem:s6], [sflag:s4] =	dma.local [hbm:s3], $0xF7A  }
0x26: {  	[smem:$0x3F9C] =	sst s1;
	(tag) =	ssettag s2;
	_ =	strace s9  }
0x27: {  	s1 =	sld [smem:$0x3FAC]  }
0x28: {  	s2 =	sld [smem:$0x3FAD]  }
0x29: {  	s4 =	sld [smem:$0x3FAF]  }
0x2a: {  	p0 =	seq.s32 s5, $0x0;
	s5 =	sld [smem:$0x3FB0]  }
0x2b: {  	s6 =	sld [smem:$0x3FB1]  }
0x2c: {  	s7 =	sld [smem:$0x3FB2]  }
0x2d: {  	s3 =	simm.s32 $0x108;
	s8 =	sld [smem:$0x3FB3]  }
0x2e: {  	s3 =	simm.s32 @!p0 $0x1082;
	s9 =	sld [smem:$0x3FB4]  }
0x2f: {  	lr =	sadd.s32 s0, s3;
	s0 =	sld [smem:$0x3FAB]  }
0x30: {  	s3 =	sld [smem:$0x3FAE]  }
0x31: {  	[smem:$0x3FB7] =	sst s10  }
0x32: {  	s10 =	sld [smem:$0x3FB5];
	_ =	sdelay $0x3  }
0x33: {  	p0 =	seq.s32 s10, $0x1;
	s10 =	sld [smem:$0x3FB7];
	_ =	sdelay $0x3  }
0x34: {  	[smem:$0x3FB7] =	sst s10  }
0x35: {  	s10 =	sld [smem:$0x3FB6];
	_ =	sdelay $0x3  }
0x36: {  	p1 =	seq.s32 s10, $0x1;
	s10 =	sld [smem:$0x3FB7];
	_ =	sdelay $0x3  }
0x37: {  	[smem:$0x3FB7] =	sst s10  }
0x38: {  	s10 =	sld [smem:$0x3FB8]  }
0x39: {  	_ = 	snop;
	(pc) =	sbr.ind lr, $3  }
0x3a: {  	_ = 	snop  }
0x3b: {  	_ = 	snop  }
0x3c: {  	p2 =	seq.s32 s10, $0x1;
	s10 =	sld [smem:$0x3FB7]  }
0x3d: {  	_ =	shalt  }
0x3e: {  	_ =	shalt  }
0x3f: {  	_ =	shalt  }
0x40: {  	_ =	shalt  }
0x41: {  	_ =	shalt  }
0x42: {  	_ =	shalt  }
0x43: {  	_ =	shalt  }
0x44: {  	_ =	shalt  }
0x45: {  	_ =	shalt  }
0x46: {  	_ =	shalt  }
0x47: {  	_ =	shalt  }
0x48: {  	_ =	shalt  }
0x49: {  	_ =	shalt  }
0x4a: {  	_ =	shalt  }
0x4b: {  	_ =	shalt  }
0x4c: {  	_ =	shalt  }
0x4d: {  	_ =	shalt  }
0x4e: {  	_ =	shalt  }
0x4f: {  	_ =	shalt  }
0x50: {  	_ =	shalt  }
0x51: {  	_ =	shalt  }
0x52: {  	_ =	shalt  }
0x53: {  	_ =	shalt  }
0x54: {  	_ =	shalt  }
0x55: {  	_ =	shalt  }
0x56: {  	_ =	shalt  }
0x57: {  	_ =	shalt  }
0x58: {  	_ =	shalt  }
0x59: {  	_ =	shalt  }
0x5a: {  	_ =	shalt  }
0x5b: {  	_ =	shalt  }
0x5c: {  	_ =	shalt  }
0x5d: {  	_ =	shalt  }
0x5e: {  	_ =	shalt  }
0x5f: {  	_ =	shalt  }
0x60: {  	_ =	shalt  }
0x61: {  	_ =	shalt  }
0x62: {  	_ =	shalt  }
0x63: {  	_ =	shalt  }
0x64: {  	_ =	shalt  }
0x65: {  	_ =	shalt  }
0x66: {  	_ =	shalt  }
0x67: {  	_ =	shalt  }
0x68: {  	_ =	shalt  }
0x69: {  	_ =	shalt  }
0x6a: {  	_ =	shalt  }
0x6b: {  	_ =	shalt  }
0x6c: {  	_ =	shalt  }
0x6d: {  	_ =	shalt  }
0x6e: {  	_ =	shalt  }
0x6f: {  	_ =	shalt  }
0x70: {  	_ =	shalt  }
0x71: {  	_ =	shalt  }
0x72: {  	_ =	shalt  }
0x73: {  	_ =	shalt  }
0x74: {  	_ =	shalt  }
0x75: {  	_ =	shalt  }
0x76: {  	_ =	shalt  }
0x77: {  	_ =	shalt  }
0x78: {  	_ =	shalt  }
0x79: {  	_ =	shalt  }
0x7a: {  	_ =	shalt  }
0x7b: {  	_ =	shalt  }
0x7c: {  	_ =	shalt  }
0x7d: {  	_ =	shalt  }
0x7e: {  	_ =	shalt  }
0x7f: {  	_ =	shalt  }
0x80: {  	_ =	shalt  }
0x81: {  	_ =	shalt  }
0x82: {  	_ =	shalt  }
0x83: {  	_ =	shalt  }
0x84: {  	_ =	shalt  }
0x85: {  	_ =	shalt  }
0x86: {  	_ =	shalt  }
0x87: {  	_ =	shalt  }
.Lfunc_end0:
.L_simem_size_0:
called_computation_lowered:
.L_overlay_start_0:
0x88: {  	s2 =	sld [smem:$0x3FD9]  }
0x89: {  	s3 =	sld [smem:$0x3FFE];
	_ =	sdelay $0x1  }
0x8a: {  	s1 =	srdreg.scid  }
0x8b: {  	s0 =	sand.u32 $0x1, s1  }
0x8c: {  	s17 =	sshll.u32 s0, $0xA;
	s2 =	sadd.s32 s3, s2  }
0x8d: {  	s2 =	sadd.s32 s2, s17  }
0x8e: {  	[smem:$0x3FC3] =	sst s2  }
0x8f: {  	_ = 	snop  }
0x90: {  	s2 =	sld [smem:$0x3FD0];
	(tm) =	ssettm $0x1  }
0x91: {  	s18 =	sld [smem:$0x3FFB];
	_ =	sdelay $0x3  }
0x92: {  	_ =	strace s18  }
0x93: {  	s3 =	sld [smem:$0x3FFC];
	_ =	sdelay $0x3  }
0x94: {  	_ =	strace s3  }
0x95: {  	s3 =	sld [smem:$0x3FFD];
	_ =	sdelay $0x3  }
0x96: {  	_ =	strace s3  }
0x97: {  	_ =	strace $0x8FFFFFFF  }
0x98: {  	s19 =	sld [smem:$0x3FDB];
	_ =	sdelay $0x1  }
0x99: {  	s4 =	simm.s32 $_scs_section_size  }
0x9a: {  	s5 =	simm.s32 $_size__tile_overlayer_lowered;
	s6 =	simm.s32 $_tile_overlayer_lowered  }
0x9b: {  	s22 =	simm.s32 $0x1BFF;
	s21 =	sshll.u32 s6, $0x1;
	s3 =	sadd.s32 s4, s19  }
0x9c: {  	s7 =	simm.s32 $0x0;
	s20 =	sshll.u32 s5, $0x1;
	s5 =	sadd.s32 s21, s3  }
0x9d: {  	[timem:s7], [sflag:s22] =	dma.local [hbm:s5], s20  }
0x9e: {  	_ =	swait.ge [sflag:s22], s20  }
0x9f: {  	s4 =	ssub.s32 $0x0, s20;
	[sflag:s22] =	ssyncset.done $0x0  }
0xa0: {  	[sflag:s22] =	ssyncadd.s32 s4;
	_ =	sdelay $0x1  }
0xa1: {  	s23 =	simm.s32 $0x1B8B  }
0xa2: {  	_ =	swait.ge [sflag:s23], $0x1  }
0xa3: {  	[sflag:s23] =	ssyncset.done $0x0  }
0xa4: {  	s25 =	simm.s32 $0x1B8E;
	s24 =	sld [smem:$0x3FFE];
	[sflag:s23] =	ssyncadd.s32 $0xFFFFFFFF  }
0xa5: {  	s26 =	simm.s32 $execute0_lowered;
	[smem:$0x3FD2] =	sst s25  }
0xa6: {  	s5 =	sshll.u32 s26, $0x1;
	_ =	strace $0x80000046;
	[dreg:$0x1] =	wrdreg $0xFFFFFFFF  }
0xa7: {  	s28 =	simm.s32 $_size_execute0_lowered;
	s3 =	sadd.s32 s3, s5;
	[dreg:$0x0] =	wrdreg $0x0  }
0xa8: {  	s5 =	sshll.u32 s28, $0x1;
	[dreg:$0x2] =	wrdreg s3  }
0xa9: {  	[dreg:$0x3] =	wrdreg s5  }
0xaa: {  	[dreg:$0x4] =	wrdreg $0xC0  }
0xab: {  	_ =	task [dreg:s7], $0x5FFFF  }
0xac: {  	[dreg:$0x1] =	wrdreg $0xFFFFFFFF  }
0xad: {  	[dreg:$0x0] =	wrdreg $0x60  }
0xae: {  	[dreg:$0x2] =	wrdreg s24  }
0xaf: {  	[dreg:$0x3] =	wrdreg s2  }
0xb0: {  	[dreg:$0x4] =	wrdreg $0xB6800  }
0xb1: {  	[dreg:$0x5] =	wrdreg $0x152C00  }
0xb2: {  	[dreg:$0x6] =	wrdreg $0x9  }
0xb3: {  	_ =	task.clear_ibuf [dreg:s7], $0x7FFFF;
	_ =	strace $0x90000046  }
0xb4: {  	s29 =	simm.s32 $0x9;
	_ =	strace $0x80000048  }
0xb5: {  	_ =	swait.ge [sflag:s29], $0x1  }
0xb6: {  	[sflag:s29] =	ssyncadd.s32 $0xFFFFFFFF  }
0xb7: {  	_ =	strace $0x90000048  }
0xb8: {  	_ =	sfence  }
0xb9: {  	s30 =	sld [smem:$0x0];
	_ =	sdelay $0x2  }
0xba: {  	s31 =	sshll.u32 s1, $0xD;
	s1 =	sshrl.u32 s1, $0x2  }
0xbb: {  	s3 =	sand.u32 $0x4000, s31;
	s1 =	sadd.s32 s1, s30  }
0xbc: {  	s0 =	sor.u32 s3, s0;
	s1 =	sshll.u32 s1, $0x11  }
0xbd: {  	s0 =	sor.u32 s1, s0  }
0xbe: {  	s0 =	sadd.s32 $0x8F2B, s0  }
0xbf: {  	[sflag:s0] =	ssyncadd.remote.s32 $0x1  }
0xc0: {  	_ =	sfence.sel $0xFFFF  }
0xc1: {  	[dreg:$0x0] =	wrdreg $0xFFFFFFFF;
	(pc) =	sbr.abs _section_cstart, $3  }
0xc2: {  	[dreg:$0x1] =	wrdreg $0xFFFFFFFF  }
0xc3: {  	_ =	task.clear_ibuf [dreg:s7], $0x2FFFF;
	_ =	strace $0x9FFFFFFF  }
0xc4: {  	(tm) =	ssettm $0x7FFFFFFF  }
0xc5: {  	_ =	shalt  }
tec
execute0_lowered:
.L_overlay_start_1:
0x0: {  	(tag) =	ssettag $0x1  }
0x1: {  	s0 =	rddreg [dreg:$0x0]  }
0x2: {  	s2 =	rddreg [dreg:$0x1]  }
0x3: {  	s1 =	rddreg [dreg:$0x2]  }
0x4: {  	s31 =	rddreg [dreg:$0x3]  }
0x5: {  	s15 =	simm.s32 $0x0;
	s3 =	stileid.u32;
	s7 =	srdreg.scid  }
0x6: {  	s30 =	simm.s32 $0x50;
	s28 =	simm.s32 $0x4;
	[smem:$0x7FF] =	sst s15  }
0x7: {  	s4 =	smul.u32 $0x2710, s3;
	s5 =	sadd.s32 $0xA800, s0;
	s6 =	sadd.s32 $0xA00, s0  }
0x8: {  	s16 =	sand.u32 $0x1, s7;
	s10 =	smul.u32 $0x27100, s3;
	s8 =	sadd.s32 $0x62800, s0  }
0x9: {  	s13 =	smul.u32 $0x9C40, s3;
	s7 =	smov.u32 s1;
	_ =	strace $0x80000047  }
0xa: {  	s11 =	ssub.s32 $0x2, s16;
	s14 =	smul.u32 $0x13880, s16;
	p0 =	seq.s32 s16, $0x0  }
0xb: {  	s9 =	sshrl.u32 s4, $0x3;
	s12 =	sshrl.u32 s11, $0x1;
	s10 =	sshrl.u32 s10, $0x2  }
0xc: {  	s17 =	sadd.s32 s4, s31;
	s11 =	ssub.s32 s11, s12;
	s10 =	sadd.s32 s10, s1  }
0xd: {  	s12 =	smul.u32 $0x4E20, s3;
	s3 =	sadd.s32 s13, s1;
	[dreg:$0xb] =	wrdreg s17  }
0xe: {  	s9 =	sadd.s32 s9, s0;
	s19 =	sadd.s32 $0x1F40, s10;
	[dreg:$0x6] =	wrdreg s3  }
0xf: {  	s2 =	sadd.s32 s2, s14;
	s20 =	sadd.s32 $0x3E80, s10;
	[dreg:$0x7] =	wrdreg s19  }
0x10: {  	s14 =	sshrl.u32 s13, $0x3;
	s21 =	sadd.s32 $0x5DC0, s10;
	[dreg:$0x8] =	wrdreg s20  }
0x11: {  	s13 =	simm.s32 $0x2;
	s22 =	sadd.s32 $0x7D00, s10;
	[dreg:$0x9] =	wrdreg s21  }
0x12: {  	s10 =	simm.s32 $0x80000;
	[dreg:$0xa] =	wrdreg s22;
	s23 =	sshrl.u32 s12, $0x3  }
0x13: {  	s10 =	simm.s32 @!p0 $0x67800;
	s18 =	sadd.s32 $0xA0, s12;
	s20 =	sadd.s32 s14, s2  }
0x14: {  	s21 =	sshll.u32 s16, $0x2;
	s22 =	sadd.s32 $0xF0, s12;
	p0 =	sne.s32 s16, $0x0  }
0x15: {  	s24 =	sadd.s32 $0xA, s23;
	s25 =	sadd.s32 s5, s23;
	[dreg:$0x10] =	wrdreg s18  }
0x16: {  	s26 =	sadd.s32 s6, s23;
	s19 =	sadd.s32 s10, s0;
	[dreg:$0x11] =	wrdreg s20  }
0x17: {  	s23 =	sadd.s32 $0x98800, s9;
	s20 =	smov.u32 s16;
	[dreg:$0xc] =	wrdreg s25  }
.Ltmp0:
0x18: {  	[dreg:$0xd] =	wrdreg s26;
	s29 =	sadd.s32 s5, s24;
	(pc) =	sbr.rel .LBB2_1-.Ltmp0, $4  }
0x19: {  	v6 =	vlaneseq.u32;
	v4 =	vimm.f32 $0.0e+00;
	v0 =	vmov s21;
	s4 =	sadd.s32 s6, s24;
	[dreg:$0xe] =	wrdreg s29;
	s29 =	sshllo.u32 s16, $0x2  }
0x1a: {  	v5 =	vimm.f32 $1.000000000e+00;
	[dreg:$0x12] =	wrdreg s23;
	s25 =	sor.u32 $0x1, s21;
	s26 =	sor.u32 $0x2, s21;
	v0 =	vbroadcast v0, $0x0;
	v3 =	vmov s29  }
0x1b: {  	s10 =	simm.s32 $0x1;
	s24 =	smax.u32 s11, $0x1;
	[dreg:$0xf] =	wrdreg s4;
	v1 =	vmov s25;
	v2 =	vmov s26;
	v3 =	vbroadcast v3, $0x0  }
0x1c: {  	v6 =	vor.u32 $0x8, v6;
	s18 =	simm.s32 $0x0;
	s11 =	simm.s32 $0x7;
	[dreg:$0x13] =	wrdreg s24;
	v1 =	vbroadcast v1, $0x0;
	v2 =	vbroadcast v2, $0x0  }
.LBB2_12:
0x1d: {  	s0 =	simm.s32 $0x5  }
0x1e: {  	_ =	swait.ge [sflag:s0], $0x1400  }
0x1f: {  	[sflag:s0] =	ssyncset.done $0x0  }
0x20: {  	[sflag:s0] =	ssyncadd.s32 $0xFFFFEC00;
	s0 =	simm.s32 @p0 $0x6  }
0x21: {  	_ =	swait.ge @p0 [sflag:s0], $0x1400  }
0x22: {  	[sflag:s0] =	ssyncset.done @p0 $0x0  }
0x23: {  	[sflag:s0] =	ssyncadd.s32 @p0 $0xFFFFEC00;
	s0 =	simm.s32 @!p0 $0x5  }
0x24: {  	_ =	swait.ge @!p0 [sflag:s0], $0x500  }
0x25: {  	[sflag:s0] =	ssyncset.done @!p0 $0x0  }
0x26: {  	[sflag:s0] =	ssyncadd.s32 @!p0 $0xFFFFFB00;
	s0 =	simm.s32 @!p0 $0x6  }
0x27: {  	_ =	swait.ge @!p0 [sflag:s0], $0x1400  }
0x28: {  	[sflag:s0] =	ssyncset.done @!p0 $0x0  }
0x29: {  	[sflag:s0] =	ssyncadd.s32 @!p0 $0xFFFFEC00  }
0x2a: {  	_ =	swait.ge @!p0 [sflag:s0], $0x500  }
0x2b: {  	[sflag:s0] =	ssyncset.done @!p0 $0x0  }
0x2c: {  	[sflag:s0] =	ssyncadd.s32 @!p0 $0xFFFFFB00  }
0x2d: {  	s26 =	stileid.u32;
	[bflag:$0x0] =	sbarrier.arrive $0xFFFF  }
0x2e: {  	s11 =	simm.s32 $0x7;
	s0 =	sshll.u32 s26, $0x6;
	s3 =	rddreg [dreg:$0x6]  }
0x2f: {  	s0 =	sor.u32 $0x1C07, s0;
	s1 =	rddreg [dreg:$0x11];
	s2 =	sshrl.u32 s3, $0x3  }
0x30: {  	[hbm:s1], [sflag:s0] =	dma.local [spmem:s2], $0x1388  }
0x31: {  	_ =	swait.ge [sflag:s11], $0x1388  }
0x32: {  	[sflag:s11] =	ssyncset.done $0x0;
	s17 =	rddreg [dreg:$0xb]  }
0x33: {  	s1 =	rddreg [dreg:$0x12];
	[sflag:s11] =	ssyncadd.s32 $0xFFFFEC78;
	s2 =	sshrl.u32 @!p0 s17, $0x3  }
0x34: {  	[hbm:s1], [sflag:s0] =	dma.local @!p0 [spmem:s2], $0x4E2  }
0x35: {  	s0 =	simm.s32 @!p0 $0x7  }
0x36: {  	_ =	swait.ge @!p0 [sflag:s0], $0x4E2  }
0x37: {  	s15 =	rddreg [dreg:$0x5]  }
0x38: {  	s29 =	rddreg [dreg:$0x13];
	s15 =	sadd.s32 $0x1, s15  }
0x39: {  	p1 =	sne.s32 s15, s29  }
.Ltmp1:
0x3a: {  	_ = 	snop;
	(pc) =	sbr.rel @!p1 .LBB2_13-.Ltmp1, $3  }
0x3b: {  	_ =	sdelay $0x1  }
0x3c: {  	[sflag:s0] =	ssyncset.done @!p0 $0x0  }
0x3d: {  	[sflag:s0] =	ssyncadd.s32 @!p0 $0xFFFFFB1E  }
.LBB2_1:
0x3e: {  	s0 =	simm.s32 $0x0  }
.LBB2_2:
0x3f: {  	p1 =	sne.s32 s0, $0x7C00  }
.Ltmp2:
0x40: {  	s2 =	sshra.s32 s0, $0x2;
	(pc) =	sbr.rel @p1 .LBB2_2-.Ltmp2, $4  }
0x41: {  	[tilespmem:s2+$0x7030] =	vst v4  }
0x42: {  	[tilespmem:s2+$0x7040] =	vst v4  }
0x43: {  	[tilespmem:s2+$0x7050] =	vst v4  }
0x44: {  	s0 =	sadd.s32 $0x100, s0;
	[tilespmem:s2+$0x7060] =	vst v4  }
0x45: {  	s1 =	smov.u32 s31;
	s0 =	simm.s32 $0x40;
	s2 =	simm.s32 $0x0  }
.LBB2_4:
0x46: {  	p1 =	sne.s32 s0, $0x9C00;
	[tilespmem:s2+$0x8F70] =	vst v4;
	s2 =	smov.u32 s0;
	s0 =	sadd.s32 $0x40, s0  }
.Ltmp3:
0x47: {  	(pc) =	sbr.rel @p1 .LBB2_4-.Ltmp3, $2  }
0x48: {  	_ =	sdelay $0x2  }
0x49: {  	s2 =	sshra.s32 s2, $0x2  }
0x4a: {  	[dreg:$0x5] =	wrdreg s15;
	[tilespmem:s2+$0x8F70] =	vst v4;
	s31 =	simm.s32 $0x7030  }
0x4b: {  	[spmem:s3] =	stream.linear.scatter [tilespmem:s31], [sflag:$0x7], $0x1F40, $0x38;
	[tilespmem:$0x179D0] =	vst v63  }
0x4c: {  	_ =	swait.ge [sflag:s11], $0x1F40  }
0x4d: {  	[sflag:s11] =	ssyncset.done $0x0  }
0x4e: {  	s0 =	rddreg [dreg:$0x7];
	[sflag:s11] =	ssyncadd.s32 $0xFFFFE0C0  }
0x4f: {  	[spmem:s0] =	stream.linear.scatter [tilespmem:s31], [sflag:$0x7], $0x1F40, $0x38;
	[tilespmem:$0x179D0] =	vst v63  }
0x50: {  	_ =	swait.ge [sflag:s11], $0x1F40  }
0x51: {  	[sflag:s11] =	ssyncset.done $0x0  }
0x52: {  	s3 =	rddreg [dreg:$0x8];
	[sflag:s11] =	ssyncadd.s32 $0xFFFFE0C0  }
0x53: {  	[spmem:s3] =	stream.linear.scatter [tilespmem:s31], [sflag:$0x7], $0x1F40, $0x38;
	[tilespmem:$0x179D0] =	vst v63  }
0x54: {  	_ =	swait.ge [sflag:s11], $0x1F40  }
0x55: {  	[sflag:s11] =	ssyncset.done $0x0  }
0x56: {  	s4 =	rddreg [dreg:$0x9];
	[sflag:s11] =	ssyncadd.s32 $0xFFFFE0C0  }
0x57: {  	[spmem:s4] =	stream.linear.scatter [tilespmem:s31], [sflag:$0x7], $0x1F40, $0x38;
	[tilespmem:$0x179D0] =	vst v63  }
0x58: {  	_ =	swait.ge [sflag:s11], $0x1F40  }
0x59: {  	[sflag:s11] =	ssyncset.done $0x0  }
0x5a: {  	s9 =	rddreg [dreg:$0xa];
	[sflag:s11] =	ssyncadd.s32 $0xFFFFE0C0  }
0x5b: {  	[spmem:s9] =	stream.linear.scatter [tilespmem:s31], [sflag:$0x7], $0x1F40, $0x38;
	[tilespmem:$0x179D0] =	vst v63  }
0x5c: {  	_ =	swait.ge [sflag:s11], $0x1F40  }
0x5d: {  	[sflag:s11] =	ssyncset.done $0x0  }
0x5e: {  	s12 =	simm.s32 $0x8F70;
	[sflag:s11] =	ssyncadd.s32 $0xFFFFE0C0  }
0x5f: {  	[spmem:s17] =	stream.linear.scatter [tilespmem:s12], [sflag:$0x7], $0x2710, $0x38;
	[tilespmem:$0x179D0] =	vst v63  }
0x60: {  	_ =	swait.ge [sflag:s11], $0x2710  }
0x61: {  	[sflag:s11] =	ssyncset.done $0x0  }
0x62: {  	[sflag:s11] =	ssyncadd.s32 $0xFFFFD8F0  }
0x63: {  	[bflag:$0x0] =	sbarrier.arrive $0xFFFF  }
0x64: {  	s14 =	rddreg [dreg:$0xc]  }
0x65: {  	[tilespmem:s18], [sflag:$0x3] =	stream.linear.gather [hbm4b:s14+s18], $0x50, $0x38;
	[tilespmem:$0x179D0] =	vst v63  }
0x66: {  	s16 =	simm.s32 $0xA0;
	s15 =	rddreg [dreg:$0xd]  }
0x67: {  	[tilespmem:s16], [sflag:$0x3] =	stream.linear.gather [hbm4b:s15+s18], $0x50, $0x38;
	[tilespmem:$0x179D0] =	vst v63  }
0x68: {  	s17 =	rddreg [dreg:$0xe]  }
0x69: {  	[tilespmem:s30], [sflag:$0x4] =	stream.linear.gather [hbm4b:s17+s18], $0x50, $0x38;
	[tilespmem:$0x179D0] =	vst v63  }
0x6a: {  	s23 =	simm.s32 $0xF0;
	s24 =	simm.s32 $0x3;
	s21 =	rddreg [dreg:$0xf]  }
0x6b: {  	[tilespmem:s23], [sflag:$0x4] =	stream.linear.gather [hbm4b:s21+s18], $0x50, $0x38;
	[tilespmem:$0x179D0] =	vst v63  }
0x6c: {  	_ =	swait.ge [sflag:s24], $0x50  }
0x6d: {  	[sflag:s24] =	ssyncset.done $0x0  }
0x6e: {  	[sflag:s24] =	ssyncadd.s32 $0xFFFFFFB0  }
0x6f: {  	_ =	swait.ge [sflag:s24], $0x50  }
0x70: {  	[sflag:s24] =	ssyncset.done $0x0  }
0x71: {  	s25 =	simm.s32 $0x140;
	[sflag:s24] =	ssyncadd.s32 $0xFFFFFFB0  }
0x72: {  	[tilespmem:s25], [sflag:$0x1] =	stream.indirect.gather [hbm4b:s19+s30], $0x50, s18, s30, $0xb8;
	[tilespmem:$0x179D0] =	vst v63  }
0x73: {  	s26 =	simm.s32 $0x3340  }
0x74: {  	[tilespmem:s26], [sflag:$0x1] =	stream.indirect.gather [hbm4b:s8+s30], $0x10, s16, s30, $0xb8;
	[tilespmem:$0x179D0] =	vst v63  }
0x75: {  	_ =	swait.ge [sflag:s28], $0x50  }
0x76: {  	[sflag:s28] =	ssyncset.done $0x0  }
0x77: {  	[sflag:s28] =	ssyncadd.s32 $0xFFFFFFB0  }
0x78: {  	_ =	swait.ge [sflag:s28], $0x50  }
0x79: {  	[sflag:s28] =	ssyncset.done $0x0  }
0x7a: {  	s29 =	simm.s32 $0x1A40;
	[sflag:s28] =	ssyncadd.s32 $0xFFFFFFB0  }
0x7b: {  	[tilespmem:s29], [sflag:$0x2] =	stream.indirect.gather [hbm4b:s19+s30], $0x50, s30, s30, $0xb8;
	[tilespmem:$0x179D0] =	vst v63  }
0x7c: {  	s31 =	simm.s32 $0x3840;
	s21 =	simm.s32 $0x0  }
0x7d: {  	[tilespmem:s31], [sflag:$0x2] =	stream.indirect.gather [hbm4b:s8+s30], $0x10, s23, s30, $0xb8;
	[tilespmem:$0x179D0] =	vst v63  }
.LBB2_6:
0x7e: {  	_ =	swait.ge [sflag:s10], $0x1900  }
0x7f: {  	[sflag:s10] =	ssyncset.done $0x0  }
0x80: {  	[sflag:s10] =	ssyncadd.s32 $0xFFFFE700  }
0x81: {  	_ =	swait.ge [sflag:s10], $0x500  }
0x82: {  	p2 =	seq.s32 s21, $0x0;
	[sflag:s10] =	ssyncset.done $0x0  }
0x83: {  	s0 =	simm.s32 @!p2 $0x5;
	[sflag:s10] =	ssyncadd.s32 $0xFFFFFB00  }
0x84: {  	p1 =	sne.s32 @!p2 s20, $0x0;
	_ =	swait.ge @!p2 [sflag:s0], $0x1400  }
0x85: {  	p3 =	por p1, p2;
	[sflag:s0] =	ssyncset.done @!p2 $0x0  }
0x86: {  	[sflag:s0] =	ssyncadd.s32 @!p2 $0xFFFFEC00;
	s0 =	simm.s32 @!p3 $0x5  }
0x87: {  	_ =	swait.ge @!p3 [sflag:s0], $0x500  }
0x88: {  	[sflag:s0] =	ssyncset.done @!p3 $0x0  }
0x89: {  	[sflag:s0] =	ssyncadd.s32 @!p3 $0xFFFFFB00  }
0x8a: {  	v7 =	vld [tilespmem:$0xA0]  }
0x8b: {  	v8 =	vld [tilespmem:$0xB0]  }
0x8c: {  	v9 =	vld [tilespmem:$0xC0]  }
0x8d: {  	v10 =	vld [tilespmem:$0xD0]  }
0x8e: {  	v11 =	vld [tilespmem:$0xE0]  }
0x8f: {  	v12 =	vld [tilespmem:$0x0]  }
0x90: {  	v13 =	vld [tilespmem:$0xA0]  }
0x91: {  	v14 =	vld [tilespmem:$0x10]  }
0x92: {  	v15 =	vld [tilespmem:$0xB0]  }
0x93: {  	v16 =	vld [tilespmem:$0x20]  }
0x94: {  	v17 =	vld [tilespmem:$0xC0]  }
0x95: {  	v18 =	vld [tilespmem:$0x30]  }
0x96: {  	[tilespmem:$0x6F40] =	vst v7;
	v7 =	vld [tilespmem:$0xD0]  }
0x97: {  	[tilespmem:$0x6F50] =	vst v8;
	v8 =	vld [tilespmem:$0x40]  }
0x98: {  	[tilespmem:$0x6F60] =	vst v9;
	v9 =	vld [tilespmem:$0xE0]  }
0x99: {  	[tilespmem:$0x6F70] =	vst v10;
	vm0 =	veq.s32 v12, v13  }
0x9a: {  	p1 =	seq.s32 s21, $0x7C;
	[tilespmem:$0x6F80] =	vst v11;
	vm12 =	veq.s32 v14, v15;
	v10 =	vsel vm0, $0x0, v5  }
0x9b: {  	s23 =	smul.u32 @!p1 $0xA0, s21;
	vm13 =	veq.s32 v16, v17;
	[tilespmem:$0x6FE0] =	vst v10;
	v10 =	vsel vm12, $0x0, v5  }
0x9c: {  	s0 =	rddreg [dreg:$0x10];
	[tilespmem:$0x6FF0] =	vst v10;
	v10 =	vsel vm13, $0x0, v5;
	vm14 =	veq.s32 v18, v7  }
0x9d: {  	s0 =	sadd.s32 @!p1 s23, s0;
	[tilespmem:$0x7000] =	vst v10;
	vm15 =	veq.s32 v8, v9;
	v7 =	vsel vm14, $0x0, v5  }
0x9e: {  	s0 =	sshrl.u32 @!p1 s0, $0x3;
	[tilespmem:$0x7010] =	vst v7;
	v7 =	vsel vm15, $0x0, v5  }
0x9f: {  	s4 =	simm.s32 @!p1 $0x0;
	s2 =	sadd.s32 @!p1 s5, s0;
	[tilespmem:$0x7020] =	vst v7  }
0xa0: {  	[tilespmem:s4], [sflag:$0x3] =	stream.linear.gather @!p1 [hbm4b:s2+s4], $0x50, $0x38;
	[tilespmem:$0x179D0] =	vst v63  }
0xa1: {  	s25 =	simm.s32 $0x280;
	s0 =	sadd.s32 @!p1 s6, s0;
	s2 =	simm.s32 @!p1 $0xA0  }
0xa2: {  	[tilespmem:s2], [sflag:$0x3] =	stream.linear.gather @!p1 [hbm4b:s0+s4], $0x50, $0x38;
	[tilespmem:$0x179D0] =	vst v63  }
0xa3: {  	v7 =	vld [tilespmem:s25+$0x130]  }
0xa4: {  	s12 =	simm.s32 $0x3380  }
0xa5: {  	v8 =	vld [tilespmem:s12+$0x30];
	_ =	sdelay $0x1  }
0xa6: {  	v9 =	vld [tilespmem:s25+$0xFFFFFF00]  }
0xa7: {  	v10 =	vld [tilespmem:s25+$0xFFFFFF50];
	v7 =	vperm.xlane v7, v6  }
0xa8: {  	v13 =	vld [tilespmem:s25+$0x40]  }
0xa9: {  	v14 =	vld [tilespmem:s25+$0x90];
	v7 =	vadd.f32 v7, v8  }
0xaa: {  	v15 =	vld [tilespmem:s25+$0xE0]  }
0xab: {  	v17 =	vld [tilespmem:s12+$0xFFFFFFD0];
	v16 =	vmul.f32 $2.000000030e-01, v7  }
0xac: {  	v19 =	vld [tilespmem:s12+$0x10];
	v8 =	vperm.xlane v8, v6  }
0xad: {  	v20 =	vld [tilespmem:s12+$0xFFFFFFC0];
	v7 =	vmax.f32 v7, v16  }
0xae: {  	v9 =	vperm.xlane v9, v6;
	v10 =	vperm.xlane v10, v6;
	v7 =	vsub.f32 v7, v8  }
0xaf: {  	v11 =	vld [tilespmem:s25+$0xFFFFFFA0];
	v13 =	vperm.xlane v13, v6;
	v14 =	vperm.xlane v14, v6  }
0xb0: {  	v12 =	vld [tilespmem:s25+$0xFFFFFFF0];
	v15 =	vperm.xlane v15, v6;
	v7 =	vmul.f32 $1.442695020e+00, v7  }
0xb1: {  	s14 =	sand.u32 $0x70, s18;
	v10 =	vadd.f32 v10, v17;
	v17 =	vperm.xlane v17, v6;
	v14 =	vadd.f32 v14, v19  }
0xb2: {  	s0 =	smin.u32 s14, $0x40;
	v18 =	vld [tilespmem:s12+$0xFFFFFFE0];
	v9 =	vadd.f32 v9, v20;
	v19 =	vperm.xlane v19, v6;
	(erf) = vpow2.f32 v7  }
0xb3: {  	v24 =	vld [tilespmem:s0+$0x6FE0];
	v20 =	vperm.xlane v20, v6;
	v21 =	vmul.f32 $2.000000030e-01, v10  }
0xb4: {  	s15 =	sand.u32 $0xF, s18;
	v26 =	vmul.f32 $2.000000030e-01, v14;
	v27 =	vmul.f32 $2.000000030e-01, v9;
	v16 =	vld [tilespmem:s12+$0xFFFFFFF0]  }
0xb5: {  	s16 =	sadd.s32 $0x7, s15;
	v8 =	vperm.xlane v11, v6;
	v11 =	vperm.xlane v12, v6;
	v12 =	vld [tilespmem:s12+$0x0]  }
0xb6: {  	v10 =	vmax.f32 v10, v21;
	v21 =	vmov s16;
	v9 =	vmax.f32 v9, v27  }
0xb7: {  	v14 =	vmax.f32 v14, v26;
	v9 =	vsub.f32 v9, v20;
	v8 =	vadd.f32 v8, v18  }
0xb8: {  	v21 =	vperm.xlane v24, v21;
	v10 =	vsub.f32 v10, v17;
	v18 =	vperm.xlane v18, v6;
	v7 =	vld [tilespmem:s12+$0x20]  }
0xb9: {  	v9 =	vmul.f32 $1.442695020e+00, v9;
	v11 =	vadd.f32 v11, v16;
	v22 =	vmul.f32 $2.000000030e-01, v8  }
0xba: {  	v10 =	vmul.f32 $1.442695020e+00, v10;
	v16 =	vperm.xlane v16, v6;
	v13 =	vadd.f32 v13, v12  }
0xbb: {  	v12 =	vperm.xlane v12, v6;
	v23 =	vmul.f32 $2.000000030e-01, v11;
	v8 =	vmax.f32 v8, v22;
	v20 =	vpop (erf)  }
0xbc: {  	v25 =	vmul.f32 $2.000000030e-01, v13;
	v8 =	vsub.f32 v8, v18;
	v17 =	vmul.f32 v20, v21  }
0xbd: {  	s17 =	simm.s32 $0x6580;
	v11 =	vmax.f32 v11, v23;
	v15 =	vadd.f32 v15, v7;
	v7 =	vperm.xlane v7, v6  }
0xbe: {  	v13 =	vmax.f32 v13, v25;
	v11 =	vsub.f32 v11, v16;
	(erf) = vpow2.f32 v9;
	[tilespmem:s17+$0x30] =	vst v17  }
0xbf: {  	v8 =	vmul.f32 $1.442695020e+00, v8;
	v12 =	vsub.f32 v13, v12;
	v28 =	vmul.f32 $2.000000030e-01, v15;
	v13 =	vld [tilespmem:s25+$0xF0]  }
0xc0: {  	v11 =	vmul.f32 $1.442695020e+00, v11;
	v9 =	vsub.f32 v14, v19;
	(erf) = vpow2.f32 v10  }
0xc1: {  	v10 =	vmul.f32 $1.442695020e+00, v12;
	(erf) = vpow2.f32 v8  }
0xc2: {  	v8 =	vmul.f32 $1.442695020e+00, v9;
	v9 =	vperm.xlane v17, v0  }
0xc3: {  	v15 =	vmax.f32 v15, v28;
	(erf) = vpow2.f32 v11  }
0xc4: {  	v7 =	vsub.f32 v15, v7;
	(erf) = vpow2.f32 v10;
	v9 =	vmul.f32 v13, v9  }
0xc5: {  	s24 =	simm.s32 $0x3E40;
	(erf) = vpow2.f32 v8;
	v8 =	vmov s15  }
0xc6: {  	s9 =	sadd.s32 $0x2, s15;
	v7 =	vmul.f32 $1.442695020e+00, v7;
	v8 =	vperm.xlane v24, v8;
	[tilespmem:s24+$0xC0] =	vst v9  }
0xc7: {  	s11 =	simm.s32 $0x8;
	s26 =	sadd.s32 $0x1, s15;
	v10 =	vmov s9;
	v11 =	vpop (erf);
	v9 =	vld [tilespmem:s25+$0x100]  }
0xc8: {  	s29 =	sadd.s32 $0x3, s15;
	s12 =	sand.u32 $0x70, s11;
	(erf) = vpow2.f32 v7;
	v7 =	vmov s26;
	v12 =	vmul.f32 v11, v8  }
0xc9: {  	s0 =	smin.u32 s12, $0x40;
	v7 =	vperm.xlane v24, v7;
	v13 =	vperm.xlane v17, v1;
	v11 =	vmov s29  }
0xca: {  	s31 =	sadd.s32 $0x4, s15;
	v42 =	vld [tilespmem:s0+$0x6FE0];
	v10 =	vperm.xlane v24, v10;
	v8 =	vpop (erf);
	v11 =	vperm.xlane v24, v11;
	[tilespmem:s17+$0xFFFFFFC0] =	vst v12  }
0xcb: {  	s3 =	sadd.s32 $0x5, s15;
	v14 =	vmov s31;
	s9 =	simm.s32 $0x3400;
	v7 =	vmul.f32 v8, v7;
	v8 =	vpop (erf);
	v15 =	vld [tilespmem:s25+$0xFFFFFEC0]  }
0xcc: {  	v33 =	vld [tilespmem:s9+$0x30];
	v10 =	vmul.f32 v8, v10;
	v8 =	vmov s3;
	v9 =	vmul.f32 v9, v13  }
0xcd: {  	v14 =	vperm.xlane v24, v14;
	v52 =	vld [tilespmem:s9+$0xFFFFFFF0];
	[tilespmem:s17+$0xFFFFFFD0] =	vst v7;
	v8 =	vperm.xlane v24, v8;
	v13 =	vpop (erf)  }
0xce: {  	s2 =	sadd.s32 $0x6, s15;
	v19 =	vperm.xlane v12, v0;
	v18 =	vld [tilespmem:s25+$0xFFFFFF10];
	[tilespmem:s17+$0xFFFFFFE0] =	vst v10;
	v13 =	vmul.f32 v13, v11;
	v11 =	vpop (erf)  }
0xcf: {  	v16 =	vmov s2;
	[tilespmem:s24+$0xD0] =	vst v9;
	v14 =	vmul.f32 v11, v14;
	v11 =	vld [tilespmem:s25+$0xFFFFFF60]  }
0xd0: {  	v16 =	vperm.xlane v24, v16;
	v15 =	vmul.f32 v15, v19;
	v20 =	vld [tilespmem:s25+$0x110];
	v9 =	vpop (erf)  }
0xd1: {  	v55 =	vld [tilespmem:s9+$0x10];
	[tilespmem:s17+$0x0] =	vst v14;
	v22 =	vmul.f32 v9, v8;
	v8 =	vpop (erf);
	v9 =	vperm.xlane v7, v0  }
0xd2: {  	[tilespmem:s17+$0xFFFFFFF0] =	vst v13;
	v19 =	vld [tilespmem:s25+$0x0];
	v23 =	vmul.f32 v8, v16;
	v16 =	vperm.xlane v10, v0  }
0xd3: {  	v21 =	vperm.xlane v17, v2;
	v26 =	vperm.xlane v12, v2;
	v8 =	vld [tilespmem:s25+$0xFFFFFFB0];
	[tilespmem:s17+$0x10] =	vst v22  }
0xd4: {  	[tilespmem:s24+$0xFFFFFF00] =	vst v15;
	v9 =	vmul.f32 v18, v9;
	v24 =	vld [tilespmem:s25+$0x50];
	v11 =	vmul.f32 v11, v16  }
0xd5: {  	[tilespmem:s17+$0x20] =	vst v23;
	v16 =	vperm.xlane v14, v0;
	v20 =	vmul.f32 v20, v21;
	v21 =	vld [tilespmem:s25+$0xFFFFFED0]  }
0xd6: {  	v29 =	vperm.xlane v10, v2;
	v18 =	vperm.xlane v13, v0;
	s17 =	simm.s32 $0x500;
	v15 =	vld [tilespmem:s25+$0xA0];
	[tilespmem:s24+$0xFFFFFF40] =	vst v9  }
0xd7: {  	v30 =	vperm.xlane v13, v2;
	v37 =	vld [tilespmem:s17+$0xFFFFFFA0];
	[tilespmem:s24+$0xFFFFFF80] =	vst v11;
	v16 =	vmul.f32 v19, v16  }
0xd8: {  	v9 =	vperm.xlane v22, v0;
	[tilespmem:s24+$0xE0] =	vst v20;
	v8 =	vmul.f32 v8, v18;
	v18 =	vld [tilespmem:s25+$0xFFFFFF20]  }
0xd9: {  	v54 =	vld [tilespmem:s9+$0x0];
	v11 =	vperm.xlane v23, v0;
	v20 =	vperm.xlane v12, v1;
	[tilespmem:s24+$0x0] =	vst v16  }
0xda: {  	v19 =	vld [tilespmem:s25+$0xFFFFFF70];
	[tilespmem:s24+$0xFFFFFFC0] =	vst v8;
	v8 =	vmul.f32 v24, v9;
	v9 =	vperm.xlane v7, v1  }
0xdb: {  	v16 =	vmul.f32 v21, v20;
	v20 =	vld [tilespmem:s25+$0x10];
	v11 =	vmul.f32 v15, v11  }
0xdc: {  	v28 =	vld [tilespmem:s17+$0x130];
	v15 =	vperm.xlane v10, v1;
	v53 =	vperm.xlane v37, v6  }
0xdd: {  	v24 =	vld [tilespmem:s25+$0xFFFFFFC0];
	v37 =	vperm.xlane v55, v6;
	[tilespmem:s24+$0x40] =	vst v8;
	v9 =	vmul.f32 v18, v9  }
0xde: {  	v25 =	vld [tilespmem:s25+$0x120];
	[tilespmem:s24+$0x80] =	vst v11;
	v11 =	vperm.xlane v13, v1;
	v18 =	vperm.xlane v14, v1  }
0xdf: {  	v35 =	vld [tilespmem:s17+$0xFFFFFF00];
	[tilespmem:s24+$0xFFFFFF10] =	vst v16;
	v15 =	vmul.f32 v19, v15;
	v19 =	vperm.xlane v22, v1  }
0xe0: {  	v8 =	vld [tilespmem:s25+$0x60];
	[tilespmem:s24+$0xFFFFFF50] =	vst v9;
	v9 =	vperm.xlane v17, v3;
	v32 =	vmul.f32 v20, v18  }
0xe1: {  	v21 =	vld [tilespmem:s25+$0xFFFFFEE0];
	v20 =	vperm.xlane v7, v3;
	v18 =	vperm.xlane v10, v3  }
0xe2: {  	v16 =	vld [tilespmem:s25+$0xB0];
	v11 =	vmul.f32 v24, v11;
	v24 =	vperm.xlane v23, v1  }
0xe3: {  	[tilespmem:s24+$0xFFFFFF90] =	vst v15;
	v10 =	vld [tilespmem:s17+$0x40];
	v15 =	vmul.f32 v25, v9;
	v25 =	vperm.xlane v7, v2  }
0xe4: {  	v27 =	vld [tilespmem:s25+$0xFFFFFF80];
	v9 =	vperm.xlane v22, v2;
	v7 =	vperm.xlane v23, v3  }
0xe5: {  	v17 =	vld [tilespmem:s25+$0xFFFFFF30];
	[tilespmem:s24+$0xFFFFFFD0] =	vst v11;
	v11 =	vperm.xlane v14, v2;
	v34 =	vmul.f32 v8, v19  }
0xe6: {  	v36 =	vld [tilespmem:s17+$0xFFFFFF50];
	v8 =	vperm.xlane v23, v2;
	v26 =	vmul.f32 v21, v26  }
0xe7: {  	v21 =	vperm.xlane v12, v3;
	v12 =	vld [tilespmem:s17+$0xFFFFFFF0];
	v19 =	vperm.xlane v13, v3  }
0xe8: {  	v31 =	vld [tilespmem:s25+$0xFFFFFFD0];
	v24 =	vmul.f32 v16, v24;
	v16 =	vperm.xlane v28, v6  }
0xe9: {  	v10 =	vperm.xlane v10, v6;
	v13 =	vmul.f32 v27, v29;
	v27 =	vld [tilespmem:s17+$0x90]  }
0xea: {  	s2 =	sand.u32 $0xF, s11;
	v25 =	vmul.f32 v17, v25;
	v28 =	vadd.f32 v16, v33;
	v16 =	vperm.xlane v14, v3;
	v14 =	vld [tilespmem:s17+$0xE0]  }
0xeb: {  	s14 =	sadd.s32 $0x7, s2;
	[tilespmem:s24+$0xFFFFFF20] =	vst v26;
	v33 =	vperm.xlane v33, v6;
	v17 =	vperm.xlane v22, v3;
	v22 =	vld [tilespmem:s9+$0xFFFFFFE0];
	v10 =	vadd.f32 v10, v54  }
0xec: {  	v46 =	vmov s14;
	s29 =	sadd.s32 $0x3, s2;
	v26 =	vld [tilespmem:s25+$0xFFFFFEF0];
	v29 =	vmul.f32 $2.000000030e-01, v28;
	v12 =	vperm.xlane v12, v6  }
0xed: {  	[tilespmem:s24+$0xFFFFFFA0] =	vst v13;
	v13 =	vmov s29;
	v30 =	vmul.f32 v31, v30;
	v31 =	vld [tilespmem:s9+$0xFFFFFFD0];
	v43 =	vmul.f32 $2.000000030e-01, v10  }
0xee: {  	v13 =	vperm.xlane v42, v13;
	v23 =	vmax.f32 v28, v29;
	v28 =	vperm.xlane v35, v6  }
0xef: {  	v38 =	vld [tilespmem:s9+$0xFFFFFFC0];
	v29 =	vperm.xlane v36, v6;
	v35 =	vperm.xlane v52, v6;
	v23 =	vsub.f32 v23, v33  }
0xf0: {  	v39 =	vld [tilespmem:s9+$0x20];
	v12 =	vadd.f32 v12, v52;
	v36 =	vperm.xlane v54, v6;
	v27 =	vperm.xlane v27, v6  }
0xf1: {  	v14 =	vperm.xlane v14, v6;
	v33 =	vadd.f32 v53, v22;
	v23 =	vmul.f32 $1.442695020e+00, v23  }
0xf2: {  	v22 =	vperm.xlane v22, v6;
	v21 =	vmul.f32 v26, v21;
	v29 =	vadd.f32 v29, v31  }
0xf3: {  	v56 =	vmax.f32 v10, v43;
	v41 =	vmul.f32 $2.000000030e-01, v12;
	(erf) = vpow2.f32 v23  }
0xf4: {  	v28 =	vadd.f32 v28, v38;
	v38 =	vperm.xlane v38, v6;
	v23 =	vmul.f32 $2.000000030e-01, v29  }
0xf5: {  	v40 =	vmul.f32 $2.000000030e-01, v33;
	v27 =	vadd.f32 v27, v55;
	v14 =	vadd.f32 v14, v39  }
0xf6: {  	v39 =	vperm.xlane v39, v6;
	v23 =	vmax.f32 v29, v23;
	v29 =	vmul.f32 $2.000000030e-01, v28  }
0xf7: {  	v31 =	vperm.xlane v31, v6;
	v12 =	vmax.f32 v12, v41;
	v44 =	vmul.f32 $2.000000030e-01, v27  }
0xf8: {  	v33 =	vmax.f32 v33, v40;
	v12 =	vsub.f32 v12, v35;
	v28 =	vmax.f32 v28, v29  }
0xf9: {  	v45 =	vmul.f32 $2.000000030e-01, v14;
	v22 =	vsub.f32 v33, v22;
	v28 =	vsub.f32 v28, v38  }
0xfa: {  	v27 =	vmax.f32 v27, v44;
	v12 =	vmul.f32 $1.442695020e+00, v12;
	v23 =	vsub.f32 v23, v31  }
0xfb: {  	v14 =	vmax.f32 v14, v45;
	v29 =	vperm.xlane v42, v46;
	v28 =	vmul.f32 $1.442695020e+00, v28  }
0xfc: {  	v22 =	vmul.f32 $1.442695020e+00, v22;
	v14 =	vsub.f32 v14, v39;
	v23 =	vmul.f32 $1.442695020e+00, v23;
	v10 =	vpop (erf)  }
0xfd: {  	v27 =	vsub.f32 v27, v37;
	v10 =	vmul.f32 v10, v29;
	(erf) = vpow2.f32 v28  }
0xfe: {  	s15 =	simm.s32 $0x6600;
	[tilespmem:s24+$0x10] =	vst v32;
	v14 =	vmul.f32 $1.442695020e+00, v14;
	v29 =	vsub.f32 v56, v36;
	(erf) = vpow2.f32 v23  }
0xff: {  	s16 =	sadd.s32 $0x1, s2;
	v23 =	vmul.f32 $1.442695020e+00, v27;
	[tilespmem:s15+$0x30] =	vst v10;
	(erf) = vpow2.f32 v22;
	v22 =	vld [tilespmem:s25+$0x20]  }
0x100: {  	[tilespmem:s24+$0x50] =	vst v34;
	v27 =	vmov s16;
	v28 =	vmul.f32 $1.442695020e+00, v29;
	v29 =	vperm.xlane v10, v0;
	v31 =	vld [tilespmem:s17+$0xF0]  }
0x101: {  	s26 =	sadd.s32 $0x2, s2;
	[tilespmem:s24+$0x90] =	vst v24;
	v24 =	vperm.xlane v42, v27;
	(erf) = vpow2.f32 v12;
	v12 =	vld [tilespmem:s25+$0x70]  }
0x102: {  	[tilespmem:s24+$0xFFFFFF60] =	vst v25;
	v25 =	vmov s26;
	v46 =	vperm.xlane v10, v2;
	(erf) = vpow2.f32 v28  }
0x103: {  	s31 =	sadd.s32 $0x4, s2;
	v27 =	vmov s2;
	v28 =	vld [tilespmem:s25+$0xFFFFFF90];
	(erf) = vpow2.f32 v23;
	v23 =	vperm.xlane v42, v25  }
0x104: {  	s14 =	sadd.s32 $0x5, s2;
	(erf) = vpow2.f32 v14;
	v14 =	vmov s31;
	v11 =	vmul.f32 v22, v11  }
0x105: {  	s0 =	simm.s32 $0x3480;
	v57 =	vld [tilespmem:s25+$0xC0];
	s2 =	sadd.s32 $0x6, s2;
	v22 =	vmov s14;
	v14 =	vperm.xlane v42, v14;
	v29 =	vmul.f32 v31, v29  }
0x106: {  	[tilespmem:s24+$0xFFFFFFE0] =	vst v30;
	v26 =	vld [tilespmem:s0+$0xFFFFFFD0];
	v31 =	vperm.xlane v42, v27;
	v9 =	vmul.f32 v12, v9;
	v12 =	vmov s2  }
0x107: {  	s9 =	simm.s32 $0x4040;
	v27 =	vld [tilespmem:s25+$0xFFFFFF40];
	v58 =	vperm.xlane v42, v22;
	v30 =	vpop (erf);
	[tilespmem:s24+$0x20] =	vst v11;
	v11 =	vperm.xlane v42, v12  }
0x108: {  	v18 =	vmul.f32 v28, v18;
	[tilespmem:s9+$0xC0] =	vst v29;
	v29 =	vld [tilespmem:s25+$0xFFFFFFE0];
	v34 =	vmul.f32 v30, v31;
	v22 =	vpop (erf)  }
0x109: {  	v30 =	vld [tilespmem:s25+$0x30];
	[tilespmem:s24+$0x60] =	vst v9;
	v9 =	vperm.xlane v10, v1;
	v12 =	vmul.f32 v22, v24;
	v22 =	vpop (erf)  }
0x10a: {  	v25 =	vld [tilespmem:s17+$0x100];
	v35 =	vmul.f32 v22, v23;
	v23 =	vpop (erf);
	v22 =	vmul.f32 v57, v8  }
0x10b: {  	v31 =	vld [tilespmem:s25+$0x80];
	[tilespmem:s15+$0xFFFFFFC0] =	vst v34;
	v49 =	vperm.xlane v34, v1;
	v13 =	vmul.f32 v23, v13  }
0x10c: {  	v8 =	vld [tilespmem:s17+$0xFFFFFEC0];
	[tilespmem:s15+$0xFFFFFFD0] =	vst v12;
	v23 =	vperm.xlane v34, v0;
	v24 =	vpop (erf);
	v59 =	vperm.xlane v12, v0  }
0x10d: {  	v20 =	vmul.f32 v27, v20;
	v27 =	vld [tilespmem:s0+$0xFFFFFFE0];
	[tilespmem:s15+$0xFFFFFFE0] =	vst v35;
	v14 =	vmul.f32 v24, v14;
	v24 =	vpop (erf)  }
0x10e: {  	v60 =	vld [tilespmem:s17+$0xFFFFFF60];
	[tilespmem:s15+$0xFFFFFFF0] =	vst v13;
	v33 =	vmul.f32 v24, v58;
	v63 =	vperm.xlane v13, v0  }
0x10f: {  	v24 =	vpop (erf);
	v52 =	vperm.xlane v13, v1;
	v9 =	vmul.f32 v25, v9;
	v25 =	vld [tilespmem:s17+$0xFFFFFF10];
	[tilespmem:s15+$0x0] =	vst v14  }
0x110: {  	v19 =	vmul.f32 v29, v19;
	v61 =	vld [tilespmem:s17+$0xFFFFFFB0];
	v40 =	vmul.f32 v24, v11;
	[tilespmem:s15+$0x10] =	vst v33  }
0x111: {  	[tilespmem:s9+$0xD0] =	vst v9;
	v9 =	vperm.xlane v35, v0;
	v8 =	vmul.f32 v8, v23;
	v23 =	vld [tilespmem:s17+$0x0]  }
0x112: {  	v30 =	vmul.f32 v30, v16;
	v11 =	vperm.xlane v14, v0;
	[tilespmem:s15+$0x20] =	vst v40;
	v62 =	vld [tilespmem:s17+$0x110]  }
0x113: {  	v31 =	vmul.f32 v31, v17;
	[tilespmem:s9+$0xFFFFFF00] =	vst v8;
	v8 =	vld [tilespmem:s17+$0xA0];
	v9 =	vmul.f32 v60, v9  }
0x114: {  	v24 =	vperm.xlane v33, v0;
	v45 =	vld [tilespmem:s17+$0x50];
	v25 =	vmul.f32 v25, v59  }
0x115: {  	v47 =	vperm.xlane v40, v0;
	v57 =	vperm.xlane v40, v1;
	v48 =	vld [tilespmem:s17+$0xFFFFFED0];
	[tilespmem:s9+$0xFFFFFF80] =	vst v9  }
0x116: {  	[tilespmem:s9+$0xFFFFFF40] =	vst v25;
	v25 =	vmul.f32 v61, v63;
	v11 =	vmul.f32 v23, v11;
	v23 =	vld [tilespmem:s17+$0xFFFFFF70]  }
0x117: {  	s14 =	simm.s32 $0x780;
	v59 =	vperm.xlane v34, v2;
	v32 =	vmul.f32 v62, v46;
	v50 =	vld [tilespmem:s17+$0xFFFFFF20]  }
0x118: {  	v9 =	vperm.xlane v12, v1;
	[tilespmem:s9+$0xFFFFFFC0] =	vst v25;
	v8 =	vmul.f32 v8, v47;
	v47 =	vld [tilespmem:s14+$0x130]  }
0x119: {  	v24 =	vmul.f32 v45, v24;
	v61 =	vperm.xlane v12, v2;
	[tilespmem:s9+$0xE0] =	vst v32;
	v51 =	vld [tilespmem:s17+$0xFFFFFFC0]  }
0x11a: {  	v62 =	vperm.xlane v35, v2;
	v25 =	vperm.xlane v35, v1;
	[tilespmem:s9+$0x0] =	vst v11;
	v53 =	vld [tilespmem:s17+$0x120]  }
0x11b: {  	v11 =	vperm.xlane v14, v1;
	[tilespmem:s9+$0x40] =	vst v24;
	v54 =	vmul.f32 v48, v49;
	v55 =	vld [tilespmem:s17+$0x10]  }
0x11c: {  	v24 =	vperm.xlane v33, v1;
	v56 =	vld [tilespmem:s17+$0x60];
	[tilespmem:s9+$0x80] =	vst v8;
	v23 =	vmul.f32 v23, v25  }
0x11d: {  	[tilespmem:s9+$0xFFFFFF10] =	vst v54;
	v54 =	vld [tilespmem:s14+$0xFFFFFF50];
	v8 =	vmul.f32 v50, v9;
	v9 =	vperm.xlane v10, v3  }
0x11e: {  	v25 =	vperm.xlane v14, v2;
	v10 =	vld [tilespmem:s17+$0xB0];
	[tilespmem:s9+$0xFFFFFF90] =	vst v23;
	v23 =	vperm.xlane v40, v2  }
0x11f: {  	v47 =	vperm.xlane v47, v6;
	v39 =	vmul.f32 v53, v9;
	v53 =	vld [tilespmem:s0+$0x30]  }
0x120: {  	v58 =	vld [tilespmem:s17+$0xFFFFFEE0];
	[tilespmem:s9+$0xFFFFFF50] =	vst v8;
	v8 =	vmul.f32 v51, v52;
	v37 =	vmul.f32 v55, v11  }
0x121: {  	v48 =	vld [tilespmem:s14+$0xFFFFFF00];
	v42 =	vmul.f32 v56, v24;
	v24 =	vperm.xlane v33, v2  }
0x122: {  	v63 =	vld [tilespmem:s17+$0xFFFFFF80];
	v11 =	vperm.xlane v13, v3;
	v9 =	vperm.xlane v34, v3  }
0x123: {  	s3 =	simm.s32 $0x10;
	v55 =	vld [tilespmem:s14+$0xFFFFFFA0];
	[tilespmem:s9+$0xFFFFFFD0] =	vst v8;
	v8 =	vperm.xlane v13, v2;
	v13 =	vperm.xlane v14, v3  }
0x124: {  	s11 =	sand.u32 $0x70, s3;
	v56 =	vld [tilespmem:s14+$0xFFFFFFF0];
	v14 =	vperm.xlane v33, v3;
	v28 =	vperm.xlane v54, v6;
	v47 =	vadd.f32 v47, v53  }
0x125: {  	s4 =	smin.u32 s11, $0x40;
	v60 =	vld [tilespmem:s17+$0xFFFFFF30];
	v36 =	vmul.f32 v10, v57;
	v38 =	vmul.f32 v58, v59  }
0x126: {  	v54 =	vld [tilespmem:s4+$0x6FE0];
	v10 =	vperm.xlane v12, v3;
	v49 =	vmul.f32 $2.000000030e-01, v47  }
0x127: {  	v52 =	vld [tilespmem:s17+$0xFFFFFFD0];
	v12 =	vperm.xlane v35, v3;
	v32 =	vperm.xlane v53, v6  }
0x128: {  	v57 =	vld [tilespmem:s14+$0x40];
	v59 =	vperm.xlane v48, v6;
	v16 =	vadd.f32 v28, v26;
	v47 =	vmax.f32 v47, v49  }
0x129: {  	v58 =	vld [tilespmem:s14+$0x90];
	v26 =	vperm.xlane v26, v6;
	v44 =	vmul.f32 v63, v62;
	v32 =	vsub.f32 v47, v32  }
0x12a: {  	s2 =	sand.u32 $0xF, s3;
	v29 =	vperm.xlane v55, v6;
	v43 =	vperm.xlane v56, v6;
	v63 =	vld [tilespmem:s0+$0xFFFFFFC0]  }
0x12b: {  	[tilespmem:s24+$0xFFFFFF30] =	vst v21;
	v21 =	vmov s2;
	v62 =	vld [tilespmem:s0+$0x0];
	v35 =	vmul.f32 v60, v61;
	v28 =	vmul.f32 $1.442695020e+00, v32  }
0x12c: {  	v29 =	vadd.f32 v29, v27;
	v27 =	vperm.xlane v27, v6;
	v21 =	vperm.xlane v54, v21  }
0x12d: {  	v61 =	vld [tilespmem:s0+$0xFFFFFFF0];
	v46 =	vmul.f32 v52, v8;
	(erf) = vpow2.f32 v28  }
0x12e: {  	v60 =	vld [tilespmem:s14+$0xE0];
	v8 =	vperm.xlane v40, v3;
	v45 =	vperm.xlane v57, v6  }
0x12f: {  	v33 =	vperm.xlane v58, v6;
	v52 =	vmul.f32 $2.000000030e-01, v16;
	v40 =	vadd.f32 v59, v63  }
0x130: {  	[tilespmem:s24+$0xF0] =	vst v15;
	v17 =	vld [tilespmem:s0+$0x20];
	v53 =	vmul.f32 $2.000000030e-01, v29;
	v45 =	vadd.f32 v45, v62;
	v15 =	vperm.xlane v63, v6  }
0x131: {  	v16 =	vmax.f32 v16, v52;
	v62 =	vperm.xlane v62, v6;
	v57 =	vmul.f32 $2.000000030e-01, v40  }
0x132: {  	v47 =	vld [tilespmem:s0+$0x10];
	v43 =	vadd.f32 v43, v61;
	v29 =	vmax.f32 v29, v53;
	v34 =	vperm.xlane v61, v6  }
0x133: {  	s12 =	sadd.s32 $0x7, s2;
	v16 =	vsub.f32 v16, v26;
	v59 =	vmax.f32 v40, v57;
	v28 =	vperm.xlane v60, v6  }
0x134: {  	v55 =	vmul.f32 $2.000000030e-01, v45;
	v60 =	vmov s12;
	v15 =	vsub.f32 v59, v15  }
0x135: {  	v26 =	vsub.f32 v29, v27;
	v61 =	vperm.xlane v54, v60;
	v28 =	vadd.f32 v28, v17  }
0x136: {  	v50 =	vmul.f32 $2.000000030e-01, v43;
	v45 =	vmax.f32 v45, v55;
	v15 =	vmul.f32 $1.442695020e+00, v15;
	v41 =	vpop (erf)  }
0x137: {  	[tilespmem:s24+$0xFFFFFFB0] =	vst v18;
	v33 =	vadd.f32 v33, v47;
	v58 =	vmul.f32 $2.000000030e-01, v28;
	v32 =	vmul.f32 v41, v61  }
0x138: {  	s26 =	simm.s32 $0x6680;
	[tilespmem:s24+$0xA0] =	vst v22;
	v43 =	vmax.f32 v43, v50;
	v29 =	vsub.f32 v45, v62;
	v17 =	vperm.xlane v17, v6  }
0x139: {  	v56 =	vmul.f32 $2.000000030e-01, v33;
	(erf) = vpow2.f32 v15;
	v28 =	vmax.f32 v28, v58;
	[tilespmem:s26+$0x30] =	vst v32  }
0x13a: {  	[tilespmem:s24+$0xFFFFFF70] =	vst v20;
	v63 =	vperm.xlane v47, v6;
	v27 =	vsub.f32 v43, v34;
	v17 =	vsub.f32 v28, v17;
	v28 =	vld [tilespmem:s14+$0xF0]  }
0x13b: {  	[tilespmem:s24+$0xFFFFFFF0] =	vst v19;
	v16 =	vmul.f32 $1.442695020e+00, v16;
	v26 =	vmul.f32 $1.442695020e+00, v26;
	v33 =	vmax.f32 v33, v56  }
0x13c: {  	s29 =	sadd.s32 $0x2, s2;
	s16 =	sadd.s32 $0x3, s2;
	s31 =	sadd.s32 $0x4, s2;
	[tilespmem:s24+$0x30] =	vst v30;
	v22 =	vmul.f32 $1.442695020e+00, v29;
	v27 =	vmul.f32 $1.442695020e+00, v27;
	v33 =	vsub.f32 v33, v63  }
0x13d: {  	s11 =	sadd.s32 $0x5, s2;
	s15 =	sadd.s32 $0x1, s2;
	s2 =	sadd.s32 $0x6, s2;
	[tilespmem:s9+$0x50] =	vst v42;
	(erf) = vpow2.f32 v16;
	v45 =	vperm.xlane v32, v0  }
0x13e: {  	[tilespmem:s24+$0x70] =	vst v31;
	v19 =	vmov s2;
	v20 =	vld [tilespmem:s17+$0x70];
	(erf) = vpow2.f32 v26;
	v29 =	vmul.f32 $1.442695020e+00, v33  }
0x13f: {  	[tilespmem:s9+$0x10] =	vst v37;
	v51 =	vperm.xlane v54, v19;
	v15 =	vmov s15;
	v26 =	vmul.f32 v28, v45  }
0x140: {  	s4 =	simm.s32 $0x4240;
	[tilespmem:s9+$0x90] =	vst v36;
	v47 =	vperm.xlane v54, v15;
	v15 =	vld [tilespmem:s17+$0x20];
	(erf) = vpow2.f32 v27  }
0x141: {  	v27 =	vmov s16;
	(erf) = vpow2.f32 v22;
	v22 =	vld [tilespmem:s17+$0xC0];
	v17 =	vmul.f32 $1.442695020e+00, v17;
	[tilespmem:s4+$0xC0] =	vst v26  }
0x142: {  	[tilespmem:s9+$0xFFFFFF20] =	vst v38;
	(erf) = vpow2.f32 v29;
	v29 =	vpop (erf);
	v26 =	vperm.xlane v54, v27;
	v27 =	vld [tilespmem:s14+$0x100]  }
0x143: {  	v18 =	vmov s11;
	v20 =	vmul.f32 v20, v24;
	[tilespmem:s9+$0xFFFFFFE0] =	vst v46;
	v21 =	vmul.f32 v29, v21  }
0x144: {  	[tilespmem:s9+$0xFFFFFFA0] =	vst v44;
	v19 =	vld [tilespmem:s17+$0xFFFFFFE0];
	v50 =	vperm.xlane v54, v18;
	(erf) = vpow2.f32 v17  }
0x145: {  	v18 =	vld [tilespmem:s17+$0xFFFFFF90];
	v16 =	vmov s29;
	v15 =	vmul.f32 v15, v25;
	v25 =	vperm.xlane v32, v1;
	[tilespmem:s26+$0xFFFFFFC0] =	vst v21  }
0x146: {  	[tilespmem:s9+$0xFFFFFF60] =	vst v35;
	v48 =	vperm.xlane v54, v16;
	v24 =	vpop (erf);
	v29 =	vmul.f32 v22, v23;
	v52 =	vld [tilespmem:s14+$0xFFFFFEC0]  }
0x147: {  	[tilespmem:s9+$0x60] =	vst v20;
	v16 =	vld [tilespmem:s17+$0xFFFFFEF0];
	v24 =	vmul.f32 v24, v47;
	v23 =	vpop (erf);
	v22 =	vmul.f32 v27, v25  }
0x148: {  	v17 =	vld [tilespmem:s17+$0xFFFFFF40];
	[tilespmem:s9+$0x20] =	vst v15;
	v27 =	vmul.f32 v23, v48  }
0x149: {  	v15 =	vld [tilespmem:s25+$0xD0];
	v59 =	vperm.xlane v32, v2;
	[tilespmem:s26+$0xFFFFFFD0] =	vst v24;
	v28 =	vmov s31;
	v25 =	vperm.xlane v21, v0;
	v23 =	vpop (erf)  }
0x14a: {  	v53 =	vld [tilespmem:s14+$0xFFFFFF10];
	v28 =	vperm.xlane v54, v28;
	v26 =	vmul.f32 v23, v26;
	[tilespmem:s26+$0xFFFFFFE0] =	vst v27  }
0x14b: {  	v32 =	vperm.xlane v32, v3;
	[tilespmem:s4+$0xD0] =	vst v22;
	v25 =	vmul.f32 v52, v25;
	v55 =	vld [tilespmem:s14+$0xFFFFFF60];
	v22 =	vpop (erf)  }
0x14c: {  	v62 =	vperm.xlane v21, v1;
	[tilespmem:s26+$0xFFFFFFF0] =	vst v26;
	v28 =	vmul.f32 v22, v28;
	v22 =	vld [tilespmem:s14+$0x110];
	v30 =	vpop (erf)  }
0x14d: {  	v20 =	vld [tilespmem:s17+$0x30];
	v34 =	vperm.xlane v24, v0;
	[tilespmem:s4+$0xFFFFFF00] =	vst v25;
	v30 =	vmul.f32 v30, v50;
	v31 =	vpop (erf)  }
0x14e: {  	v23 =	vperm.xlane v27, v0;
	v57 =	vld [tilespmem:s14+$0xFFFFFFB0];
	v31 =	vmul.f32 v31, v51;
	[tilespmem:s26+$0x0] =	vst v28  }
0x14f: {  	v33 =	vperm.xlane v24, v2;
	v25 =	vmul.f32 v53, v34;
	v60 =	vld [tilespmem:s14+$0x0];
	[tilespmem:s26+$0x10] =	vst v30  }
0x150: {  	v48 =	vperm.xlane v24, v1;
	v23 =	vmul.f32 v55, v23;
	v63 =	vld [tilespmem:s14+$0x50];
	[tilespmem:s26+$0x20] =	vst v31  }
0x151: {  	v54 =	vperm.xlane v26, v0;
	[tilespmem:s4+$0xFFFFFF40] =	vst v25;
	v22 =	vmul.f32 v22, v59;
	v49 =	vld [tilespmem:s14+$0xA0]  }
0x152: {  	v35 =	vperm.xlane v27, v2;
	v50 =	vld [tilespmem:s14+$0xFFFFFED0];
	v56 =	vperm.xlane v28, v0;
	[tilespmem:s4+$0xFFFFFF80] =	vst v23  }
0x153: {  	v58 =	vperm.xlane v30, v0;
	v55 =	vld [tilespmem:s14+$0xFFFFFF70];
	[tilespmem:s4+$0xE0] =	vst v22;
	v22 =	vmul.f32 v57, v54  }
0x154: {  	[tilespmem:s9+$0xF0] =	vst v39;
	v53 =	vld [tilespmem:s14+$0xFFFFFF20];
	v61 =	vperm.xlane v31, v0;
	v23 =	vmul.f32 v60, v56  }
0x155: {  	v36 =	vperm.xlane v26, v2;
	v52 =	vld [tilespmem:s14+$0x120];
	[tilespmem:s4+$0xFFFFFFC0] =	vst v22;
	v22 =	vmul.f32 v63, v58  }
0x156: {  	v51 =	vperm.xlane v27, v1;
	v57 =	vld [tilespmem:s14+$0xFFFFFFC0];
	[tilespmem:s4+$0x0] =	vst v23;
	v23 =	vmul.f32 v49, v61  }
0x157: {  	v34 =	vperm.xlane v21, v2;
	v58 =	vmul.f32 v50, v62;
	v59 =	vld [tilespmem:s14+$0x10];
	[tilespmem:s4+$0x40] =	vst v22  }
0x158: {  	v25 =	vperm.xlane v26, v1;
	v45 =	vmul.f32 v55, v51;
	v61 =	vld [tilespmem:s14+$0x60];
	[tilespmem:s4+$0x80] =	vst v23  }
0x159: {  	v54 =	vperm.xlane v28, v1;
	[tilespmem:s4+$0xFFFFFF10] =	vst v58;
	v23 =	vmul.f32 v53, v48;
	v62 =	vld [tilespmem:s14+$0xB0]  }
0x15a: {  	v56 =	vperm.xlane v30, v1;
	v38 =	vld [tilespmem:s14+$0xFFFFFEE0];
	v22 =	vmul.f32 v52, v32;
	[tilespmem:s4+$0xFFFFFF90] =	vst v45  }
0x15b: {  	v60 =	vperm.xlane v31, v1;
	v32 =	vld [tilespmem:s17+$0x80];
	[tilespmem:s4+$0xFFFFFF50] =	vst v23;
	v23 =	vmul.f32 v57, v25  }
0x15c: {  	[tilespmem:s4+$0xF0] =	vst v22;
	v37 =	vld [tilespmem:s14+$0xFFFFFF30];
	v22 =	vperm.xlane v28, v2;
	v63 =	vmul.f32 v59, v54  }
0x15d: {  	v39 =	vld [tilespmem:s14+$0xFFFFFF80];
	v25 =	vperm.xlane v30, v2;
	[tilespmem:s4+$0xFFFFFFD0] =	vst v23;
	v41 =	vmul.f32 v61, v56  }
0x15e: {  	s2 =	simm.s32 $0xA00;
	s25 =	simm.s32 $0x18;
	v23 =	vperm.xlane v31, v2;
	v40 =	vld [tilespmem:s14+$0xFFFFFFD0];
	[tilespmem:s4+$0x10] =	vst v63;
	v42 =	vmul.f32 v62, v60  }
.LBB2_7:
0x15f: {  	v43 =	vld [tilespmem:s2+$0x130];
	p4 =	slt.u32 s25, $0x48;
	v34 =	vmul.f32 v38, v34;
	v21 =	vperm.xlane v21, v3;
	[tilespmem:s4+$0x50] =	vst v41  }
0x160: {  	v24 =	vperm.xlane v24, v3;
	v27 =	vperm.xlane v27, v3;
	s0 =	sadd.s32 $0x80, s0;
	v38 =	vld [tilespmem:s2+$0xFFFFFF00];
	[tilespmem:s4+$0x90] =	vst v42  }
0x161: {  	v26 =	vperm.xlane v26, v3;
	v41 =	vld [tilespmem:s0+$0x30];
	[tilespmem:s4+$0xFFFFFF20] =	vst v34;
	v33 =	vmul.f32 v37, v33  }
0x162: {  	v28 =	vperm.xlane v28, v3;
	v34 =	vld [tilespmem:s2+$0xFFFFFF50];
	v35 =	vmul.f32 v39, v35;
	[tilespmem:s9+$0xA0] =	vst v29  }
0x163: {  	v30 =	vperm.xlane v30, v3;
	v29 =	vld [tilespmem:s2+$0xFFFFFFA0];
	[tilespmem:s4+$0xFFFFFF60] =	vst v33;
	v33 =	vmul.f32 v40, v36  }
0x164: {  	v31 =	vperm.xlane v31, v3;
	v36 =	vld [tilespmem:s2+$0xFFFFFFF0];
	v37 =	vperm.xlane v43, v6;
	[tilespmem:s4+$0xFFFFFFA0] =	vst v35  }
0x165: {  	v16 =	vmul.f32 v16, v9;
	v9 =	vmov v21;
	v35 =	vperm.xlane v38, v6;
	v38 =	vld [tilespmem:s2+$0x40];
	[tilespmem:s4+$0xFFFFFFE0] =	vst v33  }
0x166: {  	v17 =	vmul.f32 v17, v10;
	v18 =	vmul.f32 v18, v12;
	v10 =	vmovc v24;
	v21 =	vld [tilespmem:s2+$0x90];
	v33 =	vadd.f32 v37, v41  }
0x167: {  	v12 =	vmovc v27;
	v24 =	vperm.xlane v34, v6;
	v34 =	vld [tilespmem:s2+$0xE0];
	[tilespmem:s9+$0xFFFFFF30] =	vst v16;
	v16 =	vmul.f32 v19, v11;
	v11 =	vmov v26  }
0x168: {  	v19 =	vld [tilespmem:s0+$0xFFFFFFD0];
	v26 =	vperm.xlane v29, v6;
	v27 =	vmul.f32 $2.000000030e-01, v33;
	[tilespmem:s9+$0xFFFFFF70] =	vst v17  }
0x169: {  	v17 =	vld [tilespmem:s0+$0xFFFFFFE0];
	v29 =	vperm.xlane v36, v6;
	v36 =	vperm.xlane v41, v6;
	[tilespmem:s9+$0xFFFFFFB0] =	vst v18  }
0x16a: {  	v18 =	vld [tilespmem:s0+$0xFFFFFFF0];
	v37 =	vperm.xlane v38, v6;
	v27 =	vmax.f32 v33, v27;
	[tilespmem:s9+$0xFFFFFFF0] =	vst v16;
	v16 =	vmul.f32 v20, v13  }
0x16b: {  	v32 =	vmul.f32 v32, v14;
	v13 =	vmovc v28;
	v20 =	vld [tilespmem:s0+$0x0];
	v21 =	vperm.xlane v21, v6;
	v27 =	vsub.f32 v27, v36  }
0x16c: {  	v15 =	vmul.f32 v15, v7;
	v7 =	vmovc v8;
	v14 =	vmov v30;
	v28 =	vld [tilespmem:s0+$0x10];
	v33 =	vperm.xlane v34, v6;
	[tilespmem:s9+$0x30] =	vst v16  }
0x16d: {  	v8 =	vmovc v31;
	v30 =	vperm.xlane v19, v6;
	v19 =	vadd.f32 v24, v19;
	v24 =	vld [tilespmem:s0+$0x20];
	v16 =	vmul.f32 $1.442695020e+00, v27;
	[tilespmem:s9+$0x70] =	vst v32  }
0x16e: {  	v27 =	vld [tilespmem:s0+$0xFFFFFFC0];
	v31 =	vperm.xlane v17, v6;
	v26 =	vadd.f32 v26, v17;
	[tilespmem:s24+$0xB0] =	vst v15;
	s24 =	smov.u32 s9;
	s9 =	smov.u32 s4  }
0x16f: {  	v15 =	vmul.f32 $2.000000030e-01, v19;
	v29 =	vadd.f32 v29, v18;
	(erf) = vpow2.f32 v16;
	v32 =	vld [tilespmem:s14+$0x20]  }
0x170: {  	s11 =	sand.u32 $0x70, s25;
	v36 =	vperm.xlane v18, v6;
	v34 =	vmul.f32 $2.000000030e-01, v26;
	v37 =	vadd.f32 v37, v20;
	v38 =	vld [tilespmem:s14+$0x70]  }
0x171: {  	s11 =	smin.u32 s11, $0x40;
	v20 =	vperm.xlane v20, v6;
	v18 =	vmul.f32 $2.000000030e-01, v29;
	v21 =	vadd.f32 v21, v28;
	v39 =	vld [tilespmem:s14+$0xC0]  }
0x172: {  	v28 =	vperm.xlane v28, v6;
	v40 =	vld [tilespmem:s11+$0x6FE0];
	v41 =	vmul.f32 $2.000000030e-01, v37;
	v33 =	vadd.f32 v33, v24  }
0x173: {  	v42 =	vperm.xlane v27, v6;
	v27 =	vadd.f32 v35, v27;
	v35 =	vmul.f32 $2.000000030e-01, v21;
	v16 =	vld [tilespmem:s14+$0xFFFFFEF0]  }
0x174: {  	s29 =	sand.u32 $0xF, s25;
	v43 =	vmax.f32 v19, v15;
	v24 =	vperm.xlane v24, v6;
	v15 =	vmul.f32 $2.000000030e-01, v33;
	v17 =	vld [tilespmem:s14+$0xFFFFFF40]  }
0x175: {  	s12 =	sadd.s32 $0x2, s29;
	s15 =	sadd.s32 $0x7, s29;
	s11 =	sadd.s32 $0x1, s29;
	v26 =	vmax.f32 v26, v34;
	v29 =	vmax.f32 v29, v18;
	v44 =	vmul.f32 $2.000000030e-01, v27;
	v18 =	vld [tilespmem:s14+$0xFFFFFF90]  }
0x176: {  	s16 =	sadd.s32 $0x3, s29;
	s31 =	sadd.s32 $0x4, s29;
	s3 =	sadd.s32 $0x5, s29;
	v34 =	vmax.f32 v37, v41;
	v21 =	vmax.f32 v21, v35;
	v35 =	vmov s15;
	v19 =	vld [tilespmem:s14+$0xFFFFFFE0]  }
0x177: {  	s15 =	sadd.s32 $0x6, s29;
	v37 =	vmax.f32 v33, v15;
	v27 =	vmax.f32 v27, v44;
	v33 =	vperm.xlane v40, v35;
	v15 =	vld [tilespmem:s17+$0xD0];
	s17 =	smov.u32 s14;
	s14 =	smov.u32 s2  }
0x178: {  	v30 =	vsub.f32 v43, v30;
	v35 =	vmov s11;
	v27 =	vsub.f32 v27, v42;
	v41 =	vpop (erf)  }
0x179: {  	v26 =	vsub.f32 v26, v31;
	v29 =	vsub.f32 v29, v36;
	v33 =	vmul.f32 v41, v33  }
0x17a: {  	s26 =	sadd.s32 $0x80, s26;
	v20 =	vsub.f32 v34, v20;
	v21 =	vsub.f32 v21, v28;
	v27 =	vmul.f32 $1.442695020e+00, v27  }
0x17b: {  	v26 =	vmul.f32 $1.442695020e+00, v26;
	v28 =	vmul.f32 $1.442695020e+00, v30;
	v24 =	vsub.f32 v37, v24;
	[tilespmem:s26+$0x30] =	vst v33  }
0x17c: {  	v30 =	vmov s12;
	v29 =	vmul.f32 $1.442695020e+00, v29;
	v20 =	vmul.f32 $1.442695020e+00, v20;
	v31 =	vld [tilespmem:s2+$0xF0]  }
0x17d: {  	v34 =	vmov s16;
	v21 =	vmul.f32 $1.442695020e+00, v21;
	v24 =	vmul.f32 $1.442695020e+00, v24  }
0x17e: {  	v36 =	vmov s31;
	v37 =	vmov s3;
	(erf) = vpow2.f32 v27  }
0x17f: {  	v41 =	vperm.xlane v33, v0;
	v27 =	vmov s15;
	(erf) = vpow2.f32 v28  }
0x180: {  	v35 =	vperm.xlane v40, v35;
	v28 =	vmov s29;
	(erf) = vpow2.f32 v26  }
0x181: {  	v26 =	vmul.f32 v31, v41;
	(erf) = vpow2.f32 v29  }
0x182: {  	s4 =	sadd.s32 $0x200, s4;
	v28 =	vperm.xlane v40, v28;
	(erf) = vpow2.f32 v20  }
0x183: {  	v30 =	vperm.xlane v40, v30;
	[tilespmem:s4+$0xC0] =	vst v26;
	(erf) = vpow2.f32 v21  }
0x184: {  	v26 =	vperm.xlane v40, v34;
	v20 =	vld [tilespmem:s2+$0x100];
	(erf) = vpow2.f32 v24  }
0x185: {  	v31 =	vperm.xlane v40, v36;
	v34 =	vperm.xlane v40, v37  }
0x186: {  	v22 =	vmul.f32 v32, v22;
	v36 =	vperm.xlane v40, v27  }
0x187: {  	v25 =	vmul.f32 v38, v25;
	v27 =	vperm.xlane v33, v1;
	v21 =	vpop (erf)  }
0x188: {  	v29 =	vmul.f32 v39, v23;
	v21 =	vmul.f32 v21, v28;
	v24 =	vpop (erf);
	[tilespmem:s9+$0x20] =	vst v22  }
0x189: {  	v24 =	vmul.f32 v24, v35;
	v28 =	vmul.f32 v20, v27;
	v23 =	vpop (erf);
	v20 =	vld [tilespmem:s17+$0x30];
	[tilespmem:s9+$0x60] =	vst v25  }
0x18a: {  	[tilespmem:s26+$0xFFFFFFC0] =	vst v21;
	v25 =	vperm.xlane v21, v0;
	v27 =	vmul.f32 v23, v30;
	v23 =	vpop (erf);
	v32 =	vld [tilespmem:s17+$0x80]  }
0x18b: {  	v35 =	vld [tilespmem:s2+$0xFFFFFEC0];
	v37 =	vperm.xlane v24, v0;
	v26 =	vmul.f32 v23, v26;
	[tilespmem:s4+$0xD0] =	vst v28;
	v22 =	vpop (erf)  }
0x18c: {  	[tilespmem:s26+$0xFFFFFFD0] =	vst v24;
	v23 =	vperm.xlane v27, v0;
	v28 =	vmul.f32 v22, v31;
	v22 =	vld [tilespmem:s2+$0x110];
	v30 =	vpop (erf)  }
0x18d: {  	v38 =	vld [tilespmem:s2+$0xFFFFFF10];
	[tilespmem:s26+$0xFFFFFFE0] =	vst v27;
	v39 =	vperm.xlane v26, v0;
	v30 =	vmul.f32 v30, v34;
	v31 =	vpop (erf)  }
0x18e: {  	v34 =	vld [tilespmem:s2+$0xFFFFFF60];
	[tilespmem:s26+$0xFFFFFFF0] =	vst v26;
	v40 =	vperm.xlane v28, v0;
	v31 =	vmul.f32 v31, v36  }
0x18f: {  	v42 =	vperm.xlane v33, v2;
	v36 =	vld [tilespmem:s2+$0xFFFFFFB0];
	[tilespmem:s26+$0x0] =	vst v28;
	v41 =	vperm.xlane v30, v0  }
0x190: {  	v25 =	vmul.f32 v35, v25;
	v35 =	vld [tilespmem:s2+$0x0];
	[tilespmem:s26+$0x10] =	vst v30;
	v43 =	vperm.xlane v31, v0  }
0x191: {  	v44 =	vperm.xlane v21, v1;
	v45 =	vld [tilespmem:s2+$0x50];
	[tilespmem:s26+$0x20] =	vst v31;
	v22 =	vmul.f32 v22, v42  }
0x192: {  	[tilespmem:s4+$0xFFFFFF00] =	vst v25;
	v25 =	vmul.f32 v38, v37;
	v37 =	vperm.xlane v24, v1;
	v38 =	vld [tilespmem:s2+$0xA0]  }
0x193: {  	v46 =	vperm.xlane v27, v1;
	v42 =	vld [tilespmem:s2+$0xFFFFFED0];
	v23 =	vmul.f32 v34, v23;
	[tilespmem:s4+$0xE0] =	vst v22  }
0x194: {  	[tilespmem:s4+$0xFFFFFF40] =	vst v25;
	v22 =	vmul.f32 v36, v39;
	v25 =	vperm.xlane v26, v1;
	v36 =	vld [tilespmem:s2+$0x120]  }
0x195: {  	v39 =	vld [tilespmem:s2+$0xFFFFFF20];
	[tilespmem:s4+$0xFFFFFF80] =	vst v23;
	v23 =	vmul.f32 v35, v40;
	v40 =	vperm.xlane v28, v1  }
0x196: {  	v35 =	vld [tilespmem:s2+$0xFFFFFF70];
	[tilespmem:s4+$0xFFFFFFC0] =	vst v22;
	v22 =	vmul.f32 v45, v41;
	v41 =	vperm.xlane v30, v1  }
0x197: {  	v33 =	vperm.xlane v33, v3;
	v45 =	vld [tilespmem:s2+$0xFFFFFFC0];
	[tilespmem:s4+$0x0] =	vst v23;
	v23 =	vmul.f32 v38, v43  }
0x198: {  	v43 =	vperm.xlane v31, v1;
	v38 =	vmul.f32 v42, v44;
	v42 =	vld [tilespmem:s2+$0x10];
	[tilespmem:s4+$0x40] =	vst v22  }
0x199: {  	v34 =	vperm.xlane v21, v2;
	v44 =	vld [tilespmem:s2+$0x60];
	[tilespmem:s4+$0x80] =	vst v23;
	v22 =	vmul.f32 v36, v33  }
0x19a: {  	v33 =	vperm.xlane v24, v2;
	[tilespmem:s4+$0xFFFFFF10] =	vst v38;
	v23 =	vmul.f32 v39, v37;
	v47 =	vld [tilespmem:s2+$0xB0]  }
.Ltmp4:
0x19b: {  	v38 =	vld [tilespmem:s2+$0xFFFFFEE0];
	v39 =	vmul.f32 v35, v46;
	v35 =	vperm.xlane v27, v2;
	[tilespmem:s4+$0xF0] =	vst v22;
	(pc) =	sbr.rel @p4 .LBB2_7-.Ltmp4, $4  }
0x19c: {  	v36 =	vperm.xlane v26, v2;
	[tilespmem:s4+$0xFFFFFF50] =	vst v23;
	v23 =	vmul.f32 v45, v25  }
0x19d: {  	v22 =	vperm.xlane v28, v2;
	v37 =	vld [tilespmem:s2+$0xFFFFFF30];
	[tilespmem:s4+$0xFFFFFF90] =	vst v39;
	v42 =	vmul.f32 v42, v40  }
0x19e: {  	v25 =	vperm.xlane v30, v2;
	v39 =	vld [tilespmem:s2+$0xFFFFFF80];
	[tilespmem:s4+$0xFFFFFFD0] =	vst v23;
	v41 =	vmul.f32 v44, v41  }
0x19f: {  	s25 =	sadd.s32 $0x8, s25;
	v23 =	vperm.xlane v31, v2;
	s2 =	sadd.s32 $0x280, s2;
	v40 =	vld [tilespmem:s14+$0xFFFFFFD0];
	[tilespmem:s4+$0x10] =	vst v42;
	v42 =	vmul.f32 v47, v43  }
0x1a0: {  	[tilespmem:s4+$0x50] =	vst v41  }
0x1a1: {  	v34 =	vmul.f32 v38, v34;
	[tilespmem:s9+$0xA0] =	vst v29  }
0x1a2: {  	v9 =	vmul.f32 v16, v9;
	[tilespmem:s4+$0x90] =	vst v42  }
0x1a3: {  	v10 =	vmul.f32 v17, v10;
	[tilespmem:s4+$0xFFFFFF20] =	vst v34  }
0x1a4: {  	v12 =	vmul.f32 v18, v12;
	[tilespmem:s9+$0xFFFFFF30] =	vst v9  }
0x1a5: {  	v11 =	vmul.f32 v19, v11;
	[tilespmem:s9+$0xFFFFFF70] =	vst v10  }
0x1a6: {  	v16 =	vld [tilespmem:s14+$0x20];
	v7 =	vmul.f32 v15, v7;
	[tilespmem:s9+$0xFFFFFFB0] =	vst v12  }
0x1a7: {  	v33 =	vmul.f32 v37, v33;
	v9 =	vld [tilespmem:s14+$0x70];
	[tilespmem:s9+$0xFFFFFFF0] =	vst v11  }
0x1a8: {  	v18 =	vld [tilespmem:s17+$0xD0];
	v10 =	vmul.f32 v20, v13;
	[tilespmem:s24+$0xB0] =	vst v7  }
0x1a9: {  	v12 =	vld [tilespmem:s14+$0xC0];
	v60 =	vmul.f32 v39, v35;
	[tilespmem:s4+$0xFFFFFF60] =	vst v33  }
0x1aa: {  	v11 =	vmul.f32 v32, v14;
	v13 =	vld [tilespmem:s14+$0xFFFFFEF0];
	[tilespmem:s9+$0x30] =	vst v10  }
0x1ab: {  	v29 =	vmul.f32 v40, v36;
	[tilespmem:s4+$0xFFFFFFA0] =	vst v60;
	v10 =	vld [tilespmem:s14+$0xFFFFFF40]  }
0x1ac: {  	[tilespmem:s9+$0x70] =	vst v11;
	v11 =	vld [tilespmem:s14+$0xFFFFFF90];
	v9 =	vmul.f32 v9, v25  }
0x1ad: {  	v14 =	vmul.f32 v16, v22;
	v16 =	vperm.xlane v21, v3;
	[tilespmem:s4+$0xFFFFFFE0] =	vst v29  }
0x1ae: {  	v8 =	vmul.f32 v18, v8;
	v15 =	vld [tilespmem:s14+$0xFFFFFFE0];
	v12 =	vmul.f32 v12, v23;
	[tilespmem:s4+$0x60] =	vst v9  }
0x1af: {  	[tilespmem:s4+$0x20] =	vst v14;
	v14 =	vperm.xlane v24, v3;
	v9 =	vperm.xlane v27, v3;
	v7 =	vld [tilespmem:s14+$0x80]  }
0x1b0: {  	v17 =	vld [tilespmem:s14+$0x30];
	v13 =	vmul.f32 v13, v16;
	v16 =	vperm.xlane v26, v3;
	[tilespmem:s4+$0xA0] =	vst v12  }
0x1b1: {  	[tilespmem:s9+$0xB0] =	vst v8;
	v10 =	vmul.f32 v10, v14;
	v9 =	vmul.f32 v11, v9;
	v11 =	vld [tilespmem:s14+$0xD0]  }
0x1b2: {  	[tilespmem:s4+$0xFFFFFF30] =	vst v13;
	v13 =	vperm.xlane v30, v3  }
0x1b3: {  	v12 =	vperm.xlane v28, v3;
	v14 =	vmul.f32 v15, v16;
	[tilespmem:s4+$0xFFFFFF70] =	vst v10  }
0x1b4: {  	v10 =	vperm.xlane v31, v3;
	[tilespmem:s4+$0xFFFFFFB0] =	vst v9;
	v7 =	vmul.f32 v7, v13  }
0x1b5: {  	v9 =	vmul.f32 v17, v12;
	[tilespmem:s4+$0xFFFFFFF0] =	vst v14  }
0x1b6: {  	[tilespmem:s4+$0x70] =	vst v7;
	v7 =	vmul.f32 v11, v10  }
0x1b7: {  	[tilespmem:s4+$0x30] =	vst v9  }
0x1b8: {  	s0 =	simm.s32 @!p0 $0x50;
	s2 =	simm.s32 @!p0 $0x6F40;
	s3 =	simm.s32 @!p0 $0x6540;
	[tilespmem:s4+$0xB0] =	vst v7  }
0x1b9: {  	[spmem:s1] =	stream.indirect.scatter.add.f32 @!p0 [tilespmem:s3], [sflag:$0x5], $0x10, s2, s0, $0xb8;
	[tilespmem:$0x179D0] =	vst v63  }
0x1ba: {  	s4 =	simm.s32 $0x3D40;
	s3 =	simm.s32 $0x6F40;
	s0 =	simm.s32 @!p1 $0x3  }
0x1bb: {  	[spmem:s7] =	stream.indirect.scatter.add.f32 [tilespmem:s4], [sflag:$0x5], $0x40, s3, s30, $0xb8;
	[tilespmem:$0x179D0] =	vst v63  }
0x1bc: {  	_ =	swait.ge @!p1 [sflag:s0], $0x50  }
0x1bd: {  	[sflag:s0] =	ssyncset.done @!p1 $0x0  }
0x1be: {  	[sflag:s0] =	ssyncadd.s32 @!p1 $0xFFFFFFB0  }
0x1bf: {  	_ =	swait.ge @!p1 [sflag:s0], $0x50  }
0x1c0: {  	s2 =	simm.s32 @!p1 $0x0;
	[sflag:s0] =	ssyncset.done @!p1 $0x0  }
0x1c1: {  	s3 =	simm.s32 @!p1 $0x140;
	[sflag:s0] =	ssyncadd.s32 @!p1 $0xFFFFFFB0;
	s0 =	simm.s32 @!p1 $0x50  }
0x1c2: {  	[tilespmem:s3], [sflag:$0x1] =	stream.indirect.gather @!p1 [hbm4b:s19+s0], $0x50, s2, s0, $0xb8;
	[tilespmem:$0x179D0] =	vst v63  }
0x1c3: {  	s4 =	simm.s32 @!p1 $0x3340;
	s3 =	simm.s32 @!p1 $0xA0  }
0x1c4: {  	[tilespmem:s4], [sflag:$0x1] =	stream.indirect.gather @!p1 [hbm4b:s8+s0], $0x10, s3, s0, $0xb8;
	[tilespmem:$0x179D0] =	vst v63  }
0x1c5: {  	_ =	swait.ge [sflag:s13], $0x1900  }
0x1c6: {  	[sflag:s13] =	ssyncset.done $0x0  }
0x1c7: {  	[sflag:s13] =	ssyncadd.s32 $0xFFFFE700  }
0x1c8: {  	_ =	swait.ge [sflag:s13], $0x500  }
0x1c9: {  	[sflag:s13] =	ssyncset.done $0x0  }
0x1ca: {  	s3 =	simm.s32 @!p2 $0x6;
	[sflag:s13] =	ssyncadd.s32 $0xFFFFFB00  }
0x1cb: {  	_ =	swait.ge @!p2 [sflag:s3], $0x1400  }
0x1cc: {  	[sflag:s3] =	ssyncset.done @!p2 $0x0  }
0x1cd: {  	[sflag:s3] =	ssyncadd.s32 @!p2 $0xFFFFEC00;
	s3 =	simm.s32 @!p3 $0x6  }
0x1ce: {  	_ =	swait.ge @!p3 [sflag:s3], $0x500  }
0x1cf: {  	[sflag:s3] =	ssyncset.done @!p3 $0x0  }
0x1d0: {  	[sflag:s3] =	ssyncadd.s32 @!p3 $0xFFFFFB00  }
0x1d1: {  	v7 =	vld [tilespmem:$0xF0]  }
0x1d2: {  	v8 =	vld [tilespmem:$0x100]  }
0x1d3: {  	v9 =	vld [tilespmem:$0x110]  }
0x1d4: {  	v10 =	vld [tilespmem:$0x120]  }
0x1d5: {  	v11 =	vld [tilespmem:$0x130]  }
0x1d6: {  	v12 =	vld [tilespmem:$0x50]  }
0x1d7: {  	v13 =	vld [tilespmem:$0xF0]  }
0x1d8: {  	v14 =	vld [tilespmem:$0x60]  }
0x1d9: {  	v15 =	vld [tilespmem:$0x100]  }
0x1da: {  	v16 =	vld [tilespmem:$0x70]  }
0x1db: {  	v17 =	vld [tilespmem:$0x110]  }
0x1dc: {  	v18 =	vld [tilespmem:$0x80]  }
0x1dd: {  	[tilespmem:$0x6F90] =	vst v7;
	v7 =	vld [tilespmem:$0x120]  }
0x1de: {  	[tilespmem:$0x6FA0] =	vst v8;
	v8 =	vld [tilespmem:$0x90]  }
0x1df: {  	[tilespmem:$0x6FB0] =	vst v9;
	v9 =	vld [tilespmem:$0x130]  }
0x1e0: {  	[tilespmem:$0x6FC0] =	vst v10;
	vm0 =	veq.s32 v12, v13  }
0x1e1: {  	[tilespmem:$0x6FD0] =	vst v11;
	vm12 =	veq.s32 v14, v15;
	v10 =	vsel vm0, $0x0, v5  }
0x1e2: {  	vm13 =	veq.s32 v16, v17;
	[tilespmem:$0x6FE0] =	vst v10;
	v10 =	vsel vm12, $0x0, v5  }
0x1e3: {  	[tilespmem:$0x6FF0] =	vst v10;
	v10 =	vsel vm13, $0x0, v5;
	vm14 =	veq.s32 v18, v7  }
0x1e4: {  	s3 =	sadd.s32 @!p1 s23, s22;
	[tilespmem:$0x7000] =	vst v10;
	vm15 =	veq.s32 v8, v9;
	v7 =	vsel vm14, $0x0, v5  }
0x1e5: {  	s3 =	sshrl.u32 @!p1 s3, $0x3;
	[tilespmem:$0x7010] =	vst v7;
	v7 =	vsel vm15, $0x0, v5  }
0x1e6: {  	s4 =	sadd.s32 @!p1 s5, s3;
	[tilespmem:$0x7020] =	vst v7  }
0x1e7: {  	[tilespmem:s0], [sflag:$0x4] =	stream.linear.gather @!p1 [hbm4b:s4+s2], $0x50, $0x38;
	[tilespmem:$0x179D0] =	vst v63  }
0x1e8: {  	s24 =	simm.s32 $0x1B80;
	s0 =	sadd.s32 @!p1 s6, s3;
	s3 =	simm.s32 @!p1 $0xF0  }
0x1e9: {  	[tilespmem:s3], [sflag:$0x4] =	stream.linear.gather @!p1 [hbm4b:s0+s2], $0x50, $0x38;
	[tilespmem:$0x179D0] =	vst v63  }
0x1ea: {  	v7 =	vld [tilespmem:s24+$0x130]  }
0x1eb: {  	s9 =	simm.s32 $0x3880  }
0x1ec: {  	v8 =	vld [tilespmem:s9+$0x30];
	_ =	sdelay $0x1  }
0x1ed: {  	v9 =	vld [tilespmem:s24+$0xFFFFFF00]  }
0x1ee: {  	v10 =	vld [tilespmem:s24+$0xFFFFFF50];
	v7 =	vperm.xlane v7, v6  }
0x1ef: {  	v13 =	vld [tilespmem:s24+$0x40]  }
0x1f0: {  	v14 =	vld [tilespmem:s24+$0x90];
	v7 =	vadd.f32 v7, v8  }
0x1f1: {  	v15 =	vld [tilespmem:s24+$0xE0]  }
0x1f2: {  	v17 =	vld [tilespmem:s9+$0xFFFFFFD0];
	v16 =	vmul.f32 $2.000000030e-01, v7  }
0x1f3: {  	v19 =	vld [tilespmem:s9+$0x10];
	v8 =	vperm.xlane v8, v6  }
0x1f4: {  	v20 =	vld [tilespmem:s9+$0xFFFFFFC0];
	v7 =	vmax.f32 v7, v16  }
0x1f5: {  	v9 =	vperm.xlane v9, v6;
	v10 =	vperm.xlane v10, v6;
	v7 =	vsub.f32 v7, v8  }
0x1f6: {  	v11 =	vld [tilespmem:s24+$0xFFFFFFA0];
	v13 =	vperm.xlane v13, v6;
	v14 =	vperm.xlane v14, v6  }
0x1f7: {  	s11 =	simm.s32 $0x0;
	v12 =	vld [tilespmem:s24+$0xFFFFFFF0];
	v15 =	vperm.xlane v15, v6;
	v7 =	vmul.f32 $1.442695020e+00, v7  }
0x1f8: {  	s12 =	sand.u32 $0x70, s11;
	v10 =	vadd.f32 v10, v17;
	v17 =	vperm.xlane v17, v6;
	v14 =	vadd.f32 v14, v19  }
0x1f9: {  	s0 =	smin.u32 s12, $0x40;
	v18 =	vld [tilespmem:s9+$0xFFFFFFE0];
	v9 =	vadd.f32 v9, v20;
	v19 =	vperm.xlane v19, v6;
	(erf) = vpow2.f32 v7  }
0x1fa: {  	v24 =	vld [tilespmem:s0+$0x6FE0];
	v20 =	vperm.xlane v20, v6;
	v21 =	vmul.f32 $2.000000030e-01, v10  }
0x1fb: {  	s2 =	sand.u32 $0xF, s11;
	v26 =	vmul.f32 $2.000000030e-01, v14;
	v27 =	vmul.f32 $2.000000030e-01, v9;
	v16 =	vld [tilespmem:s9+$0xFFFFFFF0]  }
0x1fc: {  	s14 =	sadd.s32 $0x7, s2;
	v8 =	vperm.xlane v11, v6;
	v11 =	vperm.xlane v12, v6;
	v12 =	vld [tilespmem:s9+$0x0]  }
0x1fd: {  	v10 =	vmax.f32 v10, v21;
	v21 =	vmov s14;
	v9 =	vmax.f32 v9, v27  }
0x1fe: {  	v14 =	vmax.f32 v14, v26;
	v9 =	vsub.f32 v9, v20;
	v8 =	vadd.f32 v8, v18  }
0x1ff: {  	v21 =	vperm.xlane v24, v21;
	v10 =	vsub.f32 v10, v17;
	v18 =	vperm.xlane v18, v6;
	v7 =	vld [tilespmem:s9+$0x20]  }
0x200: {  	v9 =	vmul.f32 $1.442695020e+00, v9;
	v11 =	vadd.f32 v11, v16;
	v22 =	vmul.f32 $2.000000030e-01, v8  }
0x201: {  	v10 =	vmul.f32 $1.442695020e+00, v10;
	v16 =	vperm.xlane v16, v6;
	v13 =	vadd.f32 v13, v12  }
0x202: {  	v12 =	vperm.xlane v12, v6;
	v23 =	vmul.f32 $2.000000030e-01, v11;
	v8 =	vmax.f32 v8, v22;
	v20 =	vpop (erf)  }
0x203: {  	v25 =	vmul.f32 $2.000000030e-01, v13;
	v8 =	vsub.f32 v8, v18;
	v17 =	vmul.f32 v20, v21  }
0x204: {  	s15 =	simm.s32 $0x6A80;
	s4 =	simm.s32 $0x3900;
	v11 =	vmax.f32 v11, v23;
	v15 =	vadd.f32 v15, v7;
	v7 =	vperm.xlane v7, v6  }
0x205: {  	v62 =	vld [tilespmem:s4+$0x30];
	v13 =	vmax.f32 v13, v25;
	v11 =	vsub.f32 v11, v16;
	(erf) = vpow2.f32 v9;
	[tilespmem:s15+$0x30] =	vst v17  }
0x206: {  	v8 =	vmul.f32 $1.442695020e+00, v8;
	v12 =	vsub.f32 v13, v12;
	v28 =	vmul.f32 $2.000000030e-01, v15;
	v13 =	vld [tilespmem:s24+$0xF0]  }
0x207: {  	v47 =	vld [tilespmem:s4+$0xFFFFFFF0];
	v11 =	vmul.f32 $1.442695020e+00, v11;
	v9 =	vsub.f32 v14, v19;
	(erf) = vpow2.f32 v10  }
0x208: {  	v49 =	vld [tilespmem:s4+$0x0];
	v10 =	vmul.f32 $1.442695020e+00, v12;
	(erf) = vpow2.f32 v8  }
0x209: {  	v50 =	vld [tilespmem:s4+$0x10];
	v8 =	vmul.f32 $1.442695020e+00, v9;
	v9 =	vperm.xlane v17, v0  }
0x20a: {  	v33 =	vperm.xlane v62, v6;
	v15 =	vmax.f32 v15, v28;
	(erf) = vpow2.f32 v11  }
0x20b: {  	v7 =	vsub.f32 v15, v7;
	(erf) = vpow2.f32 v10;
	v9 =	vmul.f32 v13, v9  }
0x20c: {  	s23 =	simm.s32 $0x5240;
	v35 =	vperm.xlane v47, v6;
	(erf) = vpow2.f32 v8;
	v8 =	vmov s2  }
0x20d: {  	s17 =	sadd.s32 $0x2, s2;
	v51 =	vld [tilespmem:s4+$0xFFFFFFC0];
	v7 =	vmul.f32 $1.442695020e+00, v7;
	v8 =	vperm.xlane v24, v8;
	[tilespmem:s23+$0xC0] =	vst v9  }
0x20e: {  	s16 =	sadd.s32 $0x1, s2;
	v36 =	vperm.xlane v49, v6;
	v37 =	vperm.xlane v50, v6;
	v10 =	vmov s17;
	v11 =	vpop (erf);
	v9 =	vld [tilespmem:s24+$0x100]  }
0x20f: {  	s25 =	sadd.s32 $0x3, s2;
	(erf) = vpow2.f32 v7;
	v7 =	vmov s16;
	v12 =	vmul.f32 v11, v8  }
0x210: {  	v7 =	vperm.xlane v24, v7;
	v13 =	vperm.xlane v17, v1;
	v11 =	vmov s25  }
0x211: {  	s26 =	sadd.s32 $0x4, s2;
	v52 =	vld [tilespmem:s4+$0x20];
	v10 =	vperm.xlane v24, v10;
	v8 =	vpop (erf);
	v11 =	vperm.xlane v24, v11;
	[tilespmem:s15+$0xFFFFFFC0] =	vst v12  }
0x212: {  	s29 =	sadd.s32 $0x5, s2;
	v38 =	vperm.xlane v51, v6;
	v14 =	vmov s26;
	v7 =	vmul.f32 v8, v7;
	v8 =	vpop (erf);
	v15 =	vld [tilespmem:s24+$0xFFFFFEC0]  }
0x213: {  	s17 =	simm.s32 $0x1E00;
	v10 =	vmul.f32 v8, v10;
	v8 =	vmov s29;
	v9 =	vmul.f32 v9, v13  }
0x214: {  	v14 =	vperm.xlane v24, v14;
	v46 =	vld [tilespmem:s17+$0xFFFFFFA0];
	[tilespmem:s15+$0xFFFFFFD0] =	vst v7;
	v8 =	vperm.xlane v24, v8;
	v13 =	vpop (erf)  }
0x215: {  	s2 =	sadd.s32 $0x6, s2;
	v19 =	vperm.xlane v12, v0;
	v18 =	vld [tilespmem:s24+$0xFFFFFF10];
	[tilespmem:s15+$0xFFFFFFE0] =	vst v10;
	v13 =	vmul.f32 v13, v11;
	v11 =	vpop (erf)  }
0x216: {  	v39 =	vperm.xlane v52, v6;
	v16 =	vmov s2;
	[tilespmem:s23+$0xD0] =	vst v9;
	v14 =	vmul.f32 v11, v14;
	v11 =	vld [tilespmem:s24+$0xFFFFFF60]  }
0x217: {  	v16 =	vperm.xlane v24, v16;
	v15 =	vmul.f32 v15, v19;
	v20 =	vld [tilespmem:s24+$0x110];
	v9 =	vpop (erf)  }
0x218: {  	[tilespmem:s15+$0x0] =	vst v14;
	v22 =	vmul.f32 v9, v8;
	v8 =	vpop (erf);
	v9 =	vperm.xlane v7, v0  }
0x219: {  	[tilespmem:s15+$0xFFFFFFF0] =	vst v13;
	v19 =	vld [tilespmem:s24+$0x0];
	v23 =	vmul.f32 v8, v16;
	v16 =	vperm.xlane v10, v0  }
0x21a: {  	v21 =	vperm.xlane v17, v2;
	v48 =	vperm.xlane v46, v6;
	v8 =	vld [tilespmem:s24+$0xFFFFFFB0];
	[tilespmem:s15+$0x10] =	vst v22  }
0x21b: {  	s9 =	simm.s32 $0x8;
	[tilespmem:s23+$0xFFFFFF00] =	vst v15;
	v9 =	vmul.f32 v18, v9;
	v24 =	vld [tilespmem:s24+$0x50];
	v11 =	vmul.f32 v11, v16  }
0x21c: {  	s11 =	sand.u32 $0x70, s9;
	[tilespmem:s15+$0x20] =	vst v23;
	v16 =	vperm.xlane v14, v0;
	v20 =	vmul.f32 v20, v21;
	v21 =	vld [tilespmem:s24+$0xFFFFFED0]  }
0x21d: {  	s0 =	smin.u32 s11, $0x40;
	v26 =	vperm.xlane v12, v2;
	v18 =	vperm.xlane v13, v0;
	v15 =	vld [tilespmem:s24+$0xA0];
	[tilespmem:s23+$0xFFFFFF40] =	vst v9  }
0x21e: {  	v55 =	vld [tilespmem:s0+$0x6FE0];
	v29 =	vperm.xlane v10, v2;
	[tilespmem:s23+$0xFFFFFF80] =	vst v11;
	v16 =	vmul.f32 v19, v16  }
0x21f: {  	v9 =	vperm.xlane v22, v0;
	[tilespmem:s23+$0xE0] =	vst v20;
	v8 =	vmul.f32 v8, v18;
	v18 =	vld [tilespmem:s24+$0xFFFFFF20]  }
0x220: {  	v11 =	vperm.xlane v23, v0;
	v20 =	vperm.xlane v12, v1;
	v19 =	vld [tilespmem:s24+$0xFFFFFF70];
	[tilespmem:s23+$0x0] =	vst v16  }
0x221: {  	v28 =	vld [tilespmem:s17+$0x130];
	[tilespmem:s23+$0xFFFFFFC0] =	vst v8;
	v8 =	vmul.f32 v24, v9;
	v9 =	vperm.xlane v7, v1  }
0x222: {  	v16 =	vmul.f32 v21, v20;
	v20 =	vld [tilespmem:s24+$0x10];
	v11 =	vmul.f32 v15, v11  }
0x223: {  	v30 =	vperm.xlane v13, v2;
	v24 =	vld [tilespmem:s24+$0xFFFFFFC0];
	v15 =	vperm.xlane v10, v1;
	[tilespmem:s23+$0x40] =	vst v8  }
0x224: {  	v25 =	vld [tilespmem:s24+$0x120];
	[tilespmem:s23+$0x80] =	vst v11;
	v9 =	vmul.f32 v18, v9;
	v11 =	vperm.xlane v13, v1  }
0x225: {  	v44 =	vld [tilespmem:s17+$0xFFFFFF00];
	[tilespmem:s23+$0xFFFFFF10] =	vst v16;
	v15 =	vmul.f32 v19, v15;
	v18 =	vperm.xlane v14, v1  }
0x226: {  	v8 =	vld [tilespmem:s24+$0x60];
	v19 =	vperm.xlane v22, v1;
	[tilespmem:s23+$0xFFFFFF50] =	vst v9;
	v9 =	vperm.xlane v17, v3  }
0x227: {  	v21 =	vld [tilespmem:s24+$0xFFFFFEE0];
	v61 =	vmul.f32 v20, v18;
	v20 =	vperm.xlane v7, v3  }
0x228: {  	v16 =	vld [tilespmem:s24+$0xB0];
	v18 =	vperm.xlane v10, v3;
	v11 =	vmul.f32 v24, v11  }
0x229: {  	[tilespmem:s23+$0xFFFFFF90] =	vst v15;
	v10 =	vld [tilespmem:s17+$0x40];
	v24 =	vperm.xlane v23, v1;
	v15 =	vmul.f32 v25, v9  }
0x22a: {  	v27 =	vld [tilespmem:s24+$0xFFFFFF80];
	v25 =	vperm.xlane v7, v2;
	v9 =	vperm.xlane v22, v2  }
0x22b: {  	v17 =	vld [tilespmem:s24+$0xFFFFFF30];
	v7 =	vperm.xlane v23, v3;
	[tilespmem:s23+$0xFFFFFFD0] =	vst v11;
	v11 =	vperm.xlane v14, v2  }
0x22c: {  	v45 =	vld [tilespmem:s17+$0xFFFFFF50];
	v63 =	vmul.f32 v8, v19;
	v26 =	vmul.f32 v21, v26  }
0x22d: {  	v31 =	vld [tilespmem:s24+$0xFFFFFFD0];
	v24 =	vmul.f32 v16, v24;
	v16 =	vperm.xlane v28, v6  }
0x22e: {  	v21 =	vperm.xlane v12, v3;
	v12 =	vld [tilespmem:s17+$0xFFFFFFF0];
	v19 =	vperm.xlane v13, v3  }
0x22f: {  	v10 =	vperm.xlane v10, v6;
	v28 =	vadd.f32 v16, v62;
	v13 =	vmul.f32 v27, v29;
	v27 =	vld [tilespmem:s17+$0x90]  }
0x230: {  	v25 =	vmul.f32 v17, v25;
	v16 =	vperm.xlane v14, v3;
	v14 =	vld [tilespmem:s17+$0xE0]  }
0x231: {  	s2 =	sand.u32 $0xF, s9;
	v17 =	vperm.xlane v22, v3;
	v22 =	vld [tilespmem:s4+$0xFFFFFFE0];
	v29 =	vmul.f32 $2.000000030e-01, v28  }
0x232: {  	s25 =	sadd.s32 $0x3, s2;
	v8 =	vperm.xlane v23, v2;
	[tilespmem:s23+$0xFFFFFF20] =	vst v26;
	v10 =	vadd.f32 v10, v49;
	v30 =	vmul.f32 v31, v30;
	v31 =	vld [tilespmem:s4+$0xFFFFFFD0]  }
0x233: {  	v12 =	vperm.xlane v12, v6;
	[tilespmem:s23+$0xFFFFFFA0] =	vst v13;
	v13 =	vmov s25;
	v23 =	vmax.f32 v28, v29  }
0x234: {  	s12 =	sadd.s32 $0x7, s2;
	v26 =	vld [tilespmem:s24+$0xFFFFFEF0];
	v43 =	vmul.f32 $2.000000030e-01, v10;
	v13 =	vperm.xlane v55, v13;
	v23 =	vsub.f32 v23, v33  }
0x235: {  	v46 =	vmov s12;
	v28 =	vperm.xlane v44, v6;
	v29 =	vperm.xlane v45, v6  }
0x236: {  	v12 =	vadd.f32 v12, v47;
	v27 =	vperm.xlane v27, v6;
	v23 =	vmul.f32 $1.442695020e+00, v23  }
0x237: {  	v14 =	vperm.xlane v14, v6;
	v33 =	vadd.f32 v48, v22;
	v29 =	vadd.f32 v29, v31  }
0x238: {  	v22 =	vperm.xlane v22, v6;
	v56 =	vmax.f32 v10, v43;
	(erf) = vpow2.f32 v23  }
0x239: {  	v21 =	vmul.f32 v26, v21;
	v28 =	vadd.f32 v28, v51;
	v23 =	vmul.f32 $2.000000030e-01, v29  }
0x23a: {  	v54 =	vmul.f32 $2.000000030e-01, v12;
	v53 =	vmul.f32 $2.000000030e-01, v33;
	v27 =	vadd.f32 v27, v50  }
0x23b: {  	v14 =	vadd.f32 v14, v52;
	v23 =	vmax.f32 v29, v23;
	v29 =	vmul.f32 $2.000000030e-01, v28  }
0x23c: {  	v31 =	vperm.xlane v31, v6;
	v12 =	vmax.f32 v12, v54;
	v44 =	vmul.f32 $2.000000030e-01, v27  }
0x23d: {  	v33 =	vmax.f32 v33, v53;
	v12 =	vsub.f32 v12, v35;
	v28 =	vmax.f32 v28, v29  }
0x23e: {  	v45 =	vmul.f32 $2.000000030e-01, v14;
	v22 =	vsub.f32 v33, v22;
	v28 =	vsub.f32 v28, v38  }
0x23f: {  	v27 =	vmax.f32 v27, v44;
	v12 =	vmul.f32 $1.442695020e+00, v12;
	v23 =	vsub.f32 v23, v31  }
0x240: {  	v14 =	vmax.f32 v14, v45;
	v29 =	vperm.xlane v55, v46;
	v28 =	vmul.f32 $1.442695020e+00, v28  }
0x241: {  	v22 =	vmul.f32 $1.442695020e+00, v22;
	v14 =	vsub.f32 v14, v39;
	v23 =	vmul.f32 $1.442695020e+00, v23;
	v10 =	vpop (erf)  }
0x242: {  	v27 =	vsub.f32 v27, v37;
	v10 =	vmul.f32 v10, v29;
	(erf) = vpow2.f32 v28  }
0x243: {  	s14 =	simm.s32 $0x6B00;
	[tilespmem:s23+$0x10] =	vst v61;
	v14 =	vmul.f32 $1.442695020e+00, v14;
	v29 =	vsub.f32 v56, v36;
	(erf) = vpow2.f32 v23  }
0x244: {  	s15 =	sadd.s32 $0x1, s2;
	v23 =	vmul.f32 $1.442695020e+00, v27;
	[tilespmem:s14+$0x30] =	vst v10;
	(erf) = vpow2.f32 v22;
	v22 =	vld [tilespmem:s24+$0x20]  }
0x245: {  	[tilespmem:s23+$0x50] =	vst v63;
	v27 =	vmov s15;
	v28 =	vmul.f32 $1.442695020e+00, v29;
	v29 =	vperm.xlane v10, v0;
	v31 =	vld [tilespmem:s17+$0xF0]  }
0x246: {  	s16 =	sadd.s32 $0x2, s2;
	[tilespmem:s23+$0x90] =	vst v24;
	v24 =	vperm.xlane v55, v27;
	(erf) = vpow2.f32 v12;
	v12 =	vld [tilespmem:s24+$0x70]  }
0x247: {  	[tilespmem:s23+$0xFFFFFF60] =	vst v25;
	v25 =	vmov s16;
	v46 =	vperm.xlane v10, v2;
	(erf) = vpow2.f32 v28  }
0x248: {  	s26 =	sadd.s32 $0x4, s2;
	v27 =	vmov s2;
	v28 =	vld [tilespmem:s24+$0xFFFFFF90];
	(erf) = vpow2.f32 v23;
	v23 =	vperm.xlane v55, v25  }
0x249: {  	s29 =	sadd.s32 $0x5, s2;
	(erf) = vpow2.f32 v14;
	v14 =	vmov s26;
	v11 =	vmul.f32 v22, v11  }
0x24a: {  	s0 =	simm.s32 $0x3980;
	v57 =	vld [tilespmem:s24+$0xC0];
	s2 =	sadd.s32 $0x6, s2;
	v22 =	vmov s29;
	v14 =	vperm.xlane v55, v14;
	v29 =	vmul.f32 v31, v29  }
0x24b: {  	[tilespmem:s23+$0xFFFFFFE0] =	vst v30;
	v26 =	vld [tilespmem:s0+$0xFFFFFFD0];
	v31 =	vperm.xlane v55, v27;
	v9 =	vmul.f32 v12, v9;
	v12 =	vmov s2  }
0x24c: {  	s9 =	simm.s32 $0x5440;
	v27 =	vld [tilespmem:s24+$0xFFFFFF40];
	v58 =	vperm.xlane v55, v22;
	v30 =	vpop (erf);
	[tilespmem:s23+$0x20] =	vst v11;
	v11 =	vperm.xlane v55, v12  }
0x24d: {  	v18 =	vmul.f32 v28, v18;
	[tilespmem:s9+$0xC0] =	vst v29;
	v29 =	vld [tilespmem:s24+$0xFFFFFFE0];
	v34 =	vmul.f32 v30, v31;
	v22 =	vpop (erf)  }
0x24e: {  	v30 =	vld [tilespmem:s24+$0x30];
	[tilespmem:s23+$0x60] =	vst v9;
	v9 =	vperm.xlane v10, v1;
	v12 =	vmul.f32 v22, v24;
	v22 =	vpop (erf)  }
0x24f: {  	v25 =	vld [tilespmem:s17+$0x100];
	v35 =	vmul.f32 v22, v23;
	v23 =	vpop (erf);
	v22 =	vmul.f32 v57, v8  }
0x250: {  	v31 =	vld [tilespmem:s24+$0x80];
	[tilespmem:s14+$0xFFFFFFC0] =	vst v34;
	v49 =	vperm.xlane v34, v1;
	v13 =	vmul.f32 v23, v13  }
0x251: {  	v8 =	vld [tilespmem:s17+$0xFFFFFEC0];
	[tilespmem:s14+$0xFFFFFFD0] =	vst v12;
	v23 =	vperm.xlane v34, v0;
	v24 =	vpop (erf);
	v59 =	vperm.xlane v12, v0  }
0x252: {  	v20 =	vmul.f32 v27, v20;
	v27 =	vld [tilespmem:s0+$0xFFFFFFE0];
	[tilespmem:s14+$0xFFFFFFE0] =	vst v35;
	v14 =	vmul.f32 v24, v14;
	v24 =	vpop (erf)  }
0x253: {  	v60 =	vld [tilespmem:s17+$0xFFFFFF60];
	[tilespmem:s14+$0xFFFFFFF0] =	vst v13;
	v33 =	vmul.f32 v24, v58;
	v63 =	vperm.xlane v13, v0  }
0x254: {  	v24 =	vpop (erf);
	v52 =	vperm.xlane v13, v1;
	v9 =	vmul.f32 v25, v9;
	v25 =	vld [tilespmem:s17+$0xFFFFFF10];
	[tilespmem:s14+$0x0] =	vst v14  }
0x255: {  	v19 =	vmul.f32 v29, v19;
	v61 =	vld [tilespmem:s17+$0xFFFFFFB0];
	v40 =	vmul.f32 v24, v11;
	[tilespmem:s14+$0x10] =	vst v33  }
0x256: {  	[tilespmem:s9+$0xD0] =	vst v9;
	v9 =	vperm.xlane v35, v0;
	v8 =	vmul.f32 v8, v23;
	v23 =	vld [tilespmem:s17+$0x0]  }
0x257: {  	v30 =	vmul.f32 v30, v16;
	v11 =	vperm.xlane v14, v0;
	[tilespmem:s14+$0x20] =	vst v40;
	v62 =	vld [tilespmem:s17+$0x110]  }
0x258: {  	v31 =	vmul.f32 v31, v17;
	[tilespmem:s9+$0xFFFFFF00] =	vst v8;
	v8 =	vld [tilespmem:s17+$0xA0];
	v9 =	vmul.f32 v60, v9  }
0x259: {  	v24 =	vperm.xlane v33, v0;
	v45 =	vld [tilespmem:s17+$0x50];
	v25 =	vmul.f32 v25, v59  }
0x25a: {  	v47 =	vperm.xlane v40, v0;
	v57 =	vperm.xlane v40, v1;
	v48 =	vld [tilespmem:s17+$0xFFFFFED0];
	[tilespmem:s9+$0xFFFFFF80] =	vst v9  }
0x25b: {  	[tilespmem:s9+$0xFFFFFF40] =	vst v25;
	v25 =	vmul.f32 v61, v63;
	v11 =	vmul.f32 v23, v11;
	v23 =	vld [tilespmem:s17+$0xFFFFFF70]  }
0x25c: {  	s14 =	simm.s32 $0x2080;
	v59 =	vperm.xlane v34, v2;
	v32 =	vmul.f32 v62, v46;
	v50 =	vld [tilespmem:s17+$0xFFFFFF20]  }
0x25d: {  	v9 =	vperm.xlane v12, v1;
	[tilespmem:s9+$0xFFFFFFC0] =	vst v25;
	v8 =	vmul.f32 v8, v47;
	v47 =	vld [tilespmem:s14+$0x130]  }
0x25e: {  	v24 =	vmul.f32 v45, v24;
	v61 =	vperm.xlane v12, v2;
	[tilespmem:s9+$0xE0] =	vst v32;
	v51 =	vld [tilespmem:s17+$0xFFFFFFC0]  }
0x25f: {  	v62 =	vperm.xlane v35, v2;
	v25 =	vperm.xlane v35, v1;
	[tilespmem:s9+$0x0] =	vst v11;
	v53 =	vld [tilespmem:s17+$0x120]  }
0x260: {  	v11 =	vperm.xlane v14, v1;
	[tilespmem:s9+$0x40] =	vst v24;
	v54 =	vmul.f32 v48, v49;
	v55 =	vld [tilespmem:s17+$0x10]  }
0x261: {  	v24 =	vperm.xlane v33, v1;
	v56 =	vld [tilespmem:s17+$0x60];
	[tilespmem:s9+$0x80] =	vst v8;
	v23 =	vmul.f32 v23, v25  }
0x262: {  	[tilespmem:s9+$0xFFFFFF10] =	vst v54;
	v54 =	vld [tilespmem:s14+$0xFFFFFF50];
	v8 =	vmul.f32 v50, v9;
	v9 =	vperm.xlane v10, v3  }
0x263: {  	v25 =	vperm.xlane v14, v2;
	v10 =	vld [tilespmem:s17+$0xB0];
	[tilespmem:s9+$0xFFFFFF90] =	vst v23;
	v23 =	vperm.xlane v40, v2  }
0x264: {  	v47 =	vperm.xlane v47, v6;
	v39 =	vmul.f32 v53, v9;
	v53 =	vld [tilespmem:s0+$0x30]  }
0x265: {  	v58 =	vld [tilespmem:s17+$0xFFFFFEE0];
	[tilespmem:s9+$0xFFFFFF50] =	vst v8;
	v8 =	vmul.f32 v51, v52;
	v37 =	vmul.f32 v55, v11  }
0x266: {  	v48 =	vld [tilespmem:s14+$0xFFFFFF00];
	v42 =	vmul.f32 v56, v24;
	v24 =	vperm.xlane v33, v2  }
0x267: {  	v63 =	vld [tilespmem:s17+$0xFFFFFF80];
	v11 =	vperm.xlane v13, v3;
	v9 =	vperm.xlane v34, v3  }
0x268: {  	s4 =	simm.s32 $0x10;
	v55 =	vld [tilespmem:s14+$0xFFFFFFA0];
	[tilespmem:s9+$0xFFFFFFD0] =	vst v8;
	v8 =	vperm.xlane v13, v2;
	v13 =	vperm.xlane v14, v3  }
0x269: {  	s11 =	sand.u32 $0x70, s4;
	v56 =	vld [tilespmem:s14+$0xFFFFFFF0];
	v14 =	vperm.xlane v33, v3;
	v28 =	vperm.xlane v54, v6;
	v47 =	vadd.f32 v47, v53  }
0x26a: {  	s3 =	smin.u32 s11, $0x40;
	v60 =	vld [tilespmem:s17+$0xFFFFFF30];
	v36 =	vmul.f32 v10, v57;
	v38 =	vmul.f32 v58, v59  }
0x26b: {  	v54 =	vld [tilespmem:s3+$0x6FE0];
	v10 =	vperm.xlane v12, v3;
	v49 =	vmul.f32 $2.000000030e-01, v47  }
0x26c: {  	v52 =	vld [tilespmem:s17+$0xFFFFFFD0];
	v12 =	vperm.xlane v35, v3;
	v32 =	vperm.xlane v53, v6  }
0x26d: {  	v57 =	vld [tilespmem:s14+$0x40];
	v59 =	vperm.xlane v48, v6;
	v16 =	vadd.f32 v28, v26;
	v47 =	vmax.f32 v47, v49  }
0x26e: {  	v58 =	vld [tilespmem:s14+$0x90];
	v26 =	vperm.xlane v26, v6;
	v44 =	vmul.f32 v63, v62;
	v32 =	vsub.f32 v47, v32  }
0x26f: {  	s2 =	sand.u32 $0xF, s4;
	v29 =	vperm.xlane v55, v6;
	v43 =	vperm.xlane v56, v6;
	v63 =	vld [tilespmem:s0+$0xFFFFFFC0]  }
0x270: {  	[tilespmem:s23+$0xFFFFFF30] =	vst v21;
	v21 =	vmov s2;
	v62 =	vld [tilespmem:s0+$0x0];
	v35 =	vmul.f32 v60, v61;
	v28 =	vmul.f32 $1.442695020e+00, v32  }
0x271: {  	v29 =	vadd.f32 v29, v27;
	v27 =	vperm.xlane v27, v6;
	v21 =	vperm.xlane v54, v21  }
0x272: {  	v61 =	vld [tilespmem:s0+$0xFFFFFFF0];
	v46 =	vmul.f32 v52, v8;
	(erf) = vpow2.f32 v28  }
0x273: {  	v60 =	vld [tilespmem:s14+$0xE0];
	v8 =	vperm.xlane v40, v3;
	v45 =	vperm.xlane v57, v6  }
0x274: {  	v33 =	vperm.xlane v58, v6;
	v52 =	vmul.f32 $2.000000030e-01, v16;
	v40 =	vadd.f32 v59, v63  }
0x275: {  	[tilespmem:s23+$0xF0] =	vst v15;
	v17 =	vld [tilespmem:s0+$0x20];
	v53 =	vmul.f32 $2.000000030e-01, v29;
	v45 =	vadd.f32 v45, v62;
	v15 =	vperm.xlane v63, v6  }
0x276: {  	v16 =	vmax.f32 v16, v52;
	v62 =	vperm.xlane v62, v6;
	v57 =	vmul.f32 $2.000000030e-01, v40  }
0x277: {  	v47 =	vld [tilespmem:s0+$0x10];
	v43 =	vadd.f32 v43, v61;
	v29 =	vmax.f32 v29, v53;
	v34 =	vperm.xlane v61, v6  }
0x278: {  	s12 =	sadd.s32 $0x7, s2;
	v16 =	vsub.f32 v16, v26;
	v59 =	vmax.f32 v40, v57;
	v28 =	vperm.xlane v60, v6  }
0x279: {  	v55 =	vmul.f32 $2.000000030e-01, v45;
	v60 =	vmov s12;
	v15 =	vsub.f32 v59, v15  }
0x27a: {  	v26 =	vsub.f32 v29, v27;
	v61 =	vperm.xlane v54, v60;
	v28 =	vadd.f32 v28, v17  }
0x27b: {  	v50 =	vmul.f32 $2.000000030e-01, v43;
	v45 =	vmax.f32 v45, v55;
	v15 =	vmul.f32 $1.442695020e+00, v15;
	v41 =	vpop (erf)  }
0x27c: {  	[tilespmem:s23+$0xFFFFFFB0] =	vst v18;
	v33 =	vadd.f32 v33, v47;
	v58 =	vmul.f32 $2.000000030e-01, v28;
	v32 =	vmul.f32 v41, v61  }
0x27d: {  	s25 =	simm.s32 $0x6B80;
	[tilespmem:s23+$0xA0] =	vst v22;
	v43 =	vmax.f32 v43, v50;
	v29 =	vsub.f32 v45, v62;
	v17 =	vperm.xlane v17, v6  }
0x27e: {  	v56 =	vmul.f32 $2.000000030e-01, v33;
	(erf) = vpow2.f32 v15;
	v28 =	vmax.f32 v28, v58;
	[tilespmem:s25+$0x30] =	vst v32  }
0x27f: {  	[tilespmem:s23+$0xFFFFFF70] =	vst v20;
	v63 =	vperm.xlane v47, v6;
	v27 =	vsub.f32 v43, v34;
	v17 =	vsub.f32 v28, v17;
	v28 =	vld [tilespmem:s14+$0xF0]  }
0x280: {  	[tilespmem:s23+$0xFFFFFFF0] =	vst v19;
	v16 =	vmul.f32 $1.442695020e+00, v16;
	v26 =	vmul.f32 $1.442695020e+00, v26;
	v33 =	vmax.f32 v33, v56  }
0x281: {  	s15 =	sadd.s32 $0x1, s2;
	s16 =	sadd.s32 $0x2, s2;
	s26 =	sadd.s32 $0x3, s2;
	[tilespmem:s23+$0x30] =	vst v30;
	v22 =	vmul.f32 $1.442695020e+00, v29;
	v27 =	vmul.f32 $1.442695020e+00, v27;
	v33 =	vsub.f32 v33, v63  }
0x282: {  	s11 =	sadd.s32 $0x4, s2;
	s29 =	sadd.s32 $0x5, s2;
	s2 =	sadd.s32 $0x6, s2;
	[tilespmem:s9+$0x50] =	vst v42;
	(erf) = vpow2.f32 v16;
	v45 =	vperm.xlane v32, v0  }
0x283: {  	v19 =	vmov s2;
	[tilespmem:s23+$0x70] =	vst v31;
	v20 =	vld [tilespmem:s17+$0x70];
	(erf) = vpow2.f32 v26;
	v29 =	vmul.f32 $1.442695020e+00, v33  }
0x284: {  	[tilespmem:s9+$0x10] =	vst v37;
	v51 =	vperm.xlane v54, v19;
	v15 =	vmov s15;
	v26 =	vmul.f32 v28, v45  }
0x285: {  	s4 =	simm.s32 $0x5640;
	[tilespmem:s9+$0x90] =	vst v36;
	v47 =	vperm.xlane v54, v15;
	v15 =	vld [tilespmem:s17+$0x20];
	(erf) = vpow2.f32 v27  }
0x286: {  	v27 =	vmov s26;
	(erf) = vpow2.f32 v22;
	v22 =	vld [tilespmem:s17+$0xC0];
	v17 =	vmul.f32 $1.442695020e+00, v17;
	[tilespmem:s4+$0xC0] =	vst v26  }
0x287: {  	[tilespmem:s9+$0xFFFFFF20] =	vst v38;
	(erf) = vpow2.f32 v29;
	v29 =	vpop (erf);
	v26 =	vperm.xlane v54, v27;
	v27 =	vld [tilespmem:s14+$0x100]  }
0x288: {  	v18 =	vmov s29;
	v20 =	vmul.f32 v20, v24;
	[tilespmem:s9+$0xFFFFFFE0] =	vst v46;
	v21 =	vmul.f32 v29, v21  }
0x289: {  	[tilespmem:s9+$0xFFFFFFA0] =	vst v44;
	v19 =	vld [tilespmem:s17+$0xFFFFFFE0];
	v50 =	vperm.xlane v54, v18;
	(erf) = vpow2.f32 v17  }
0x28a: {  	v18 =	vld [tilespmem:s17+$0xFFFFFF90];
	v16 =	vmov s16;
	v15 =	vmul.f32 v15, v25;
	v25 =	vperm.xlane v32, v1;
	[tilespmem:s25+$0xFFFFFFC0] =	vst v21  }
0x28b: {  	[tilespmem:s9+$0xFFFFFF60] =	vst v35;
	v48 =	vperm.xlane v54, v16;
	v24 =	vpop (erf);
	v29 =	vmul.f32 v22, v23;
	v52 =	vld [tilespmem:s14+$0xFFFFFEC0]  }
0x28c: {  	[tilespmem:s9+$0x60] =	vst v20;
	v16 =	vld [tilespmem:s17+$0xFFFFFEF0];
	v24 =	vmul.f32 v24, v47;
	v23 =	vpop (erf);
	v22 =	vmul.f32 v27, v25  }
0x28d: {  	v17 =	vld [tilespmem:s17+$0xFFFFFF40];
	[tilespmem:s9+$0x20] =	vst v15;
	v27 =	vmul.f32 v23, v48  }
0x28e: {  	v15 =	vld [tilespmem:s24+$0xD0];
	v59 =	vperm.xlane v32, v2;
	[tilespmem:s25+$0xFFFFFFD0] =	vst v24;
	v28 =	vmov s11;
	v25 =	vperm.xlane v21, v0;
	v23 =	vpop (erf)  }
0x28f: {  	v53 =	vld [tilespmem:s14+$0xFFFFFF10];
	v28 =	vperm.xlane v54, v28;
	v26 =	vmul.f32 v23, v26;
	[tilespmem:s25+$0xFFFFFFE0] =	vst v27  }
0x290: {  	v32 =	vperm.xlane v32, v3;
	[tilespmem:s4+$0xD0] =	vst v22;
	v25 =	vmul.f32 v52, v25;
	v55 =	vld [tilespmem:s14+$0xFFFFFF60];
	v22 =	vpop (erf)  }
0x291: {  	v62 =	vperm.xlane v21, v1;
	[tilespmem:s25+$0xFFFFFFF0] =	vst v26;
	v28 =	vmul.f32 v22, v28;
	v22 =	vld [tilespmem:s14+$0x110];
	v30 =	vpop (erf)  }
0x292: {  	v20 =	vld [tilespmem:s17+$0x30];
	v34 =	vperm.xlane v24, v0;
	[tilespmem:s4+$0xFFFFFF00] =	vst v25;
	v30 =	vmul.f32 v30, v50;
	v31 =	vpop (erf)  }
0x293: {  	v23 =	vperm.xlane v27, v0;
	v57 =	vld [tilespmem:s14+$0xFFFFFFB0];
	v31 =	vmul.f32 v31, v51;
	[tilespmem:s25+$0x0] =	vst v28  }
0x294: {  	v33 =	vperm.xlane v24, v2;
	v25 =	vmul.f32 v53, v34;
	v60 =	vld [tilespmem:s14+$0x0];
	[tilespmem:s25+$0x10] =	vst v30  }
0x295: {  	v48 =	vperm.xlane v24, v1;
	v23 =	vmul.f32 v55, v23;
	v63 =	vld [tilespmem:s14+$0x50];
	[tilespmem:s25+$0x20] =	vst v31  }
0x296: {  	v54 =	vperm.xlane v26, v0;
	[tilespmem:s4+$0xFFFFFF40] =	vst v25;
	v22 =	vmul.f32 v22, v59;
	v49 =	vld [tilespmem:s14+$0xA0]  }
0x297: {  	v35 =	vperm.xlane v27, v2;
	v50 =	vld [tilespmem:s14+$0xFFFFFED0];
	v56 =	vperm.xlane v28, v0;
	[tilespmem:s4+$0xFFFFFF80] =	vst v23  }
0x298: {  	v58 =	vperm.xlane v30, v0;
	v55 =	vld [tilespmem:s14+$0xFFFFFF70];
	[tilespmem:s4+$0xE0] =	vst v22;
	v22 =	vmul.f32 v57, v54  }
0x299: {  	[tilespmem:s9+$0xF0] =	vst v39;
	v53 =	vld [tilespmem:s14+$0xFFFFFF20];
	v61 =	vperm.xlane v31, v0;
	v23 =	vmul.f32 v60, v56  }
0x29a: {  	v36 =	vperm.xlane v26, v2;
	v52 =	vld [tilespmem:s14+$0x120];
	[tilespmem:s4+$0xFFFFFFC0] =	vst v22;
	v22 =	vmul.f32 v63, v58  }
0x29b: {  	v51 =	vperm.xlane v27, v1;
	v57 =	vld [tilespmem:s14+$0xFFFFFFC0];
	[tilespmem:s4+$0x0] =	vst v23;
	v23 =	vmul.f32 v49, v61  }
0x29c: {  	v34 =	vperm.xlane v21, v2;
	v58 =	vmul.f32 v50, v62;
	v59 =	vld [tilespmem:s14+$0x10];
	[tilespmem:s4+$0x40] =	vst v22  }
0x29d: {  	v25 =	vperm.xlane v26, v1;
	v45 =	vmul.f32 v55, v51;
	v61 =	vld [tilespmem:s14+$0x60];
	[tilespmem:s4+$0x80] =	vst v23  }
0x29e: {  	v54 =	vperm.xlane v28, v1;
	[tilespmem:s4+$0xFFFFFF10] =	vst v58;
	v23 =	vmul.f32 v53, v48;
	v62 =	vld [tilespmem:s14+$0xB0]  }
0x29f: {  	v56 =	vperm.xlane v30, v1;
	v38 =	vld [tilespmem:s14+$0xFFFFFEE0];
	v22 =	vmul.f32 v52, v32;
	[tilespmem:s4+$0xFFFFFF90] =	vst v45  }
0x2a0: {  	v60 =	vperm.xlane v31, v1;
	v32 =	vld [tilespmem:s17+$0x80];
	[tilespmem:s4+$0xFFFFFF50] =	vst v23;
	v23 =	vmul.f32 v57, v25  }
0x2a1: {  	[tilespmem:s4+$0xF0] =	vst v22;
	v37 =	vld [tilespmem:s14+$0xFFFFFF30];
	v22 =	vperm.xlane v28, v2;
	v63 =	vmul.f32 v59, v54  }
0x2a2: {  	v39 =	vld [tilespmem:s14+$0xFFFFFF80];
	v25 =	vperm.xlane v30, v2;
	[tilespmem:s4+$0xFFFFFFD0] =	vst v23;
	v41 =	vmul.f32 v61, v56  }
0x2a3: {  	s31 =	smov.u32 s1;
	s2 =	simm.s32 $0x2300;
	s24 =	simm.s32 $0x18;
	v23 =	vperm.xlane v31, v2;
	v40 =	vld [tilespmem:s14+$0xFFFFFFD0];
	[tilespmem:s4+$0x10] =	vst v63;
	v42 =	vmul.f32 v62, v60  }
.LBB2_9:
0x2a4: {  	v43 =	vld [tilespmem:s2+$0x130];
	p2 =	slt.u32 s24, $0x48;
	v34 =	vmul.f32 v38, v34;
	v21 =	vperm.xlane v21, v3;
	[tilespmem:s4+$0x50] =	vst v41  }
0x2a5: {  	v24 =	vperm.xlane v24, v3;
	v27 =	vperm.xlane v27, v3;
	s0 =	sadd.s32 $0x80, s0;
	v38 =	vld [tilespmem:s2+$0xFFFFFF00];
	[tilespmem:s4+$0x90] =	vst v42  }
0x2a6: {  	v26 =	vperm.xlane v26, v3;
	v41 =	vld [tilespmem:s0+$0x30];
	[tilespmem:s4+$0xFFFFFF20] =	vst v34;
	v33 =	vmul.f32 v37, v33  }
0x2a7: {  	v28 =	vperm.xlane v28, v3;
	v34 =	vld [tilespmem:s2+$0xFFFFFF50];
	v35 =	vmul.f32 v39, v35;
	[tilespmem:s9+$0xA0] =	vst v29  }
0x2a8: {  	v30 =	vperm.xlane v30, v3;
	v29 =	vld [tilespmem:s2+$0xFFFFFFA0];
	[tilespmem:s4+$0xFFFFFF60] =	vst v33;
	v33 =	vmul.f32 v40, v36  }
0x2a9: {  	v31 =	vperm.xlane v31, v3;
	v36 =	vld [tilespmem:s2+$0xFFFFFFF0];
	v37 =	vperm.xlane v43, v6;
	[tilespmem:s4+$0xFFFFFFA0] =	vst v35  }
0x2aa: {  	v16 =	vmul.f32 v16, v9;
	v9 =	vmov v21;
	v35 =	vperm.xlane v38, v6;
	v38 =	vld [tilespmem:s2+$0x40];
	[tilespmem:s4+$0xFFFFFFE0] =	vst v33  }
0x2ab: {  	v17 =	vmul.f32 v17, v10;
	v18 =	vmul.f32 v18, v12;
	v10 =	vmovc v24;
	v21 =	vld [tilespmem:s2+$0x90];
	v33 =	vadd.f32 v37, v41  }
0x2ac: {  	v12 =	vmovc v27;
	v24 =	vperm.xlane v34, v6;
	v34 =	vld [tilespmem:s2+$0xE0];
	[tilespmem:s9+$0xFFFFFF30] =	vst v16;
	v16 =	vmul.f32 v19, v11;
	v11 =	vmov v26  }
0x2ad: {  	v19 =	vld [tilespmem:s0+$0xFFFFFFD0];
	v26 =	vperm.xlane v29, v6;
	v27 =	vmul.f32 $2.000000030e-01, v33;
	[tilespmem:s9+$0xFFFFFF70] =	vst v17  }
0x2ae: {  	v17 =	vld [tilespmem:s0+$0xFFFFFFE0];
	v29 =	vperm.xlane v36, v6;
	v36 =	vperm.xlane v41, v6;
	[tilespmem:s9+$0xFFFFFFB0] =	vst v18  }
0x2af: {  	v18 =	vld [tilespmem:s0+$0xFFFFFFF0];
	v37 =	vperm.xlane v38, v6;
	v27 =	vmax.f32 v33, v27;
	[tilespmem:s9+$0xFFFFFFF0] =	vst v16;
	v16 =	vmul.f32 v20, v13  }
0x2b0: {  	v32 =	vmul.f32 v32, v14;
	v13 =	vmovc v28;
	v20 =	vld [tilespmem:s0+$0x0];
	v21 =	vperm.xlane v21, v6;
	v27 =	vsub.f32 v27, v36  }
0x2b1: {  	v15 =	vmul.f32 v15, v7;
	v7 =	vmovc v8;
	v14 =	vmov v30;
	v28 =	vld [tilespmem:s0+$0x10];
	v33 =	vperm.xlane v34, v6;
	[tilespmem:s9+$0x30] =	vst v16  }
0x2b2: {  	v8 =	vmovc v31;
	v30 =	vperm.xlane v19, v6;
	v19 =	vadd.f32 v24, v19;
	v24 =	vld [tilespmem:s0+$0x20];
	v16 =	vmul.f32 $1.442695020e+00, v27;
	[tilespmem:s9+$0x70] =	vst v32  }
0x2b3: {  	v27 =	vld [tilespmem:s0+$0xFFFFFFC0];
	v31 =	vperm.xlane v17, v6;
	v26 =	vadd.f32 v26, v17;
	[tilespmem:s23+$0xB0] =	vst v15;
	s23 =	smov.u32 s9;
	s9 =	smov.u32 s4  }
0x2b4: {  	v15 =	vmul.f32 $2.000000030e-01, v19;
	v29 =	vadd.f32 v29, v18;
	(erf) = vpow2.f32 v16;
	v32 =	vld [tilespmem:s14+$0x20]  }
0x2b5: {  	s3 =	sand.u32 $0x70, s24;
	v36 =	vperm.xlane v18, v6;
	v34 =	vmul.f32 $2.000000030e-01, v26;
	v37 =	vadd.f32 v37, v20;
	v38 =	vld [tilespmem:s14+$0x70]  }
0x2b6: {  	s3 =	smin.u32 s3, $0x40;
	v20 =	vperm.xlane v20, v6;
	v18 =	vmul.f32 $2.000000030e-01, v29;
	v21 =	vadd.f32 v21, v28;
	v39 =	vld [tilespmem:s14+$0xC0]  }
0x2b7: {  	v28 =	vperm.xlane v28, v6;
	v40 =	vld [tilespmem:s3+$0x6FE0];
	v41 =	vmul.f32 $2.000000030e-01, v37;
	v33 =	vadd.f32 v33, v24  }
0x2b8: {  	v42 =	vperm.xlane v27, v6;
	v27 =	vadd.f32 v35, v27;
	v35 =	vmul.f32 $2.000000030e-01, v21;
	v16 =	vld [tilespmem:s14+$0xFFFFFEF0]  }
0x2b9: {  	s26 =	sand.u32 $0xF, s24;
	v43 =	vmax.f32 v19, v15;
	v24 =	vperm.xlane v24, v6;
	v15 =	vmul.f32 $2.000000030e-01, v33;
	v17 =	vld [tilespmem:s14+$0xFFFFFF40]  }
0x2ba: {  	s11 =	sadd.s32 $0x2, s26;
	s12 =	sadd.s32 $0x7, s26;
	s3 =	sadd.s32 $0x1, s26;
	v26 =	vmax.f32 v26, v34;
	v29 =	vmax.f32 v29, v18;
	v44 =	vmul.f32 $2.000000030e-01, v27;
	v18 =	vld [tilespmem:s14+$0xFFFFFF90]  }
0x2bb: {  	s15 =	sadd.s32 $0x3, s26;
	s16 =	sadd.s32 $0x4, s26;
	s29 =	sadd.s32 $0x5, s26;
	v34 =	vmax.f32 v37, v41;
	v21 =	vmax.f32 v21, v35;
	v35 =	vmov s12;
	v19 =	vld [tilespmem:s14+$0xFFFFFFE0]  }
0x2bc: {  	s12 =	sadd.s32 $0x6, s26;
	v37 =	vmax.f32 v33, v15;
	v27 =	vmax.f32 v27, v44;
	v33 =	vperm.xlane v40, v35;
	v15 =	vld [tilespmem:s17+$0xD0];
	s17 =	smov.u32 s14;
	s14 =	smov.u32 s2  }
0x2bd: {  	v30 =	vsub.f32 v43, v30;
	v35 =	vmov s3;
	v27 =	vsub.f32 v27, v42;
	v41 =	vpop (erf)  }
0x2be: {  	v26 =	vsub.f32 v26, v31;
	v29 =	vsub.f32 v29, v36;
	v33 =	vmul.f32 v41, v33  }
0x2bf: {  	s25 =	sadd.s32 $0x80, s25;
	v20 =	vsub.f32 v34, v20;
	v21 =	vsub.f32 v21, v28;
	v27 =	vmul.f32 $1.442695020e+00, v27  }
0x2c0: {  	v26 =	vmul.f32 $1.442695020e+00, v26;
	v28 =	vmul.f32 $1.442695020e+00, v30;
	v24 =	vsub.f32 v37, v24;
	[tilespmem:s25+$0x30] =	vst v33  }
0x2c1: {  	v30 =	vmov s11;
	v29 =	vmul.f32 $1.442695020e+00, v29;
	v20 =	vmul.f32 $1.442695020e+00, v20;
	v31 =	vld [tilespmem:s2+$0xF0]  }
0x2c2: {  	v34 =	vmov s15;
	v21 =	vmul.f32 $1.442695020e+00, v21;
	v24 =	vmul.f32 $1.442695020e+00, v24  }
0x2c3: {  	v36 =	vmov s16;
	v37 =	vmov s29;
	(erf) = vpow2.f32 v27  }
0x2c4: {  	v41 =	vperm.xlane v33, v0;
	v27 =	vmov s12;
	(erf) = vpow2.f32 v28  }
0x2c5: {  	v35 =	vperm.xlane v40, v35;
	v28 =	vmov s26;
	(erf) = vpow2.f32 v26  }
0x2c6: {  	v26 =	vmul.f32 v31, v41;
	(erf) = vpow2.f32 v29  }
0x2c7: {  	s4 =	sadd.s32 $0x200, s4;
	v28 =	vperm.xlane v40, v28;
	(erf) = vpow2.f32 v20  }
0x2c8: {  	v30 =	vperm.xlane v40, v30;
	[tilespmem:s4+$0xC0] =	vst v26;
	(erf) = vpow2.f32 v21  }
0x2c9: {  	v26 =	vperm.xlane v40, v34;
	v20 =	vld [tilespmem:s2+$0x100];
	(erf) = vpow2.f32 v24  }
0x2ca: {  	v31 =	vperm.xlane v40, v36;
	v34 =	vperm.xlane v40, v37  }
0x2cb: {  	v22 =	vmul.f32 v32, v22;
	v36 =	vperm.xlane v40, v27  }
0x2cc: {  	v25 =	vmul.f32 v38, v25;
	v27 =	vperm.xlane v33, v1;
	v21 =	vpop (erf)  }
0x2cd: {  	v29 =	vmul.f32 v39, v23;
	v21 =	vmul.f32 v21, v28;
	v24 =	vpop (erf);
	[tilespmem:s9+$0x20] =	vst v22  }
0x2ce: {  	v24 =	vmul.f32 v24, v35;
	v28 =	vmul.f32 v20, v27;
	v23 =	vpop (erf);
	v20 =	vld [tilespmem:s17+$0x30];
	[tilespmem:s9+$0x60] =	vst v25  }
0x2cf: {  	[tilespmem:s25+$0xFFFFFFC0] =	vst v21;
	v25 =	vperm.xlane v21, v0;
	v27 =	vmul.f32 v23, v30;
	v23 =	vpop (erf);
	v32 =	vld [tilespmem:s17+$0x80]  }
0x2d0: {  	v35 =	vld [tilespmem:s2+$0xFFFFFEC0];
	v37 =	vperm.xlane v24, v0;
	v26 =	vmul.f32 v23, v26;
	[tilespmem:s4+$0xD0] =	vst v28;
	v22 =	vpop (erf)  }
0x2d1: {  	[tilespmem:s25+$0xFFFFFFD0] =	vst v24;
	v23 =	vperm.xlane v27, v0;
	v28 =	vmul.f32 v22, v31;
	v22 =	vld [tilespmem:s2+$0x110];
	v30 =	vpop (erf)  }
0x2d2: {  	v38 =	vld [tilespmem:s2+$0xFFFFFF10];
	[tilespmem:s25+$0xFFFFFFE0] =	vst v27;
	v39 =	vperm.xlane v26, v0;
	v30 =	vmul.f32 v30, v34;
	v31 =	vpop (erf)  }
0x2d3: {  	v34 =	vld [tilespmem:s2+$0xFFFFFF60];
	[tilespmem:s25+$0xFFFFFFF0] =	vst v26;
	v40 =	vperm.xlane v28, v0;
	v31 =	vmul.f32 v31, v36  }
0x2d4: {  	v42 =	vperm.xlane v33, v2;
	v36 =	vld [tilespmem:s2+$0xFFFFFFB0];
	[tilespmem:s25+$0x0] =	vst v28;
	v41 =	vperm.xlane v30, v0  }
0x2d5: {  	v25 =	vmul.f32 v35, v25;
	v35 =	vld [tilespmem:s2+$0x0];
	[tilespmem:s25+$0x10] =	vst v30;
	v43 =	vperm.xlane v31, v0  }
0x2d6: {  	v44 =	vperm.xlane v21, v1;
	v45 =	vld [tilespmem:s2+$0x50];
	[tilespmem:s25+$0x20] =	vst v31;
	v22 =	vmul.f32 v22, v42  }
0x2d7: {  	[tilespmem:s4+$0xFFFFFF00] =	vst v25;
	v25 =	vmul.f32 v38, v37;
	v37 =	vperm.xlane v24, v1;
	v38 =	vld [tilespmem:s2+$0xA0]  }
0x2d8: {  	v46 =	vperm.xlane v27, v1;
	v42 =	vld [tilespmem:s2+$0xFFFFFED0];
	v23 =	vmul.f32 v34, v23;
	[tilespmem:s4+$0xE0] =	vst v22  }
0x2d9: {  	[tilespmem:s4+$0xFFFFFF40] =	vst v25;
	v22 =	vmul.f32 v36, v39;
	v25 =	vperm.xlane v26, v1;
	v36 =	vld [tilespmem:s2+$0x120]  }
0x2da: {  	v39 =	vld [tilespmem:s2+$0xFFFFFF20];
	[tilespmem:s4+$0xFFFFFF80] =	vst v23;
	v23 =	vmul.f32 v35, v40;
	v40 =	vperm.xlane v28, v1  }
0x2db: {  	v35 =	vld [tilespmem:s2+$0xFFFFFF70];
	[tilespmem:s4+$0xFFFFFFC0] =	vst v22;
	v22 =	vmul.f32 v45, v41;
	v41 =	vperm.xlane v30, v1  }
0x2dc: {  	v33 =	vperm.xlane v33, v3;
	v45 =	vld [tilespmem:s2+$0xFFFFFFC0];
	[tilespmem:s4+$0x0] =	vst v23;
	v23 =	vmul.f32 v38, v43  }
0x2dd: {  	v43 =	vperm.xlane v31, v1;
	v38 =	vmul.f32 v42, v44;
	v42 =	vld [tilespmem:s2+$0x10];
	[tilespmem:s4+$0x40] =	vst v22  }
0x2de: {  	v34 =	vperm.xlane v21, v2;
	v44 =	vld [tilespmem:s2+$0x60];
	[tilespmem:s4+$0x80] =	vst v23;
	v22 =	vmul.f32 v36, v33  }
0x2df: {  	v33 =	vperm.xlane v24, v2;
	[tilespmem:s4+$0xFFFFFF10] =	vst v38;
	v23 =	vmul.f32 v39, v37;
	v47 =	vld [tilespmem:s2+$0xB0]  }
.Ltmp5:
0x2e0: {  	v38 =	vld [tilespmem:s2+$0xFFFFFEE0];
	v39 =	vmul.f32 v35, v46;
	v35 =	vperm.xlane v27, v2;
	[tilespmem:s4+$0xF0] =	vst v22;
	(pc) =	sbr.rel @p2 .LBB2_9-.Ltmp5, $4  }
0x2e1: {  	v36 =	vperm.xlane v26, v2;
	[tilespmem:s4+$0xFFFFFF50] =	vst v23;
	v23 =	vmul.f32 v45, v25  }
0x2e2: {  	v22 =	vperm.xlane v28, v2;
	v37 =	vld [tilespmem:s2+$0xFFFFFF30];
	[tilespmem:s4+$0xFFFFFF90] =	vst v39;
	v42 =	vmul.f32 v42, v40  }
0x2e3: {  	v25 =	vperm.xlane v30, v2;
	v39 =	vld [tilespmem:s2+$0xFFFFFF80];
	[tilespmem:s4+$0xFFFFFFD0] =	vst v23;
	v41 =	vmul.f32 v44, v41  }
0x2e4: {  	s24 =	sadd.s32 $0x8, s24;
	v23 =	vperm.xlane v31, v2;
	s2 =	sadd.s32 $0x280, s2;
	v40 =	vld [tilespmem:s14+$0xFFFFFFD0];
	[tilespmem:s4+$0x10] =	vst v42;
	v42 =	vmul.f32 v47, v43  }
0x2e5: {  	[tilespmem:s4+$0x50] =	vst v41  }
0x2e6: {  	v34 =	vmul.f32 v38, v34;
	[tilespmem:s9+$0xA0] =	vst v29  }
0x2e7: {  	v9 =	vmul.f32 v16, v9;
	[tilespmem:s4+$0x90] =	vst v42  }
0x2e8: {  	v10 =	vmul.f32 v17, v10;
	[tilespmem:s4+$0xFFFFFF20] =	vst v34  }
0x2e9: {  	v12 =	vmul.f32 v18, v12;
	[tilespmem:s9+$0xFFFFFF30] =	vst v9  }
0x2ea: {  	v11 =	vmul.f32 v19, v11;
	[tilespmem:s9+$0xFFFFFF70] =	vst v10  }
0x2eb: {  	v44 =	vmul.f32 v20, v13;
	[tilespmem:s9+$0xFFFFFFB0] =	vst v12  }
0x2ec: {  	v46 =	vmul.f32 v32, v14;
	v43 =	vld [tilespmem:s14+$0x70];
	[tilespmem:s9+$0xFFFFFFF0] =	vst v11  }
0x2ed: {  	v7 =	vmul.f32 v15, v7;
	v42 =	vld [tilespmem:s14+$0x20];
	[tilespmem:s9+$0x30] =	vst v44  }
0x2ee: {  	v33 =	vmul.f32 v37, v33;
	v45 =	vld [tilespmem:s14+$0xC0];
	[tilespmem:s9+$0x70] =	vst v46  }
0x2ef: {  	v57 =	vld [tilespmem:s17+$0xD0];
	[tilespmem:s23+$0xB0] =	vst v7;
	v39 =	vmul.f32 v39, v35  }
0x2f0: {  	v47 =	vld [tilespmem:s14+$0xFFFFFEF0];
	[tilespmem:s4+$0xFFFFFF60] =	vst v33;
	v41 =	vmul.f32 v40, v36  }
0x2f1: {  	[tilespmem:s4+$0xFFFFFFA0] =	vst v39;
	v48 =	vld [tilespmem:s14+$0xFFFFFF40];
	v9 =	vmul.f32 v43, v25  }
0x2f2: {  	[tilespmem:s4+$0xFFFFFFE0] =	vst v41;
	v49 =	vmul.f32 v42, v22;
	v50 =	vld [tilespmem:s14+$0xFFFFFF90]  }
0x2f3: {  	v51 =	vperm.xlane v21, v3;
	v52 =	vld [tilespmem:s14+$0xFFFFFFE0];
	v12 =	vmul.f32 v45, v23;
	[tilespmem:s4+$0x60] =	vst v9  }
0x2f4: {  	v53 =	vperm.xlane v24, v3;
	v8 =	vmul.f32 v57, v8;
	[tilespmem:s4+$0x20] =	vst v49;
	v7 =	vld [tilespmem:s14+$0x80]  }
0x2f5: {  	v55 =	vperm.xlane v27, v3;
	v13 =	vmul.f32 v47, v51;
	v54 =	vld [tilespmem:s14+$0x30];
	[tilespmem:s4+$0xA0] =	vst v12  }
0x2f6: {  	v56 =	vperm.xlane v26, v3;
	[tilespmem:s9+$0xB0] =	vst v8;
	v10 =	vmul.f32 v48, v53;
	v59 =	vld [tilespmem:s14+$0xD0]  }
0x2f7: {  	v60 =	vperm.xlane v30, v3;
	[tilespmem:s4+$0xFFFFFF30] =	vst v13;
	v9 =	vmul.f32 v50, v55  }
0x2f8: {  	v58 =	vperm.xlane v28, v3;
	v61 =	vmul.f32 v52, v56;
	[tilespmem:s4+$0xFFFFFF70] =	vst v10  }
0x2f9: {  	v63 =	vperm.xlane v31, v3;
	[tilespmem:s4+$0xFFFFFFB0] =	vst v9;
	v7 =	vmul.f32 v7, v60  }
0x2fa: {  	v62 =	vmul.f32 v54, v58;
	[tilespmem:s4+$0xFFFFFFF0] =	vst v61  }
0x2fb: {  	[tilespmem:s4+$0x70] =	vst v7;
	v7 =	vmul.f32 v59, v63  }
.Ltmp6:
0x2fc: {  	[tilespmem:s4+$0x30] =	vst v62;
	(pc) =	sbr.rel @p1 .LBB2_12-.Ltmp6, $4  }
0x2fd: {  	s0 =	simm.s32 @!p0 $0x50;
	s2 =	simm.s32 @!p0 $0x6F90;
	s3 =	simm.s32 @!p0 $0x6A40;
	[tilespmem:s4+$0xB0] =	vst v7  }
0x2fe: {  	[spmem:s31] =	stream.indirect.scatter.add.f32 @!p0 [tilespmem:s3], [sflag:$0x6], $0x10, s2, s0, $0xb8;
	[tilespmem:$0x179D0] =	vst v63  }
0x2ff: {  	s26 =	simm.s32 $0x6F90;
	s29 =	simm.s32 $0x5140  }
0x300: {  	[spmem:s7] =	stream.indirect.scatter.add.f32 [tilespmem:s29], [sflag:$0x6], $0x40, s26, s30, $0xb8;
	[tilespmem:$0x179D0] =	vst v63  }
0x301: {  	_ =	swait.ge [sflag:s28], $0x50  }
0x302: {  	[sflag:s28] =	ssyncset.done $0x0  }
0x303: {  	[sflag:s28] =	ssyncadd.s32 $0xFFFFFFB0  }
0x304: {  	_ =	swait.ge [sflag:s28], $0x50  }
.Ltmp7:
0x305: {  	[sflag:s28] =	ssyncset.done $0x0;
	(pc) =	sbr.rel .LBB2_6-.Ltmp7, $4  }
0x306: {  	s0 =	simm.s32 $0x1A40;
	[sflag:s28] =	ssyncadd.s32 $0xFFFFFFB0  }
0x307: {  	[tilespmem:s0], [sflag:$0x2] =	stream.indirect.gather [hbm4b:s19+s30], $0x50, s30, s30, $0xb8;
	[tilespmem:$0x179D0] =	vst v63  }
0x308: {  	s31 =	simm.s32 $0xF0;
	s2 =	simm.s32 $0x3840;
	s21 =	sadd.s32 $0x1, s21  }
0x309: {  	[tilespmem:s2], [sflag:$0x2] =	stream.indirect.gather [hbm4b:s8+s30], $0x10, s31, s30, $0xb8;
	[tilespmem:$0x179D0] =	vst v63  }
.LBB2_13:
0x30a: {  	_ =	sfence.sel $0x180000  }
0x30b: {  	[bflag:$0x0] =	sbarrier.arrive $0xFFFF  }
0x30c: {  	_ =	strace $0x90000047  }
0x30d: {  	s0 =	stileid.u32;
	[bflag:$0x2] =	sbarrier.arrive $0xFFFF  }
0x30e: {  	p0 =	sne.s32 s0, $0x0;
	s0 =	rddreg [dreg:$0x4]  }
0x30f: {  	s0 =	sadd.s32 @!p0 $0x100000, s0  }
0x310: {  	[sflag:s0] =	ssyncadd.tile.s32 @!p0 $0x1;
	_ =	shalt  }
.Lfunc_end2:
_tile_overlayer_lowered:
.L_overlay_start_2:
0x311: {  	(tag) =	ssettag $0x2  }
0x312: {  	s0 =	rddreg [dreg:$0x0];
	s2 =	stileid.u32  }
0x313: {  	s1 =	rddreg [dreg:$0x1];
	p0 =	sne.s32 s2, $0x0  }
0x314: {  	s3 =	rddreg [dreg:$0x2];
	[bflag:$0x3] =	sbarrier.arrive $0xFFFF;
	s2 =	simm.s32 @!p0 $0x1C07  }
0x315: {  	[timem:s3], [sflag:s2] =	dma.local @!p0 [hbm:s0], s1  }
0x316: {  	s0 =	simm.s32 @!p0 $0x7  }
0x317: {  	_ =	swait.ge @!p0 [sflag:s0], s1  }
0x318: {  	s1 =	ssub.s32 @!p0 $0x0, s1;
	[sflag:s0] =	ssyncset.done @!p0 $0x0  }
0x319: {  	[sflag:s0] =	ssyncadd.s32 @!p0 s1  }
0x31a: {  	[bflag:$0x3] =	sbarrier.arrive $0xFFFF  }
0x31b: {  	_ =	shalt  }

</sc_bundles>
